<compile_context>
chip_gen: v7x
topology: tpu7x:2x2x1
jax: 0.10.2.dev20260603
libtpu: 0.0.44.dev20260713+nightly
codegen_flags: <defaults>
</compile_context>

<pallas_src>
import functools

import jax
import jax.numpy as jnp
from jax import lax
from jax.experimental import pallas as pl
from jax.experimental.pallas import tpu as pltpu
from jax.experimental.pallas import tpu_sc as plsc

_N = 10000
_E = 320000
_H = 128
_P = 8
_B = 32

_TE = 16384
_ER = _E // 128
_GE = -(-_ER // (_TE // 128))
_TN = 2048
_NW = 32
_EW = _E // _NW
_L = 16
_NPAD = 10240
_RD = _NPAD // 128
_GN = _NPAD // _TN


def _edge_body(ebi_ref, ea_ref, inst_ref, we_ref, wrs_ref, out_ref):
    ebi_row = ebi_ref[...].reshape(1, _TE)
    iota_b = lax.broadcasted_iota(jnp.int32, (_B, 1), 0)
    ohT = (ebi_row == iota_b).astype(jnp.float32)
    instg = lax.dot_general(ohT, inst_ref[...], (((0,), (0,)), ((), ())),
                            preferred_element_type=jnp.float32)
    y = jnp.dot(instg * ea_ref[...], we_ref[...],
                preferred_element_type=jnp.float32)
    y = jnp.where(y > 0, y, jnp.exp(y) - 1.0)
    s = jnp.dot(y, wrs_ref[...], preferred_element_type=jnp.float32)
    out_ref[...] = s.reshape(_TE // 128, 128)


def _node_body(seg_ref, na_ref, inst_ref, ps_ref, wnp_ref, wns_ref, out_ref):
    seg_row = seg_ref[...].reshape(1, _TN)
    iota_b = lax.broadcasted_iota(jnp.int32, (_B, 1), 0)
    ohT = (seg_row == iota_b).astype(jnp.float32)
    acc = jnp.zeros((_TN, _H), jnp.float32)
    for p in range(_P):
        ohpT = ohT * ps_ref[:, p:p + 1]
        g = lax.dot_general(ohpT, inst_ref[...], (((0,), (0,)), ((), ())),
                            preferred_element_type=jnp.float32)
        acc = acc + jnp.dot(g * na_ref[:, p, :], wnp_ref[p],
                            preferred_element_type=jnp.float32)
    y = jnp.where(acc > 0, acc, jnp.exp(acc) - 1.0)
    s = jnp.dot(y, wns_ref[...], preferred_element_type=jnp.float32)
    out_ref[...] = s.reshape(_TN // 128, 128)


def _combine_body(parts_ref, xs_ref, seg_ref, rs_ref, out_ref):
    xr = jnp.sum(parts_ref[...], axis=0)
    xs = xs_ref[...]
    seg = seg_ref[...]
    neg = jnp.float32(-1e30)
    mr_sel = jnp.zeros_like(xr)
    ms_sel = jnp.zeros_like(xs)
    for b in range(_B):
        m = seg == b
        mr = jnp.max(jnp.where(m, xr, neg))
        ms = jnp.max(jnp.where(m, xs, neg))
        mr = jnp.where(mr > jnp.float32(-5e29), mr, 0.0)
        ms = jnp.where(ms > jnp.float32(-5e29), ms, 0.0)
        mr_sel = mr_sel + jnp.where(m, mr, 0.0)
        ms_sel = ms_sel + jnp.where(m, ms, 0.0)
    er = jnp.exp(xr - mr_sel)
    es = jnp.exp(xs - ms_sel)
    sr_sel = jnp.ones_like(xr)
    ss_sel = jnp.ones_like(xs)
    rs_sel = jnp.zeros_like(xr)
    for b in range(_B):
        m = seg == b
        sr = jnp.sum(jnp.where(m, er, 0.0))
        ss = jnp.sum(jnp.where(m, es, 0.0))
        sr_sel = jnp.where(m, sr, sr_sel)
        ss_sel = jnp.where(m, ss, ss_sel)
        rs_sel = rs_sel + jnp.where(m, rs_ref[0, b], 0.0)
    out_ref[...] = rs_sel * (er / sr_sel) + (1.0 - rs_sel) * (es / ss_sel)


def _sc_scatter_body(src_hbm, dst_hbm, s_hbm, dist_hbm, out_hbm,
                     src_v, dst_v, s_v, dist_v, acc_v, kbuf, cbuf):
    wid = lax.axis_index("s") * 2 + lax.axis_index("c")
    base = wid * _EW
    pltpu.sync_copy(src_hbm.at[pl.ds(base, _EW)], src_v)
    pltpu.sync_copy(dst_hbm.at[pl.ds(base, _EW)], dst_v)
    pltpu.sync_copy(s_hbm.at[pl.ds(base, _EW)], s_v)
    pltpu.sync_copy(dist_hbm, dist_v)

    def zero_body(i, carry):
        acc_v[pl.ds(i * _L, _L)] = jnp.zeros((_L,), jnp.float32)
        return carry

    lax.fori_loop(0, _NPAD // _L, zero_body, 0)

    lane = lax.iota(jnp.int32, _L)

    def edge_body(i, carry):
        b = i * _L
        sv = s_v[pl.ds(b, _L)]
        srcv = src_v[pl.ds(b, _L)]
        dstv = dst_v[pl.ds(b, _L)]
        dv = plsc.load_gather(dist_v, [srcv])
        val = sv * dv
        k, v = plsc.sort_key_val(dstv, val)
        c = plsc.cumsum(v)
        kbuf[pl.ds(8, _L)] = k
        cbuf[...] = c
        kprev = kbuf[pl.ds(7, _L)]
        knext = kbuf[pl.ds(9, _L)]
        first = k != kprev
        last = (k != knext) | (lane == _L - 1)
        start = plsc.cummax(jnp.where(first, lane, 0))
        g = plsc.load_gather(cbuf, [jnp.maximum(start - 1, 0)])
        run_sum = c - jnp.where(start == 0, jnp.float32(0.0), g)
        plsc.addupdate_scatter(acc_v, [k], run_sum, mask=last)
        return carry

    lax.fori_loop(0, _EW // _L, edge_body, 0)
    pltpu.sync_copy(acc_v, out_hbm.at[wid])


@functools.lru_cache(maxsize=1)
def _make_sc_scatter():
    return pl.kernel(
        _sc_scatter_body,
        out_type=jax.ShapeDtypeStruct((_NW, _NPAD), jnp.float32),
        mesh=plsc.VectorSubcoreMesh(core_axis_name="c", subcore_axis_name="s"),
        compiler_params=pltpu.CompilerParams(needs_layout_passes=False),
        scratch_types=[
            pltpu.VMEM((_EW,), jnp.int32),
            pltpu.VMEM((_EW,), jnp.int32),
            pltpu.VMEM((_EW,), jnp.float32),
            pltpu.VMEM((_NPAD,), jnp.float32),
            pltpu.VMEM((_NPAD,), jnp.float32),
            pltpu.VMEM((32,), jnp.int32),
            pltpu.VMEM((_L,), jnp.float32),
        ],
    )


def kernel(node_attrs, edge_indices, edge_attrs, node_indices, edge_batch_indices,
           instruction_batch, distribution, node_prop_similarities, relation_similarity,
           weight_node_properties, weight_edge, weight_node_score, weight_relation_score):
    s2d = pl.pallas_call(
        _edge_body,
        grid=(_GE,),
        in_specs=[
            pl.BlockSpec((_TE // 128, 128), lambda i: (i, 0)),
            pl.BlockSpec((_TE, _H), lambda i: (i, 0)),
            pl.BlockSpec((_B, _H), lambda i: (0, 0)),
            pl.BlockSpec((_H, _H), lambda i: (0, 0)),
            pl.BlockSpec((_H, 1), lambda i: (0, 0)),
        ],
        out_specs=pl.BlockSpec((_TE // 128, 128), lambda i: (i, 0)),
        out_shape=jax.ShapeDtypeStruct((_ER, 128), jnp.float32),
    )(edge_batch_indices.reshape(_ER, 128), edge_attrs, instruction_batch,
      weight_edge, weight_relation_score.reshape(_H, 1))

    dist_pad = jnp.pad(distribution, (0, _NPAD - _N))
    parts = _make_sc_scatter()(edge_indices[0], edge_indices[1],
                               s2d.reshape(_E), dist_pad)

    seg2d = jnp.pad(node_indices, (0, _NPAD - _N),
                    constant_values=-1).reshape(_RD, 128)
    xs2d = pl.pallas_call(
        _node_body,
        grid=(_GN,),
        in_specs=[
            pl.BlockSpec((_TN // 128, 128), lambda i: (i, 0)),
            pl.BlockSpec((_TN, _P, _H), lambda i: (i, 0, 0)),
            pl.BlockSpec((_B, _H), lambda i: (0, 0)),
            pl.BlockSpec((_B, _P), lambda i: (0, 0)),
            pl.BlockSpec((_P, _H, _H), lambda i: (0, 0, 0)),
            pl.BlockSpec((_H, 1), lambda i: (0, 0)),
        ],
        out_specs=pl.BlockSpec((_TN // 128, 128), lambda i: (i, 0)),
        out_shape=jax.ShapeDtypeStruct((_RD, 128), jnp.float32),
    )(seg2d, node_attrs, instruction_batch, node_prop_similarities,
      weight_node_properties, weight_node_score.reshape(_H, 1))

    out2 = pl.pallas_call(
        _combine_body,
        out_shape=jax.ShapeDtypeStruct((_RD, 128), jnp.float32),
    )(parts.reshape(_NW, _RD, 128), xs2d, seg2d,
      relation_similarity.reshape(1, _B))
    return out2.reshape(_NPAD)[:_N]

# --- scband reference (transcript-rebuilt; emitter-appended) ---
"""Pipeline reference for scband-nsmcell-28424093565197 (READ-ONLY COPY).

The authoritative reference and input builder live on the scoring server;
editing this copy changes nothing except your own understanding.
"""

import jax, jax.numpy as jnp
import numpy as np

N = 10000
E = 320000
H = 128
P = 8
B = 32


def scatter_softmax(x, seg, num_segments):
    m = jax.ops.segment_max(x, seg, num_segments=num_segments)
    m = jnp.where(jnp.isfinite(m), m, 0.0)
    e = jnp.exp(x - m[seg])
    s = jax.ops.segment_sum(e, seg, num_segments=num_segments)
    return e / s[seg]


def setup_inputs(seed: int = 0):
    key = jax.random.key(seed)
    ks = jax.random.split(key, 13)
    node_attrs = jax.random.normal(ks[0], (N, P, H), dtype=jnp.float32)
    edge_indices = jax.random.randint(ks[1], (2, E), 0, N, dtype=jnp.int32)
    edge_attrs = jax.random.normal(ks[2], (E, H), dtype=jnp.float32)
    node_indices = jnp.sort(jax.random.randint(ks[3], (N,), 0, B, dtype=jnp.int32))
    edge_batch_indices = jax.random.randint(ks[4], (E,), 0, B, dtype=jnp.int32)
    instruction_batch = jax.random.normal(ks[5], (B, H), dtype=jnp.float32)
    distribution = jax.random.uniform(ks[6], (N,), dtype=jnp.float32)
    node_prop_similarities = jax.random.uniform(ks[7], (B, P), dtype=jnp.float32)
    relation_similarity = jax.random.uniform(ks[8], (B,), dtype=jnp.float32)
    weight_node_properties = jax.random.uniform(ks[9], (P, H, H), dtype=jnp.float32)
    weight_edge = jax.random.uniform(ks[10], (H, H), dtype=jnp.float32)
    weight_node_score = jax.random.uniform(ks[11], (H,), dtype=jnp.float32)
    weight_relation_score = jax.random.uniform(ks[12], (H,), dtype=jnp.float32)
    return {
        'node_attrs': node_attrs,
        'edge_indices': edge_indices,
        'edge_attrs': edge_attrs,
        'node_indices': node_indices,
        'edge_batch_indices': edge_batch_indices,
        'instruction_batch': instruction_batch,
        'distribution': distribution,
        'node_prop_similarities': node_prop_similarities,
        'relation_similarity': relation_similarity,
        'weight_node_properties': weight_node_properties,
        'weight_edge': weight_edge,
        'weight_node_score': weight_node_score,
        'weight_relation_score': weight_relation_score,
    }


def reference(node_attrs, edge_indices, edge_attrs, node_indices, edge_batch_indices,
              instruction_batch, distribution, node_prop_similarities, relation_similarity,
              weight_node_properties, weight_edge, weight_node_score, weight_relation_score):
    # node_scores: elu(sum_p [(prop_sim.T[:, node_idx, None] * inst[node_idx] * node_attrs^T) @ W_p])
    prop = node_prop_similarities.T[:, node_indices, None] * instruction_batch[node_indices] * jnp.transpose(node_attrs, (1, 0, 2))  # P x N x H
    node_scores = jax.nn.elu(jnp.einsum('pnh,phk->nk', prop, weight_node_properties))  # N x H
    # edge_scores: elu((inst[edge_batch_idx] * edge_attrs) @ W_edge)
    edge_scores = jax.nn.elu((instruction_batch[edge_batch_indices] * edge_attrs) @ weight_edge)  # E x H
    # per-graph softmax over node state scores
    next_distribution_states = scatter_softmax(node_scores @ weight_node_score, node_indices, B)  # N
    # message passing: scatter-add over dst nodes, then per-graph softmax
    msg = jax.ops.segment_sum(distribution[edge_indices[0]][:, None] * edge_scores, edge_indices[1], num_segments=N)  # N x H
    next_distribution_relations = scatter_softmax(msg @ weight_relation_score, node_indices, B)  # N
    rs = relation_similarity[node_indices]
    return rs * next_distribution_relations + (1.0 - rs) * next_distribution_states

if __name__ == "__main__":
    import jax
    _d = setup_inputs()
    print(jax.jit(kernel)(*tuple(_d.values())))

</pallas_src>

<mosaic_0001>
#map = affine_map<(d0, d1) -> (0)>
#map1 = affine_map<(d0, d1) -> (0, 0)>
module attributes {stable_mosaic.version = 14 : i64} {
  func.func @_sc_scatter_body(%arg0: i32, %arg1: i32, %arg2: memref<320000xi32, #tpu.memory_space<hbm>>, %arg3: memref<320000xi32, #tpu.memory_space<hbm>>, %arg4: memref<320000xf32, #tpu.memory_space<hbm>>, %arg5: memref<10240xf32, #tpu.memory_space<hbm>>, %arg6: memref<32x10240xf32, #tpu.memory_space<hbm>>, %arg7: memref<10000xi32, #tpu.memory_space<vmem>>, %arg8: memref<10000xi32, #tpu.memory_space<vmem>>, %arg9: memref<10000xf32, #tpu.memory_space<vmem>>, %arg10: memref<10240xf32, #tpu.memory_space<vmem>>, %arg11: memref<10240xf32, #tpu.memory_space<vmem>>, %arg12: memref<32xi32, #tpu.memory_space<vmem>>, %arg13: memref<16xf32, #tpu.memory_space<vmem>>) attributes {dimension_semantics = [#tpu.dimension_semantics<core_parallel>, #tpu.dimension_semantics<subcore_parallel>], iteration_bounds = array<i64: 2, 16>, scalar_prefetch = 0 : i64, scratch_operands = 7 : i64, tpu.core_type = #tpu.core_type<sc_vector_subcore>, window_params = [{transform_indices = #map}, {transform_indices = #map}, {transform_indices = #map}, {transform_indices = #map}, {transform_indices = #map1}]} {
    %mul3A = arith.constant 2 : i32
    %mul3A_0 = arith.muli %arg1, %mul3A : i32
    %add3A = arith.addi %mul3A_0, %arg0 : i32
    %mul3A_1 = arith.constant 10000 : i32
    %mul3A_2 = arith.muli %add3A, %mul3A_1 : i32
    "tpu.region"() ({
      %run_scoped3A = tpu.sem_alloc : memref<!tpu.dma_semaphore, #tpu.memory_space<semaphore_mem>>
      %dma_start3A = tpu.memref_slice %arg2[%mul3A_2] : memref<320000xi32, #tpu.memory_space<hbm>> -> memref<10000xi32, #tpu.memory_space<hbm>>
      %dma_start3A_14 = tpu.memref_slice %arg2[%mul3A_2] : memref<320000xi32, #tpu.memory_space<hbm>> -> memref<10000xi32, #tpu.memory_space<hbm>>
      tpu.enqueue_dma source(%dma_start3A_14 : memref<10000xi32, #tpu.memory_space<hbm>>) target(%arg7 : memref<10000xi32, #tpu.memory_space<vmem>>) target_semaphore(%run_scoped3A : memref<!tpu.dma_semaphore, #tpu.memory_space<semaphore_mem>>)
      %dma_wait3A = tpu.memref_slice %arg2[%mul3A_2] : memref<320000xi32, #tpu.memory_space<hbm>> -> memref<10000xi32, #tpu.memory_space<hbm>>
      %dma_wait3A_15 = tpu.memref_slice %arg2[%mul3A_2] : memref<320000xi32, #tpu.memory_space<hbm>> -> memref<10000xi32, #tpu.memory_space<hbm>>
      tpu.wait_dma2 semaphore(%run_scoped3A : memref<!tpu.dma_semaphore, #tpu.memory_space<semaphore_mem>>) src(%dma_wait3A_15 : memref<10000xi32, #tpu.memory_space<hbm>>) dst(%arg7 : memref<10000xi32, #tpu.memory_space<vmem>>)
      tpu.yield
    }) : () -> ()
    "tpu.region"() ({
      %run_scoped3A = tpu.sem_alloc : memref<!tpu.dma_semaphore, #tpu.memory_space<semaphore_mem>>
      %dma_start3A = tpu.memref_slice %arg3[%mul3A_2] : memref<320000xi32, #tpu.memory_space<hbm>> -> memref<10000xi32, #tpu.memory_space<hbm>>
      %dma_start3A_14 = tpu.memref_slice %arg3[%mul3A_2] : memref<320000xi32, #tpu.memory_space<hbm>> -> memref<10000xi32, #tpu.memory_space<hbm>>
      tpu.enqueue_dma source(%dma_start3A_14 : memref<10000xi32, #tpu.memory_space<hbm>>) target(%arg8 : memref<10000xi32, #tpu.memory_space<vmem>>) target_semaphore(%run_scoped3A : memref<!tpu.dma_semaphore, #tpu.memory_space<semaphore_mem>>)
      %dma_wait3A = tpu.memref_slice %arg3[%mul3A_2] : memref<320000xi32, #tpu.memory_space<hbm>> -> memref<10000xi32, #tpu.memory_space<hbm>>
      %dma_wait3A_15 = tpu.memref_slice %arg3[%mul3A_2] : memref<320000xi32, #tpu.memory_space<hbm>> -> memref<10000xi32, #tpu.memory_space<hbm>>
      tpu.wait_dma2 semaphore(%run_scoped3A : memref<!tpu.dma_semaphore, #tpu.memory_space<semaphore_mem>>) src(%dma_wait3A_15 : memref<10000xi32, #tpu.memory_space<hbm>>) dst(%arg8 : memref<10000xi32, #tpu.memory_space<vmem>>)
      tpu.yield
    }) : () -> ()
    "tpu.region"() ({
      %run_scoped3A = tpu.sem_alloc : memref<!tpu.dma_semaphore, #tpu.memory_space<semaphore_mem>>
      %dma_start3A = tpu.memref_slice %arg4[%mul3A_2] : memref<320000xf32, #tpu.memory_space<hbm>> -> memref<10000xf32, #tpu.memory_space<hbm>>
      %dma_start3A_14 = tpu.memref_slice %arg4[%mul3A_2] : memref<320000xf32, #tpu.memory_space<hbm>> -> memref<10000xf32, #tpu.memory_space<hbm>>
      tpu.enqueue_dma source(%dma_start3A_14 : memref<10000xf32, #tpu.memory_space<hbm>>) target(%arg9 : memref<10000xf32, #tpu.memory_space<vmem>>) target_semaphore(%run_scoped3A : memref<!tpu.dma_semaphore, #tpu.memory_space<semaphore_mem>>)
      %dma_wait3A = tpu.memref_slice %arg4[%mul3A_2] : memref<320000xf32, #tpu.memory_space<hbm>> -> memref<10000xf32, #tpu.memory_space<hbm>>
      %dma_wait3A_15 = tpu.memref_slice %arg4[%mul3A_2] : memref<320000xf32, #tpu.memory_space<hbm>> -> memref<10000xf32, #tpu.memory_space<hbm>>
      tpu.wait_dma2 semaphore(%run_scoped3A : memref<!tpu.dma_semaphore, #tpu.memory_space<semaphore_mem>>) src(%dma_wait3A_15 : memref<10000xf32, #tpu.memory_space<hbm>>) dst(%arg9 : memref<10000xf32, #tpu.memory_space<vmem>>)
      tpu.yield
    }) : () -> ()
    "tpu.region"() ({
      %run_scoped3A = tpu.sem_alloc : memref<!tpu.dma_semaphore, #tpu.memory_space<semaphore_mem>>
      tpu.enqueue_dma source(%arg5 : memref<10240xf32, #tpu.memory_space<hbm>>) target(%arg10 : memref<10240xf32, #tpu.memory_space<vmem>>) target_semaphore(%run_scoped3A : memref<!tpu.dma_semaphore, #tpu.memory_space<semaphore_mem>>)
      tpu.wait_dma2 semaphore(%run_scoped3A : memref<!tpu.dma_semaphore, #tpu.memory_space<semaphore_mem>>) src(%arg5 : memref<10240xf32, #tpu.memory_space<hbm>>) dst(%arg10 : memref<10240xf32, #tpu.memory_space<vmem>>)
      tpu.yield
    }) : () -> ()
    %scan3A = arith.constant 0 : i32
    %scan3A_3 = arith.constant 0 : i32
    %scan3A_4 = arith.constant 640 : i32
    %scan3A_5 = arith.addi %scan3A_3, %scan3A_4 : i32
    %scan3A_6 = arith.constant 1 : i32
    scf.for %scan3A_14 = %scan3A_3 to %scan3A_5 step %scan3A_6  : i32 {
      %broadcast_in_dim3A = arith.constant 0.000000e+00 : f32
      %broadcast_in_dim3A_15 = vector.broadcast %broadcast_in_dim3A : f32 to vector<16xf32>
      %mul3A_16 = arith.constant 16 : i32
      %mul3A_17 = arith.muli %scan3A_14, %mul3A_16 : i32
      %swap3A = arith.index_cast %mul3A_17 : i32 to index
      %swap3A_18 = tpu.vector_load %arg11[%swap3A] {strides = array<i32>} : memref<10240xf32, #tpu.memory_space<vmem>>, vector<16xf32>,
      tpu.vector_store %arg11[%swap3A], %broadcast_in_dim3A_15 {strides = array<i32>} : memref<10240xf32, #tpu.memory_space<vmem>>, vector<16xf32>,
    }
    %scan3A_7 = arith.constant 640 : i32
    %iota3A = tpu.iota {dimensions = array<i32: 0>} : vector<16xi32>
    %scan3A_8 = arith.constant 0 : i32
    %scan3A_9 = arith.constant 0 : i32
    %scan3A_10 = arith.constant 625 : i32
    %scan3A_11 = arith.addi %scan3A_9, %scan3A_10 : i32
    %scan3A_12 = arith.constant 1 : i32
    scf.for %scan3A_14 = %scan3A_9 to %scan3A_11 step %scan3A_12  : i32 {
      %mul3A_15 = arith.constant 16 : i32
      %mul3A_16 = arith.muli %scan3A_14, %mul3A_15 : i32
      %get3A = arith.index_cast %mul3A_16 : i32 to index
      %get3A_17 = tpu.vector_load %arg9[%get3A] {strides = array<i32>} : memref<10000xf32, #tpu.memory_space<vmem>>, vector<16xf32>,
      %get3A_18 = arith.index_cast %mul3A_16 : i32 to index
      %get3A_19 = tpu.vector_load %arg7[%get3A_18] {strides = array<i32>} : memref<10000xi32, #tpu.memory_space<vmem>>, vector<16xi32>,
      %get3A_20 = arith.index_cast %mul3A_16 : i32 to index
      %get3A_21 = tpu.vector_load %arg8[%get3A_20] {strides = array<i32>} : memref<10000xi32, #tpu.memory_space<vmem>>, vector<16xi32>,
      %gather3A = tpu.vector_load_idx %arg10[%get3A_19] : memref<10240xf32, #tpu.memory_space<vmem>>[vector<16xi32>], vector<16xf32>,
      %mul3A_22 = arith.mulf %get3A_17, %gather3A : vector<16xf32>
      %masked_sort3A = arith.constant dense<true> : vector<16xi1>
      %masked_sort3A_23 = arith.constant -2147483648 : i32
      %masked_sort3A_24 = vector.broadcast %masked_sort3A_23 : i32 to vector<16xi32>
      %masked_sort3A_25 = arith.xori %get3A_21, %masked_sort3A_24 : vector<16xi32>
      %masked_sort3A_26, %masked_sort3A_27, %masked_sort3A_28 = tpu.sort %masked_sort3A_25, %mul3A_22 masked %masked_sort3A : (vector<16xi32>, vector<16xf32>, vector<16xi1>) -> (vector<16xi1>, vector<16xi32>, vector<16xf32>)
      %masked_sort3A_29 = arith.xori %masked_sort3A_27, %masked_sort3A_24 : vector<16xi32>
      %broadcast_in_dim3A = arith.constant true
      %broadcast_in_dim3A_30 = vector.broadcast %broadcast_in_dim3A : i1 to vector<16xi1>
      %masked_cumsum3A = tpu.scan <sum>, %masked_sort3A_28 masked %broadcast_in_dim3A_30 : vector<16xf32>, vector<16xi1> -> vector<16xf32>
      %swap3A = arith.constant 8 : index
      %swap3A_31 = tpu.vector_load %arg12[%swap3A] {strides = array<i32>} : memref<32xi32, #tpu.memory_space<vmem>>, vector<16xi32>,
      tpu.vector_store %arg12[%swap3A], %masked_sort3A_29 {strides = array<i32>} : memref<32xi32, #tpu.memory_space<vmem>>, vector<16xi32>,
      %swap3A_32 = arith.constant 0 : index
      %swap3A_33 = tpu.vector_load %arg13[%swap3A_32] {strides = array<i32>} : memref<16xf32, #tpu.memory_space<vmem>>, vector<16xf32>,
      tpu.vector_store %arg13[%swap3A_32], %masked_cumsum3A {strides = array<i32>} : memref<16xf32, #tpu.memory_space<vmem>>, vector<16xf32>,
      %get3A_34 = arith.constant 7 : index
      %get3A_35 = tpu.vector_load %arg12[%get3A_34] {strides = array<i32>} : memref<32xi32, #tpu.memory_space<vmem>>, vector<16xi32>,
      %get3A_36 = arith.constant 9 : index
      %get3A_37 = tpu.vector_load %arg12[%get3A_36] {strides = array<i32>} : memref<32xi32, #tpu.memory_space<vmem>>, vector<16xi32>,
      %ne3A = arith.cmpi ne, %masked_sort3A_29, %get3A_35 : vector<16xi32>
      %ne3A_38 = arith.cmpi ne, %masked_sort3A_29, %get3A_37 : vector<16xi32>
      %eq3A = arith.constant 15 : i32
      %eq3A_39 = vector.broadcast %eq3A : i32 to vector<16xi32>
      %eq3A_40 = arith.cmpi eq, %iota3A, %eq3A_39 : vector<16xi32>
      %or3A = arith.ori %ne3A_38, %eq3A_40 : vector<16xi1>
      %jit3A = arith.constant 0 : i32
      %broadcast_in_dim3A_41 = vector.broadcast %jit3A : i32 to vector<16xi32>
      %select_n3A = arith.select %ne3A, %iota3A, %broadcast_in_dim3A_41 : vector<16xi1>, vector<16xi32>
      %broadcast_in_dim3A_42 = arith.constant true
      %broadcast_in_dim3A_43 = vector.broadcast %broadcast_in_dim3A_42 : i1 to vector<16xi1>
      %masked_cummax3A = arith.constant -2147483648 : i32
      %masked_cummax3A_44 = vector.broadcast %masked_cummax3A : i32 to vector<16xi32>
      %masked_cummax3A_45 = arith.xori %select_n3A, %masked_cummax3A_44 : vector<16xi32>
      %masked_cummax3A_46 = tpu.scan <max>, %masked_cummax3A_45 masked %broadcast_in_dim3A_43 : vector<16xi32>, vector<16xi1> -> vector<16xi32>
      %masked_cummax3A_47 = arith.xori %masked_cummax3A_46, %masked_cummax3A_44 : vector<16xi32>
      %sub3A = arith.constant 1 : i32
      %sub3A_48 = vector.broadcast %sub3A : i32 to vector<16xi32>
      %sub3A_49 = arith.subi %masked_cummax3A_47, %sub3A_48 : vector<16xi32>
      %max3A = arith.constant 0 : i32
      %max3A_50 = vector.broadcast %max3A : i32 to vector<16xi32>
      %max3A_51 = arith.maxsi %sub3A_49, %max3A_50 : vector<16xi32>
      %gather3A_52 = tpu.vector_load_idx %arg13[%max3A_51] : memref<16xf32, #tpu.memory_space<vmem>>[vector<16xi32>], vector<16xf32>,
      %eq3A_53 = arith.constant 0 : i32
      %eq3A_54 = vector.broadcast %eq3A_53 : i32 to vector<16xi32>
      %eq3A_55 = arith.cmpi eq, %masked_cummax3A_47, %eq3A_54 : vector<16xi32>
      %jit3A_56 = arith.constant 0.000000e+00 : f32
      %broadcast_in_dim3A_57 = vector.broadcast %jit3A_56 : f32 to vector<16xf32>
      %select_n3A_58 = arith.select %eq3A_55, %broadcast_in_dim3A_57, %gather3A_52 : vector<16xi1>, vector<16xf32>
      %sub3A_59 = arith.subf %masked_cumsum3A, %select_n3A_58 : vector<16xf32>
      tpu.vector_store_idx %arg11[%masked_sort3A_29], %sub3A_59 masked %or3A {add = true} : memref<10240xf32, #tpu.memory_space<vmem>>[vector<16xi32>], vector<16xf32>, vector<16xi1>
    }
    %scan3A_13 = arith.constant 625 : i32
    "tpu.region"() ({
      %run_scoped3A = tpu.sem_alloc : memref<!tpu.dma_semaphore, #tpu.memory_space<semaphore_mem>>
      %dma_start3A = arith.constant 0 : i32
      %dma_start3A_14 = tpu.memref_slice %arg6[%add3A, %dma_start3A] : memref<32x10240xf32, #tpu.memory_space<hbm>> -> memref<1x10240xf32, #tpu.memory_space<hbm>>
      %dma_start3A_15 = tpu.memref_squeeze %dma_start3A_14 : memref<1x10240xf32, #tpu.memory_space<hbm>> -> memref<10240xf32, #tpu.memory_space<hbm>>
      %dma_start3A_16 = arith.constant 0 : i32
      %dma_start3A_17 = tpu.memref_slice %arg6[%add3A, %dma_start3A_16] : memref<32x10240xf32, #tpu.memory_space<hbm>> -> memref<1x10240xf32, #tpu.memory_space<hbm>>
      %dma_start3A_18 = tpu.memref_squeeze %dma_start3A_17 : memref<1x10240xf32, #tpu.memory_space<hbm>> -> memref<10240xf32, #tpu.memory_space<hbm>>
      tpu.enqueue_dma source(%arg11 : memref<10240xf32, #tpu.memory_space<vmem>>) target(%dma_start3A_18 : memref<10240xf32, #tpu.memory_space<hbm>>) target_semaphore(%run_scoped3A : memref<!tpu.dma_semaphore, #tpu.memory_space<semaphore_mem>>)
      %dma_wait3A = arith.constant 0 : i32
      %dma_wait3A_19 = tpu.memref_slice %arg6[%add3A, %dma_wait3A] : memref<32x10240xf32, #tpu.memory_space<hbm>> -> memref<1x10240xf32, #tpu.memory_space<hbm>>
      %dma_wait3A_20 = tpu.memref_squeeze %dma_wait3A_19 : memref<1x10240xf32, #tpu.memory_space<hbm>> -> memref<10240xf32, #tpu.memory_space<hbm>>
      %dma_wait3A_21 = arith.constant 0 : i32
      %dma_wait3A_22 = tpu.memref_slice %arg6[%add3A, %dma_wait3A_21] : memref<32x10240xf32, #tpu.memory_space<hbm>> -> memref<1x10240xf32, #tpu.memory_space<hbm>>
      %dma_wait3A_23 = tpu.memref_squeeze %dma_wait3A_22 : memref<1x10240xf32, #tpu.memory_space<hbm>> -> memref<10240xf32, #tpu.memory_space<hbm>>
      tpu.wait_dma2 semaphore(%run_scoped3A : memref<!tpu.dma_semaphore, #tpu.memory_space<semaphore_mem>>) src(%arg11 : memref<10240xf32, #tpu.memory_space<vmem>>) dst(%dma_wait3A_23 : memref<10240xf32, #tpu.memory_space<hbm>>)
      tpu.yield
    }) : () -> ()
    return
  }
}

module attributes {stable_mosaic.version = 14 : i64} {
  func.func @_node_body(%arg0: i32, %arg1: memref<16x128xi32, #tpu.memory_space<vmem>>, %arg2: memref<2048x8x128xf32, #tpu.memory_space<vmem>>, %arg3: memref<32x128xf32, #tpu.memory_space<vmem>>, %arg4: memref<32x8xf32, #tpu.memory_space<vmem>>, %arg5: memref<8x128x128xf32, #tpu.memory_space<vmem>>, %arg6: memref<128x1xf32, #tpu.memory_space<vmem>>, %arg7: memref<16x128xf32, #tpu.memory_space<vmem>>) attributes {dimension_semantics = [#tpu.dimension_semantics<arbitrary>], iteration_bounds = array<i64: 5>, scalar_prefetch = 0 : i64, scratch_operands = 0 : i64, tpu.core_type = #tpu.core_type<tc>, window_params = [{transform_indices = @transform_0, window_bounds = array<i64: 16, 128>}, {transform_indices = @transform_1, window_bounds = array<i64: 2048, 8, 128>}, {pipeline_mode = #tpu.pipeline_mode<synchronous>, transform_indices = @transform_2, window_bounds = array<i64: 32, 128>}, {pipeline_mode = #tpu.pipeline_mode<synchronous>, transform_indices = @transform_3, window_bounds = array<i64: 32, 8>}, {pipeline_mode = #tpu.pipeline_mode<synchronous>, transform_indices = @transform_4, window_bounds = array<i64: 8, 128, 128>}, {pipeline_mode = #tpu.pipeline_mode<synchronous>, transform_indices = @transform_5, window_bounds = array<i64: 128, 1>}, {transform_indices = @transform_6, window_bounds = array<i64: 16, 128>}]} {
    %get3A = arith.constant 0 : index
    %get3A_0 = arith.constant 0 : index
    %get3A_1 = vector.load %arg1[%get3A, %get3A_0] : memref<16x128xi32, #tpu.memory_space<vmem>>, vector<16x128xi32>
    %reshape3A = vector.shape_cast %get3A_1 : vector<16x128xi32> to vector<1x2048xi32>
    %iota3A = tpu.iota {dimensions = array<i32: 0>} : vector<32x1xi32>
    %eq3A = vector.broadcast %reshape3A : vector<1x2048xi32> to vector<32x2048xi32>
    %eq3A_2 = vector.broadcast %iota3A : vector<32x1xi32> to vector<32x2048xi32>
    %eq3A_3 = arith.cmpi eq, %eq3A, %eq3A_2 : vector<32x2048xi32>
    %convert_element_type3A = arith.extui %eq3A_3 : vector<32x2048xi1> to vector<32x2048xi32>
    %convert_element_type3A_4 = arith.sitofp %convert_element_type3A : vector<32x2048xi32> to vector<32x2048xf32>
    %broadcast_in_dim3A = arith.constant 0.000000e+00 : f32
    %broadcast_in_dim3A_5 = vector.broadcast %broadcast_in_dim3A : f32 to vector<2048x128xf32>
    %get3A_6 = arith.constant 0 : index
    %get3A_7 = arith.constant 0 : index
    %get3A_8 = vector.load %arg4[%get3A_6, %get3A_7] : memref<32x8xf32, #tpu.memory_space<vmem>>, vector<32x1xf32>
    %mul3A = vector.broadcast %get3A_8 : vector<32x1xf32> to vector<32x2048xf32>
    %mul3A_9 = arith.mulf %convert_element_type3A_4, %mul3A : vector<32x2048xf32>
    %get3A_10 = arith.constant 0 : index
    %get3A_11 = arith.constant 0 : index
    %get3A_12 = vector.load %arg3[%get3A_10, %get3A_11] : memref<32x128xf32, #tpu.memory_space<vmem>>, vector<32x128xf32>
    %dot_general3A = arith.constant dense<0.000000e+00> : vector<2048x128xf32>
    %dot_general3A_13 = tpu.matmul %mul3A_9, %get3A_12, %dot_general3A {dimension_numbers = #tpu.dot_dimension_numbers<[0], [0], [1], [1], [0, 1, 1, 1], [], []>, transpose_lhs_hint = false} : vector<32x2048xf32>, vector<32x128xf32>, vector<2048x128xf32> -> vector<2048x128xf32>
    %get3A_14 = arith.constant 0 : index
    %get3A_15 = arith.constant 0 : index
    %get3A_16 = arith.constant 0 : index
    %get3A_17 = vector.load %arg2[%get3A_14, %get3A_15, %get3A_16] : memref<2048x8x128xf32, #tpu.memory_space<vmem>>, vector<2048x1x128xf32>
    %get3A_18 = vector.shape_cast %get3A_17 : vector<2048x1x128xf32> to vector<2048x128xf32>
    %mul3A_19 = arith.mulf %dot_general3A_13, %get3A_18 : vector<2048x128xf32>
    %get3A_20 = arith.constant 0 : index
    %get3A_21 = arith.constant 0 : index
    %get3A_22 = arith.constant 0 : index
    %get3A_23 = vector.load %arg5[%get3A_20, %get3A_21, %get3A_22] : memref<8x128x128xf32, #tpu.memory_space<vmem>>, vector<1x128x128xf32>
    %get3A_24 = vector.shape_cast %get3A_23 : vector<1x128x128xf32> to vector<128x128xf32>
    %dot_general3A_25 = arith.constant dense<0.000000e+00> : vector<2048x128xf32>
    %dot_general3A_26 = tpu.matmul %mul3A_19, %get3A_24, %dot_general3A_25 {dimension_numbers = #tpu.dot_dimension_numbers<[1], [0], [0], [1], [0, 0, 1, 1], [], []>, transpose_lhs_hint = false} : vector<2048x128xf32>, vector<128x128xf32>, vector<2048x128xf32> -> vector<2048x128xf32>
    %add3A = arith.addf %broadcast_in_dim3A_5, %dot_general3A_26 : vector<2048x128xf32>
    %get3A_27 = arith.constant 0 : index
    %get3A_28 = arith.constant 1 : index
    %get3A_29 = vector.load %arg4[%get3A_27, %get3A_28] : memref<32x8xf32, #tpu.memory_space<vmem>>, vector<32x1xf32>
    %mul3A_30 = vector.broadcast %get3A_29 : vector<32x1xf32> to vector<32x2048xf32>
    %mul3A_31 = arith.mulf %convert_element_type3A_4, %mul3A_30 : vector<32x2048xf32>
    %get3A_32 = arith.constant 0 : index
    %get3A_33 = arith.constant 0 : index
    %get3A_34 = vector.load %arg3[%get3A_32, %get3A_33] : memref<32x128xf32, #tpu.memory_space<vmem>>, vector<32x128xf32>
    %dot_general3A_35 = arith.constant dense<0.000000e+00> : vector<2048x128xf32>
    %dot_general3A_36 = tpu.matmul %mul3A_31, %get3A_34, %dot_general3A_35 {dimension_numbers = #tpu.dot_dimension_numbers<[0], [0], [1], [1], [0, 1, 1, 1], [], []>, transpose_lhs_hint = false} : vector<32x2048xf32>, vector<32x128xf32>, vector<2048x128xf32> -> vector<2048x128xf32>
    %get3A_37 = arith.constant 0 : index
    %get3A_38 = arith.constant 1 : index
    %get3A_39 = arith.constant 0 : index
    %get3A_40 = vector.load %arg2[%get3A_37, %get3A_38, %get3A_39] : memref<2048x8x128xf32, #tpu.memory_space<vmem>>, vector<2048x1x128xf32>
    %get3A_41 = vector.shape_cast %get3A_40 : vector<2048x1x128xf32> to vector<2048x128xf32>
    %mul3A_42 = arith.mulf %dot_general3A_36, %get3A_41 : vector<2048x128xf32>
    %get3A_43 = arith.constant 1 : index
    %get3A_44 = arith.constant 0 : index
    %get3A_45 = arith.constant 0 : index
    %get3A_46 = vector.load %arg5[%get3A_43, %get3A_44, %get3A_45] : memref<8x128x128xf32, #tpu.memory_space<vmem>>, vector<1x128x128xf32>
    %get3A_47 = vector.shape_cast %get3A_46 : vector<1x128x128xf32> to vector<128x128xf32>
    %dot_general3A_48 = arith.constant dense<0.000000e+00> : vector<2048x128xf32>
    %dot_general3A_49 = tpu.matmul %mul3A_42, %get3A_47, %dot_general3A_48 {dimension_numbers = #tpu.dot_dimension_numbers<[1], [0], [0], [1], [0, 0, 1, 1], [], []>, transpose_lhs_hint = false} : vector<2048x128xf32>, vector<128x128xf32>, vector<2048x128xf32> -> vector<2048x128xf32>
    %add3A_50 = arith.addf %add3A, %dot_general3A_49 : vector<2048x128xf32>
    %get3A_51 = arith.constant 0 : index
    %get3A_52 = arith.constant 2 : index
    %get3A_53 = vector.load %arg4[%get3A_51, %get3A_52] : memref<32x8xf32, #tpu.memory_space<vmem>>, vector<32x1xf32>
    %mul3A_54 = vector.broadcast %get3A_53 : vector<32x1xf32> to vector<32x2048xf32>
    %mul3A_55 = arith.mulf %convert_element_type3A_4, %mul3A_54 : vector<32x2048xf32>
    %get3A_56 = arith.constant 0 : index
    %get3A_57 = arith.constant 0 : index
    %get3A_58 = vector.load %arg3[%get3A_56, %get3A_57] : memref<32x128xf32, #tpu.memory_space<vmem>>, vector<32x128xf32>
    %dot_general3A_59 = arith.constant dense<0.000000e+00> : vector<2048x128xf32>
    %dot_general3A_60 = tpu.matmul %mul3A_55, %get3A_58, %dot_general3A_59 {dimension_numbers = #tpu.dot_dimension_numbers<[0], [0], [1], [1], [0, 1, 1, 1], [], []>, transpose_lhs_hint = false} : vector<32x2048xf32>, vector<32x128xf32>, vector<2048x128xf32> -> vector<2048x128xf32>
    %get3A_61 = arith.constant 0 : index
    %get3A_62 = arith.constant 2 : index
    %get3A_63 = arith.constant 0 : index
    %get3A_64 = vector.load %arg2[%get3A_61, %get3A_62, %get3A_63] : memref<2048x8x128xf32, #tpu.memory_space<vmem>>, vector<2048x1x128xf32>
    %get3A_65 = vector.shape_cast %get3A_64 : vector<2048x1x128xf32> to vector<2048x128xf32>
    %mul3A_66 = arith.mulf %dot_general3A_60, %get3A_65 : vector<2048x128xf32>
    %get3A_67 = arith.constant 2 : index
    %get3A_68 = arith.constant 0 : index
    %get3A_69 = arith.constant 0 : index
    %get3A_70 = vector.load %arg5[%get3A_67, %get3A_68, %get3A_69] : memref<8x128x128xf32, #tpu.memory_space<vmem>>, vector<1x128x128xf32>
    %get3A_71 = vector.shape_cast %get3A_70 : vector<1x128x128xf32> to vector<128x128xf32>
    %dot_general3A_72 = arith.constant dense<0.000000e+00> : vector<2048x128xf32>
    %dot_general3A_73 = tpu.matmul %mul3A_66, %get3A_71, %dot_general3A_72 {dimension_numbers = #tpu.dot_dimension_numbers<[1], [0], [0], [1], [0, 0, 1, 1], [], []>, transpose_lhs_hint = false} : vector<2048x128xf32>, vector<128x128xf32>, vector<2048x128xf32> -> vector<2048x128xf32>
    %add3A_74 = arith.addf %add3A_50, %dot_general3A_73 : vector<2048x128xf32>
    %get3A_75 = arith.constant 0 : index
    %get3A_76 = arith.constant 3 : index
    %get3A_77 = vector.load %arg4[%get3A_75, %get3A_76] : memref<32x8xf32, #tpu.memory_space<vmem>>, vector<32x1xf32>
    %mul3A_78 = vector.broadcast %get3A_77 : vector<32x1xf32> to vector<32x2048xf32>
    %mul3A_79 = arith.mulf %convert_element_type3A_4, %mul3A_78 : vector<32x2048xf32>
    %get3A_80 = arith.constant 0 : index
    %get3A_81 = arith.constant 0 : index
    %get3A_82 = vector.load %arg3[%get3A_80, %get3A_81] : memref<32x128xf32, #tpu.memory_space<vmem>>, vector<32x128xf32>
    %dot_general3A_83 = arith.constant dense<0.000000e+00> : vector<2048x128xf32>
    %dot_general3A_84 = tpu.matmul %mul3A_79, %get3A_82, %dot_general3A_83 {dimension_numbers = #tpu.dot_dimension_numbers<[0], [0], [1], [1], [0, 1, 1, 1], [], []>, transpose_lhs_hint = false} : vector<32x2048xf32>, vector<32x128xf32>, vector<2048x128xf32> -> vector<2048x128xf32>
    %get3A_85 = arith.constant 0 : index
    %get3A_86 = arith.constant 3 : index
    %get3A_87 = arith.constant 0 : index
    %get3A_88 = vector.load %arg2[%get3A_85, %get3A_86, %get3A_87] : memref<2048x8x128xf32, #tpu.memory_space<vmem>>, vector<2048x1x128xf32>
    %get3A_89 = vector.shape_cast %get3A_88 : vector<2048x1x128xf32> to vector<2048x128xf32>
    %mul3A_90 = arith.mulf %dot_general3A_84, %get3A_89 : vector<2048x128xf32>
    %get3A_91 = arith.constant 3 : index
    %get3A_92 = arith.constant 0 : index
    %get3A_93 = arith.constant 0 : index
    %get3A_94 = vector.load %arg5[%get3A_91, %get3A_92, %get3A_93] : memref<8x128x128xf32, #tpu.memory_space<vmem>>, vector<1x128x128xf32>
    %get3A_95 = vector.shape_cast %get3A_94 : vector<1x128x128xf32> to vector<128x128xf32>
    %dot_general3A_96 = arith.constant dense<0.000000e+00> : vector<2048x128xf32>
    %dot_general3A_97 = tpu.matmul %mul3A_90, %get3A_95, %dot_general3A_96 {dimension_numbers = #tpu.dot_dimension_numbers<[1], [0], [0], [1], [0, 0, 1, 1], [], []>, transpose_lhs_hint = false} : vector<2048x128xf32>, vector<128x128xf32>, vector<2048x128xf32> -> vector<2048x128xf32>
    %add3A_98 = arith.addf %add3A_74, %dot_general3A_97 : vector<2048x128xf32>
    %get3A_99 = arith.constant 0 : index
    %get3A_100 = arith.constant 4 : index
    %get3A_101 = vector.load %arg4[%get3A_99, %get3A_100] : memref<32x8xf32, #tpu.memory_space<vmem>>, vector<32x1xf32>
    %mul3A_102 = vector.broadcast %get3A_101 : vector<32x1xf32> to vector<32x2048xf32>
    %mul3A_103 = arith.mulf %convert_element_type3A_4, %mul3A_102 : vector<32x2048xf32>
    %get3A_104 = arith.constant 0 : index
    %get3A_105 = arith.constant 0 : index
    %get3A_106 = vector.load %arg3[%get3A_104, %get3A_105] : memref<32x128xf32, #tpu.memory_space<vmem>>, vector<32x128xf32>
    %dot_general3A_107 = arith.constant dense<0.000000e+00> : vector<2048x128xf32>
    %dot_general3A_108 = tpu.matmul %mul3A_103, %get3A_106, %dot_general3A_107 {dimension_numbers = #tpu.dot_dimension_numbers<[0], [0], [1], [1], [0, 1, 1, 1], [], []>, transpose_lhs_hint = false} : vector<32x2048xf32>, vector<32x128xf32>, vector<2048x128xf32> -> vector<2048x128xf32>
    %get3A_109 = arith.constant 0 : index
    %get3A_110 = arith.constant 4 : index
    %get3A_111 = arith.constant 0 : index
    %get3A_112 = vector.load %arg2[%get3A_109, %get3A_110, %get3A_111] : memref<2048x8x128xf32, #tpu.memory_space<vmem>>, vector<2048x1x128xf32>
    %get3A_113 = vector.shape_cast %get3A_112 : vector<2048x1x128xf32> to vector<2048x128xf32>
    %mul3A_114 = arith.mulf %dot_general3A_108, %get3A_113 : vector<2048x128xf32>
    %get3A_115 = arith.constant 4 : index
    %get3A_116 = arith.constant 0 : index
    %get3A_117 = arith.constant 0 : index
    %get3A_118 = vector.load %arg5[%get3A_115, %get3A_116, %get3A_117] : memref<8x128x128xf32, #tpu.memory_space<vmem>>, vector<1x128x128xf32>
    %get3A_119 = vector.shape_cast %get3A_118 : vector<1x128x128xf32> to vector<128x128xf32>
    %dot_general3A_120 = arith.constant dense<0.000000e+00> : vector<2048x128xf32>
    %dot_general3A_121 = tpu.matmul %mul3A_114, %get3A_119, %dot_general3A_120 {dimension_numbers = #tpu.dot_dimension_numbers<[1], [0], [0], [1], [0, 0, 1, 1], [], []>, transpose_lhs_hint = false} : vector<2048x128xf32>, vector<128x128xf32>, vector<2048x128xf32> -> vector<2048x128xf32>
    %add3A_122 = arith.addf %add3A_98, %dot_general3A_121 : vector<2048x128xf32>
    %get3A_123 = arith.constant 0 : index
    %get3A_124 = arith.constant 5 : index
    %get3A_125 = vector.load %arg4[%get3A_123, %get3A_124] : memref<32x8xf32, #tpu.memory_space<vmem>>, vector<32x1xf32>
    %mul3A_126 = vector.broadcast %get3A_125 : vector<32x1xf32> to vector<32x2048xf32>
    %mul3A_127 = arith.mulf %convert_element_type3A_4, %mul3A_126 : vector<32x2048xf32>
    %get3A_128 = arith.constant 0 : index
    %get3A_129 = arith.constant 0 : index
    %get3A_130 = vector.load %arg3[%get3A_128, %get3A_129] : memref<32x128xf32, #tpu.memory_space<vmem>>, vector<32x128xf32>
    %dot_general3A_131 = arith.constant dense<0.000000e+00> : vector<2048x128xf32>
    %dot_general3A_132 = tpu.matmul %mul3A_127, %get3A_130, %dot_general3A_131 {dimension_numbers = #tpu.dot_dimension_numbers<[0], [0], [1], [1], [0, 1, 1, 1], [], []>, transpose_lhs_hint = false} : vector<32x2048xf32>, vector<32x128xf32>, vector<2048x128xf32> -> vector<2048x128xf32>
    %get3A_133 = arith.constant 0 : index
    %get3A_134 = arith.constant 5 : index
    %get3A_135 = arith.constant 0 : index
    %get3A_136 = vector.load %arg2[%get3A_133, %get3A_134, %get3A_135] : memref<2048x8x128xf32, #tpu.memory_space<vmem>>, vector<2048x1x128xf32>
    %get3A_137 = vector.shape_cast %get3A_136 : vector<2048x1x128xf32> to vector<2048x128xf32>
    %mul3A_138 = arith.mulf %dot_general3A_132, %get3A_137 : vector<2048x128xf32>
    %get3A_139 = arith.constant 5 : index
    %get3A_140 = arith.constant 0 : index
    %get3A_141 = arith.constant 0 : index
    %get3A_142 = vector.load %arg5[%get3A_139, %get3A_140, %get3A_141] : memref<8x128x128xf32, #tpu.memory_space<vmem>>, vector<1x128x128xf32>
    %get3A_143 = vector.shape_cast %get3A_142 : vector<1x128x128xf32> to vector<128x128xf32>
    %dot_general3A_144 = arith.constant dense<0.000000e+00> : vector<2048x128xf32>
    %dot_general3A_145 = tpu.matmul %mul3A_138, %get3A_143, %dot_general3A_144 {dimension_numbers = #tpu.dot_dimension_numbers<[1], [0], [0], [1], [0, 0, 1, 1], [], []>, transpose_lhs_hint = false} : vector<2048x128xf32>, vector<128x128xf32>, vector<2048x128xf32> -> vector<2048x128xf32>
    %add3A_146 = arith.addf %add3A_122, %dot_general3A_145 : vector<2048x128xf32>
    %get3A_147 = arith.constant 0 : index
    %get3A_148 = arith.constant 6 : index
    %get3A_149 = vector.load %arg4[%get3A_147, %get3A_148] : memref<32x8xf32, #tpu.memory_space<vmem>>, vector<32x1xf32>
    %mul3A_150 = vector.broadcast %get3A_149 : vector<32x1xf32> to vector<32x2048xf32>
    %mul3A_151 = arith.mulf %convert_element_type3A_4, %mul3A_150 : vector<32x2048xf32>
    %get3A_152 = arith.constant 0 : index
    %get3A_153 = arith.constant 0 : index
    %get3A_154 = vector.load %arg3[%get3A_152, %get3A_153] : memref<32x128xf32, #tpu.memory_space<vmem>>, vector<32x128xf32>
    %dot_general3A_155 = arith.constant dense<0.000000e+00> : vector<2048x128xf32>
    %dot_general3A_156 = tpu.matmul %mul3A_151, %get3A_154, %dot_general3A_155 {dimension_numbers = #tpu.dot_dimension_numbers<[0], [0], [1], [1], [0, 1, 1, 1], [], []>, transpose_lhs_hint = false} : vector<32x2048xf32>, vector<32x128xf32>, vector<2048x128xf32> -> vector<2048x128xf32>
    %get3A_157 = arith.constant 0 : index
    %get3A_158 = arith.constant 6 : index
    %get3A_159 = arith.constant 0 : index
    %get3A_160 = vector.load %arg2[%get3A_157, %get3A_158, %get3A_159] : memref<2048x8x128xf32, #tpu.memory_space<vmem>>, vector<2048x1x128xf32>
    %get3A_161 = vector.shape_cast %get3A_160 : vector<2048x1x128xf32> to vector<2048x128xf32>
    %mul3A_162 = arith.mulf %dot_general3A_156, %get3A_161 : vector<2048x128xf32>
    %get3A_163 = arith.constant 6 : index
    %get3A_164 = arith.constant 0 : index
    %get3A_165 = arith.constant 0 : index
    %get3A_166 = vector.load %arg5[%get3A_163, %get3A_164, %get3A_165] : memref<8x128x128xf32, #tpu.memory_space<vmem>>, vector<1x128x128xf32>
    %get3A_167 = vector.shape_cast %get3A_166 : vector<1x128x128xf32> to vector<128x128xf32>
    %dot_general3A_168 = arith.constant dense<0.000000e+00> : vector<2048x128xf32>
    %dot_general3A_169 = tpu.matmul %mul3A_162, %get3A_167, %dot_general3A_168 {dimension_numbers = #tpu.dot_dimension_numbers<[1], [0], [0], [1], [0, 0, 1, 1], [], []>, transpose_lhs_hint = false} : vector<2048x128xf32>, vector<128x128xf32>, vector<2048x128xf32> -> vector<2048x128xf32>
    %add3A_170 = arith.addf %add3A_146, %dot_general3A_169 : vector<2048x128xf32>
    %get3A_171 = arith.constant 0 : index
    %get3A_172 = arith.constant 7 : index
    %get3A_173 = vector.load %arg4[%get3A_171, %get3A_172] : memref<32x8xf32, #tpu.memory_space<vmem>>, vector<32x1xf32>
    %mul3A_174 = vector.broadcast %get3A_173 : vector<32x1xf32> to vector<32x2048xf32>
    %mul3A_175 = arith.mulf %convert_element_type3A_4, %mul3A_174 : vector<32x2048xf32>
    %get3A_176 = arith.constant 0 : index
    %get3A_177 = arith.constant 0 : index
    %get3A_178 = vector.load %arg3[%get3A_176, %get3A_177] : memref<32x128xf32, #tpu.memory_space<vmem>>, vector<32x128xf32>
    %dot_general3A_179 = arith.constant dense<0.000000e+00> : vector<2048x128xf32>
    %dot_general3A_180 = tpu.matmul %mul3A_175, %get3A_178, %dot_general3A_179 {dimension_numbers = #tpu.dot_dimension_numbers<[0], [0], [1], [1], [0, 1, 1, 1], [], []>, transpose_lhs_hint = false} : vector<32x2048xf32>, vector<32x128xf32>, vector<2048x128xf32> -> vector<2048x128xf32>
    %get3A_181 = arith.constant 0 : index
    %get3A_182 = arith.constant 7 : index
    %get3A_183 = arith.constant 0 : index
    %get3A_184 = vector.load %arg2[%get3A_181, %get3A_182, %get3A_183] : memref<2048x8x128xf32, #tpu.memory_space<vmem>>, vector<2048x1x128xf32>
    %get3A_185 = vector.shape_cast %get3A_184 : vector<2048x1x128xf32> to vector<2048x128xf32>
    %mul3A_186 = arith.mulf %dot_general3A_180, %get3A_185 : vector<2048x128xf32>
    %get3A_187 = arith.constant 7 : index
    %get3A_188 = arith.constant 0 : index
    %get3A_189 = arith.constant 0 : index
    %get3A_190 = vector.load %arg5[%get3A_187, %get3A_188, %get3A_189] : memref<8x128x128xf32, #tpu.memory_space<vmem>>, vector<1x128x128xf32>
    %get3A_191 = vector.shape_cast %get3A_190 : vector<1x128x128xf32> to vector<128x128xf32>
    %dot_general3A_192 = arith.constant dense<0.000000e+00> : vector<2048x128xf32>
    %dot_general3A_193 = tpu.matmul %mul3A_186, %get3A_191, %dot_general3A_192 {dimension_numbers = #tpu.dot_dimension_numbers<[1], [0], [0], [1], [0, 0, 1, 1], [], []>, transpose_lhs_hint = false} : vector<2048x128xf32>, vector<128x128xf32>, vector<2048x128xf32> -> vector<2048x128xf32>
    %add3A_194 = arith.addf %add3A_170, %dot_general3A_193 : vector<2048x128xf32>
    %gt3A = arith.constant 0.000000e+00 : f32
    %gt3A_195 = vector.broadcast %gt3A : f32 to vector<2048x128xf32>
    %gt3A_196 = arith.cmpf ogt, %add3A_194, %gt3A_195 : vector<2048x128xf32>
    %exp3A = math.exp %add3A_194 : vector<2048x128xf32>
    %sub3A = arith.constant 1.000000e+00 : f32
    %sub3A_197 = vector.broadcast %sub3A : f32 to vector<2048x128xf32>
    %sub3A_198 = arith.subf %exp3A, %sub3A_197 : vector<2048x128xf32>
    %select_n3A = arith.select %gt3A_196, %add3A_194, %sub3A_198 : vector<2048x128xi1>, vector<2048x128xf32>
    %get3A_199 = arith.constant 0 : index
    %get3A_200 = arith.constant 0 : index
    %get3A_201 = vector.load %arg6[%get3A_199, %get3A_200] : memref<128x1xf32, #tpu.memory_space<vmem>>, vector<128x1xf32>
    %dot_general3A_202 = arith.constant dense<0.000000e+00> : vector<2048x1xf32>
    %dot_general3A_203 = tpu.matmul %select_n3A, %get3A_201, %dot_general3A_202 {dimension_numbers = #tpu.dot_dimension_numbers<[1], [0], [0], [1], [0, 0, 1, 1], [], []>, transpose_lhs_hint = false} : vector<2048x128xf32>, vector<128x1xf32>, vector<2048x1xf32> -> vector<2048x1xf32>
    %reshape3A_204 = vector.shape_cast %dot_general3A_203 : vector<2048x1xf32> to vector<16x128xf32>
    %swap3A = arith.constant 0 : index
    %swap3A_205 = arith.constant 0 : index
    %swap3A_206 = vector.load %arg7[%swap3A, %swap3A_205] : memref<16x128xf32, #tpu.memory_space<vmem>>, vector<16x128xf32>
    tpu.vector_store %arg7[%swap3A, %swap3A_205], %reshape3A_204 {strides = array<i32>} : memref<16x128xf32, #tpu.memory_space<vmem>>, vector<16x128xf32>,
    return
  }
  func.func @transform_0(%arg0: i32) -> (i32, i32) {
    %c0_i32 = arith.constant 0 : i32
    %c0_i32_0 = arith.constant 0 : i32
    return %arg0, %c0_i32 : i32, i32
  }
  func.func @transform_1(%arg0: i32) -> (i32, i32, i32) {
    %c0_i32 = arith.constant 0 : i32
    %c0_i32_0 = arith.constant 0 : i32
    %c0_i32_1 = arith.constant 0 : i32
    return %arg0, %c0_i32, %c0_i32_0 : i32, i32, i32
  }
  func.func @transform_2(%arg0: i32) -> (i32, i32) {
    %c0_i32 = arith.constant 0 : i32
    %c0_i32_0 = arith.constant 0 : i32
    %c0_i32_1 = arith.constant 0 : i32
    return %c0_i32, %c0_i32_0 : i32, i32
  }
  func.func @transform_3(%arg0: i32) -> (i32, i32) {
    %c0_i32 = arith.constant 0 : i32
    %c0_i32_0 = arith.constant 0 : i32
    %c0_i32_1 = arith.constant 0 : i32
    return %c0_i32, %c0_i32_0 : i32, i32
  }
  func.func @transform_4(%arg0: i32) -> (i32, i32, i32) {
    %c0_i32 = arith.constant 0 : i32
    %c0_i32_0 = arith.constant 0 : i32
    %c0_i32_1 = arith.constant 0 : i32
    %c0_i32_2 = arith.constant 0 : i32
    return %c0_i32, %c0_i32_0, %c0_i32_1 : i32, i32, i32
  }
  func.func @transform_5(%arg0: i32) -> (i32, i32) {
    %c0_i32 = arith.constant 0 : i32
    %c0_i32_0 = arith.constant 0 : i32
    %c0_i32_1 = arith.constant 0 : i32
    return %c0_i32, %c0_i32_0 : i32, i32
  }
  func.func @transform_6(%arg0: i32) -> (i32, i32) {
    %c0_i32 = arith.constant 0 : i32
    %c0_i32_0 = arith.constant 0 : i32
    return %arg0, %c0_i32 : i32, i32
  }
}

module attributes {stable_mosaic.version = 14 : i64} {
  func.func @_edge_body(%arg0: i32, %arg1: memref<128x128xi32, #tpu.memory_space<vmem>>, %arg2: memref<16384x128xf32, #tpu.memory_space<vmem>>, %arg3: memref<32x128xf32, #tpu.memory_space<vmem>>, %arg4: memref<128x128xf32, #tpu.memory_space<vmem>>, %arg5: memref<128x1xf32, #tpu.memory_space<vmem>>, %arg6: memref<128x128xf32, #tpu.memory_space<vmem>>) attributes {dimension_semantics = [#tpu.dimension_semantics<arbitrary>], iteration_bounds = array<i64: 20>, scalar_prefetch = 0 : i64, scratch_operands = 0 : i64, tpu.core_type = #tpu.core_type<tc>, window_params = [{transform_indices = @transform_0, window_bounds = array<i64: 128, 128>}, {transform_indices = @transform_1, window_bounds = array<i64: 16384, 128>}, {pipeline_mode = #tpu.pipeline_mode<synchronous>, transform_indices = @transform_2, window_bounds = array<i64: 32, 128>}, {pipeline_mode = #tpu.pipeline_mode<synchronous>, transform_indices = @transform_3, window_bounds = array<i64: 128, 128>}, {pipeline_mode = #tpu.pipeline_mode<synchronous>, transform_indices = @transform_4, window_bounds = array<i64: 128, 1>}, {transform_indices = @transform_5, window_bounds = array<i64: 128, 128>}]} {
    %get3A = arith.constant 0 : index
    %get3A_0 = arith.constant 0 : index
    %get3A_1 = vector.load %arg1[%get3A, %get3A_0] : memref<128x128xi32, #tpu.memory_space<vmem>>, vector<128x128xi32>
    %reshape3A = vector.shape_cast %get3A_1 : vector<128x128xi32> to vector<1x16384xi32>
    %iota3A = tpu.iota {dimensions = array<i32: 0>} : vector<32x1xi32>
    %eq3A = vector.broadcast %reshape3A : vector<1x16384xi32> to vector<32x16384xi32>
    %eq3A_2 = vector.broadcast %iota3A : vector<32x1xi32> to vector<32x16384xi32>
    %eq3A_3 = arith.cmpi eq, %eq3A, %eq3A_2 : vector<32x16384xi32>
    %convert_element_type3A = arith.extui %eq3A_3 : vector<32x16384xi1> to vector<32x16384xi32>
    %convert_element_type3A_4 = arith.sitofp %convert_element_type3A : vector<32x16384xi32> to vector<32x16384xf32>
    %get3A_5 = arith.constant 0 : index
    %get3A_6 = arith.constant 0 : index
    %get3A_7 = vector.load %arg3[%get3A_5, %get3A_6] : memref<32x128xf32, #tpu.memory_space<vmem>>, vector<32x128xf32>
    %dot_general3A = arith.constant dense<0.000000e+00> : vector<16384x128xf32>
    %dot_general3A_8 = tpu.matmul %convert_element_type3A_4, %get3A_7, %dot_general3A {dimension_numbers = #tpu.dot_dimension_numbers<[0], [0], [1], [1], [0, 1, 1, 1], [], []>, transpose_lhs_hint = false} : vector<32x16384xf32>, vector<32x128xf32>, vector<16384x128xf32> -> vector<16384x128xf32>
    %get3A_9 = arith.constant 0 : index
    %get3A_10 = arith.constant 0 : index
    %get3A_11 = vector.load %arg2[%get3A_9, %get3A_10] : memref<16384x128xf32, #tpu.memory_space<vmem>>, vector<16384x128xf32>
    %mul3A = arith.mulf %dot_general3A_8, %get3A_11 : vector<16384x128xf32>
    %get3A_12 = arith.constant 0 : index
    %get3A_13 = arith.constant 0 : index
    %get3A_14 = vector.load %arg4[%get3A_12, %get3A_13] : memref<128x128xf32, #tpu.memory_space<vmem>>, vector<128x128xf32>
    %dot_general3A_15 = arith.constant dense<0.000000e+00> : vector<16384x128xf32>
    %dot_general3A_16 = tpu.matmul %mul3A, %get3A_14, %dot_general3A_15 {dimension_numbers = #tpu.dot_dimension_numbers<[1], [0], [0], [1], [0, 0, 1, 1], [], []>, transpose_lhs_hint = false} : vector<16384x128xf32>, vector<128x128xf32>, vector<16384x128xf32> -> vector<16384x128xf32>
    %gt3A = arith.constant 0.000000e+00 : f32
    %gt3A_17 = vector.broadcast %gt3A : f32 to vector<16384x128xf32>
    %gt3A_18 = arith.cmpf ogt, %dot_general3A_16, %gt3A_17 : vector<16384x128xf32>
    %exp3A = math.exp %dot_general3A_16 : vector<16384x128xf32>
    %sub3A = arith.constant 1.000000e+00 : f32
    %sub3A_19 = vector.broadcast %sub3A : f32 to vector<16384x128xf32>
    %sub3A_20 = arith.subf %exp3A, %sub3A_19 : vector<16384x128xf32>
    %select_n3A = arith.select %gt3A_18, %dot_general3A_16, %sub3A_20 : vector<16384x128xi1>, vector<16384x128xf32>
    %get3A_21 = arith.constant 0 : index
    %get3A_22 = arith.constant 0 : index
    %get3A_23 = vector.load %arg5[%get3A_21, %get3A_22] : memref<128x1xf32, #tpu.memory_space<vmem>>, vector<128x1xf32>
    %dot_general3A_24 = arith.constant dense<0.000000e+00> : vector<16384x1xf32>
    %dot_general3A_25 = tpu.matmul %select_n3A, %get3A_23, %dot_general3A_24 {dimension_numbers = #tpu.dot_dimension_numbers<[1], [0], [0], [1], [0, 0, 1, 1], [], []>, transpose_lhs_hint = false} : vector<16384x128xf32>, vector<128x1xf32>, vector<16384x1xf32> -> vector<16384x1xf32>
    %reshape3A_26 = vector.shape_cast %dot_general3A_25 : vector<16384x1xf32> to vector<128x128xf32>
    %swap3A = arith.constant 0 : index
    %swap3A_27 = arith.constant 0 : index
    %swap3A_28 = vector.load %arg6[%swap3A, %swap3A_27] : memref<128x128xf32, #tpu.memory_space<vmem>>, vector<128x128xf32>
    tpu.vector_store %arg6[%swap3A, %swap3A_27], %reshape3A_26 {strides = array<i32>} : memref<128x128xf32, #tpu.memory_space<vmem>>, vector<128x128xf32>,
    return
  }
  func.func @transform_0(%arg0: i32) -> (i32, i32) {
    %c0_i32 = arith.constant 0 : i32
    %c0_i32_0 = arith.constant 0 : i32
    return %arg0, %c0_i32 : i32, i32
  }
  func.func @transform_1(%arg0: i32) -> (i32, i32) {
    %c0_i32 = arith.constant 0 : i32
    %c0_i32_0 = arith.constant 0 : i32
    return %arg0, %c0_i32 : i32, i32
  }
  func.func @transform_2(%arg0: i32) -> (i32, i32) {
    %c0_i32 = arith.constant 0 : i32
    %c0_i32_0 = arith.constant 0 : i32
    %c0_i32_1 = arith.constant 0 : i32
    return %c0_i32, %c0_i32_0 : i32, i32
  }
  func.func @transform_3(%arg0: i32) -> (i32, i32) {
    %c0_i32 = arith.constant 0 : i32
    %c0_i32_0 = arith.constant 0 : i32
    %c0_i32_1 = arith.constant 0 : i32
    return %c0_i32, %c0_i32_0 : i32, i32
  }
  func.func @transform_4(%arg0: i32) -> (i32, i32) {
    %c0_i32 = arith.constant 0 : i32
    %c0_i32_0 = arith.constant 0 : i32
    %c0_i32_1 = arith.constant 0 : i32
    return %c0_i32, %c0_i32_0 : i32, i32
  }
  func.func @transform_5(%arg0: i32) -> (i32, i32) {
    %c0_i32 = arith.constant 0 : i32
    %c0_i32_0 = arith.constant 0 : i32
    return %arg0, %c0_i32 : i32, i32
  }
}

module attributes {stable_mosaic.version = 14 : i64} {
  func.func @_combine_body(%arg0: memref<32x80x128xf32, #tpu.memory_space<vmem>>, %arg1: memref<80x128xf32, #tpu.memory_space<vmem>>, %arg2: memref<80x128xi32, #tpu.memory_space<vmem>>, %arg3: memref<1x32xf32, #tpu.memory_space<vmem>>, %arg4: memref<80x128xf32, #tpu.memory_space<vmem>>) attributes {dimension_semantics = [], scalar_prefetch = 0 : i64, scratch_operands = 0 : i64, tpu.core_type = #tpu.core_type<tc>} {
    %get3A = arith.constant 0 : index
    %get3A_0 = arith.constant 0 : index
    %get3A_1 = arith.constant 0 : index
    %get3A_2 = vector.load %arg0[%get3A, %get3A_0, %get3A_1] : memref<32x80x128xf32, #tpu.memory_space<vmem>>, vector<32x80x128xf32>
    %reduce_sum3A = arith.constant dense<0.000000e+00> : vector<80x128xf32>
    %reduce_sum3A_3 = vector.multi_reduction <add>, %get3A_2, %reduce_sum3A [0] : vector<32x80x128xf32> to vector<80x128xf32>
    %get3A_4 = arith.constant 0 : index
    %get3A_5 = arith.constant 0 : index
    %get3A_6 = vector.load %arg1[%get3A_4, %get3A_5] : memref<80x128xf32, #tpu.memory_space<vmem>>, vector<80x128xf32>
    %get3A_7 = arith.constant 0 : index
    %get3A_8 = arith.constant 0 : index
    %get3A_9 = vector.load %arg2[%get3A_7, %get3A_8] : memref<80x128xi32, #tpu.memory_space<vmem>>, vector<80x128xi32>
    %broadcast_in_dim3A = arith.constant 0.000000e+00 : f32
    %broadcast_in_dim3A_10 = vector.broadcast %broadcast_in_dim3A : f32 to vector<80x128xf32>
    %broadcast_in_dim3A_11 = arith.constant 0.000000e+00 : f32
    %broadcast_in_dim3A_12 = vector.broadcast %broadcast_in_dim3A_11 : f32 to vector<80x128xf32>
    %eq3A = arith.constant 0 : i32
    %eq3A_13 = vector.broadcast %eq3A : i32 to vector<80x128xi32>
    %eq3A_14 = arith.cmpi eq, %get3A_9, %eq3A_13 : vector<80x128xi32>
    %jit3A = arith.constant -1.000000e+30 : f32
    %broadcast_in_dim3A_15 = vector.broadcast %jit3A : f32 to vector<80x128xf32>
    %select_n3A = arith.select %eq3A_14, %reduce_sum3A_3, %broadcast_in_dim3A_15 : vector<80x128xi1>, vector<80x128xf32>
    %reduce_max3A = vector.shape_cast %select_n3A : vector<80x128xf32> to vector<1x80x128xf32>
    %reduce_max3A_16 = arith.constant dense<0xFF800000> : vector<1xf32>
    %reduce_max3A_17 = vector.multi_reduction <maximumf>, %reduce_max3A, %reduce_max3A_16 [1, 2] : vector<1x80x128xf32> to vector<1xf32>
    %reduce_max3A_18 = vector.shape_cast %reduce_max3A_17 : vector<1xf32> to vector<1x1x1xf32>
    %reduce_max3A_19 = vector.extract %reduce_max3A_18[0, 0, 0] : f32 from vector<1x1x1xf32>
    %jit3A_20 = arith.constant -1.000000e+30 : f32
    %broadcast_in_dim3A_21 = vector.broadcast %jit3A_20 : f32 to vector<80x128xf32>
    %select_n3A_22 = arith.select %eq3A_14, %get3A_6, %broadcast_in_dim3A_21 : vector<80x128xi1>, vector<80x128xf32>
    %reduce_max3A_23 = vector.shape_cast %select_n3A_22 : vector<80x128xf32> to vector<1x80x128xf32>
    %reduce_max3A_24 = arith.constant dense<0xFF800000> : vector<1xf32>
    %reduce_max3A_25 = vector.multi_reduction <maximumf>, %reduce_max3A_23, %reduce_max3A_24 [1, 2] : vector<1x80x128xf32> to vector<1xf32>
    %reduce_max3A_26 = vector.shape_cast %reduce_max3A_25 : vector<1xf32> to vector<1x1x1xf32>
    %reduce_max3A_27 = vector.extract %reduce_max3A_26[0, 0, 0] : f32 from vector<1x1x1xf32>
    %gt3A = arith.constant -5.000000e+29 : f32
    %gt3A_28 = arith.cmpf ogt, %reduce_max3A_19, %gt3A : f32
    %jit3A_29 = arith.constant 0.000000e+00 : f32
    %select_n3A_30 = arith.select %gt3A_28, %reduce_max3A_19, %jit3A_29 : f32
    %gt3A_31 = arith.constant -5.000000e+29 : f32
    %gt3A_32 = arith.cmpf ogt, %reduce_max3A_27, %gt3A_31 : f32
    %jit3A_33 = arith.constant 0.000000e+00 : f32
    %select_n3A_34 = arith.select %gt3A_32, %reduce_max3A_27, %jit3A_33 : f32
    %jit3A_35 = arith.constant 0.000000e+00 : f32
    %broadcast_in_dim3A_36 = vector.broadcast %select_n3A_30 : f32 to vector<80x128xf32>
    %broadcast_in_dim3A_37 = vector.broadcast %jit3A_35 : f32 to vector<80x128xf32>
    %select_n3A_38 = arith.select %eq3A_14, %broadcast_in_dim3A_36, %broadcast_in_dim3A_37 : vector<80x128xi1>, vector<80x128xf32>
    %add3A = arith.addf %broadcast_in_dim3A_10, %select_n3A_38 : vector<80x128xf32>
    %jit3A_39 = arith.constant 0.000000e+00 : f32
    %broadcast_in_dim3A_40 = vector.broadcast %select_n3A_34 : f32 to vector<80x128xf32>
    %broadcast_in_dim3A_41 = vector.broadcast %jit3A_39 : f32 to vector<80x128xf32>
    %select_n3A_42 = arith.select %eq3A_14, %broadcast_in_dim3A_40, %broadcast_in_dim3A_41 : vector<80x128xi1>, vector<80x128xf32>
    %add3A_43 = arith.addf %broadcast_in_dim3A_12, %select_n3A_42 : vector<80x128xf32>
    %eq3A_44 = arith.constant 1 : i32
    %eq3A_45 = vector.broadcast %eq3A_44 : i32 to vector<80x128xi32>
    %eq3A_46 = arith.cmpi eq, %get3A_9, %eq3A_45 : vector<80x128xi32>
    %jit3A_47 = arith.constant -1.000000e+30 : f32
    %broadcast_in_dim3A_48 = vector.broadcast %jit3A_47 : f32 to vector<80x128xf32>
    %select_n3A_49 = arith.select %eq3A_46, %reduce_sum3A_3, %broadcast_in_dim3A_48 : vector<80x128xi1>, vector<80x128xf32>
    %reduce_max3A_50 = vector.shape_cast %select_n3A_49 : vector<80x128xf32> to vector<1x80x128xf32>
    %reduce_max3A_51 = arith.constant dense<0xFF800000> : vector<1xf32>
    %reduce_max3A_52 = vector.multi_reduction <maximumf>, %reduce_max3A_50, %reduce_max3A_51 [1, 2] : vector<1x80x128xf32> to vector<1xf32>
    %reduce_max3A_53 = vector.shape_cast %reduce_max3A_52 : vector<1xf32> to vector<1x1x1xf32>
    %reduce_max3A_54 = vector.extract %reduce_max3A_53[0, 0, 0] : f32 from vector<1x1x1xf32>
    %jit3A_55 = arith.constant -1.000000e+30 : f32
    %broadcast_in_dim3A_56 = vector.broadcast %jit3A_55 : f32 to vector<80x128xf32>
    %select_n3A_57 = arith.select %eq3A_46, %get3A_6, %broadcast_in_dim3A_56 : vector<80x128xi1>, vector<80x128xf32>
    %reduce_max3A_58 = vector.shape_cast %select_n3A_57 : vector<80x128xf32> to vector<1x80x128xf32>
    %reduce_max3A_59 = arith.constant dense<0xFF800000> : vector<1xf32>
    %reduce_max3A_60 = vector.multi_reduction <maximumf>, %reduce_max3A_58, %reduce_max3A_59 [1, 2] : vector<1x80x128xf32> to vector<1xf32>
    %reduce_max3A_61 = vector.shape_cast %reduce_max3A_60 : vector<1xf32> to vector<1x1x1xf32>
    %reduce_max3A_62 = vector.extract %reduce_max3A_61[0, 0, 0] : f32 from vector<1x1x1xf32>
    %gt3A_63 = arith.constant -5.000000e+29 : f32
    %gt3A_64 = arith.cmpf ogt, %reduce_max3A_54, %gt3A_63 : f32
    %jit3A_65 = arith.constant 0.000000e+00 : f32
    %select_n3A_66 = arith.select %gt3A_64, %reduce_max3A_54, %jit3A_65 : f32
    %gt3A_67 = arith.constant -5.000000e+29 : f32
    %gt3A_68 = arith.cmpf ogt, %reduce_max3A_62, %gt3A_67 : f32
    %jit3A_69 = arith.constant 0.000000e+00 : f32
    %select_n3A_70 = arith.select %gt3A_68, %reduce_max3A_62, %jit3A_69 : f32
    %jit3A_71 = arith.constant 0.000000e+00 : f32
    %broadcast_in_dim3A_72 = vector.broadcast %select_n3A_66 : f32 to vector<80x128xf32>
    %broadcast_in_dim3A_73 = vector.broadcast %jit3A_71 : f32 to vector<80x128xf32>
    %select_n3A_74 = arith.select %eq3A_46, %broadcast_in_dim3A_72, %broadcast_in_dim3A_73 : vector<80x128xi1>, vector<80x128xf32>
    %add3A_75 = arith.addf %add3A, %select_n3A_74 : vector<80x128xf32>
    %jit3A_76 = arith.constant 0.000000e+00 : f32
    %broadcast_in_dim3A_77 = vector.broadcast %select_n3A_70 : f32 to vector<80x128xf32>
    %broadcast_in_dim3A_78 = vector.broadcast %jit3A_76 : f32 to vector<80x128xf32>
    %select_n3A_79 = arith.select %eq3A_46, %broadcast_in_dim3A_77, %broadcast_in_dim3A_78 : vector<80x128xi1>, vector<80x128xf32>
    %add3A_80 = arith.addf %add3A_43, %select_n3A_79 : vector<80x128xf32>
    %eq3A_81 = arith.constant 2 : i32
    %eq3A_82 = vector.broadcast %eq3A_81 : i32 to vector<80x128xi32>
    %eq3A_83 = arith.cmpi eq, %get3A_9, %eq3A_82 : vector<80x128xi32>
    %jit3A_84 = arith.constant -1.000000e+30 : f32
    %broadcast_in_dim3A_85 = vector.broadcast %jit3A_84 : f32 to vector<80x128xf32>
    %select_n3A_86 = arith.select %eq3A_83, %reduce_sum3A_3, %broadcast_in_dim3A_85 : vector<80x128xi1>, vector<80x128xf32>
    %reduce_max3A_87 = vector.shape_cast %select_n3A_86 : vector<80x128xf32> to vector<1x80x128xf32>
    %reduce_max3A_88 = arith.constant dense<0xFF800000> : vector<1xf32>
    %reduce_max3A_89 = vector.multi_reduction <maximumf>, %reduce_max3A_87, %reduce_max3A_88 [1, 2] : vector<1x80x128xf32> to vector<1xf32>
    %reduce_max3A_90 = vector.shape_cast %reduce_max3A_89 : vector<1xf32> to vector<1x1x1xf32>
    %reduce_max3A_91 = vector.extract %reduce_max3A_90[0, 0, 0] : f32 from vector<1x1x1xf32>
    %jit3A_92 = arith.constant -1.000000e+30 : f32
    %broadcast_in_dim3A_93 = vector.broadcast %jit3A_92 : f32 to vector<80x128xf32>
    %select_n3A_94 = arith.select %eq3A_83, %get3A_6, %broadcast_in_dim3A_93 : vector<80x128xi1>, vector<80x128xf32>
    %reduce_max3A_95 = vector.shape_cast %select_n3A_94 : vector<80x128xf32> to vector<1x80x128xf32>
    %reduce_max3A_96 = arith.constant dense<0xFF800000> : vector<1xf32>
    %reduce_max3A_97 = vector.multi_reduction <maximumf>, %reduce_max3A_95, %reduce_max3A_96 [1, 2] : vector<1x80x128xf32> to vector<1xf32>
    %reduce_max3A_98 = vector.shape_cast %reduce_max3A_97 : vector<1xf32> to vector<1x1x1xf32>
    %reduce_max3A_99 = vector.extract %reduce_max3A_98[0, 0, 0] : f32 from vector<1x1x1xf32>
    %gt3A_100 = arith.constant -5.000000e+29 : f32
    %gt3A_101 = arith.cmpf ogt, %reduce_max3A_91, %gt3A_100 : f32
    %jit3A_102 = arith.constant 0.000000e+00 : f32
    %select_n3A_103 = arith.select %gt3A_101, %reduce_max3A_91, %jit3A_102 : f32
    %gt3A_104 = arith.constant -5.000000e+29 : f32
    %gt3A_105 = arith.cmpf ogt, %reduce_max3A_99, %gt3A_104 : f32
    %jit3A_106 = arith.constant 0.000000e+00 : f32
    %select_n3A_107 = arith.select %gt3A_105, %reduce_max3A_99, %jit3A_106 : f32
    %jit3A_108 = arith.constant 0.000000e+00 : f32
    %broadcast_in_dim3A_109 = vector.broadcast %select_n3A_103 : f32 to vector<80x128xf32>
    %broadcast_in_dim3A_110 = vector.broadcast %jit3A_108 : f32 to vector<80x128xf32>
    %select_n3A_111 = arith.select %eq3A_83, %broadcast_in_dim3A_109, %broadcast_in_dim3A_110 : vector<80x128xi1>, vector<80x128xf32>
    %add3A_112 = arith.addf %add3A_75, %select_n3A_111 : vector<80x128xf32>
    %jit3A_113 = arith.constant 0.000000e+00 : f32
    %broadcast_in_dim3A_114 = vector.broadcast %select_n3A_107 : f32 to vector<80x128xf32>
    %broadcast_in_dim3A_115 = vector.broadcast %jit3A_113 : f32 to vector<80x128xf32>
    %select_n3A_116 = arith.select %eq3A_83, %broadcast_in_dim3A_114, %broadcast_in_dim3A_115 : vector<80x128xi1>, vector<80x128xf32>
    %add3A_117 = arith.addf %add3A_80, %select_n3A_116 : vector<80x128xf32>
    %eq3A_118 = arith.constant 3 : i32
    %eq3A_119 = vector.broadcast %eq3A_118 : i32 to vector<80x128xi32>
    %eq3A_120 = arith.cmpi eq, %get3A_9, %eq3A_119 : vector<80x128xi32>
    %jit3A_121 = arith.constant -1.000000e+30 : f32
    %broadcast_in_dim3A_122 = vector.broadcast %jit3A_121 : f32 to vector<80x128xf32>
    %select_n3A_123 = arith.select %eq3A_120, %reduce_sum3A_3, %broadcast_in_dim3A_122 : vector<80x128xi1>, vector<80x128xf32>
    %reduce_max3A_124 = vector.shape_cast %select_n3A_123 : vector<80x128xf32> to vector<1x80x128xf32>
    %reduce_max3A_125 = arith.constant dense<0xFF800000> : vector<1xf32>
    %reduce_max3A_126 = vector.multi_reduction <maximumf>, %reduce_max3A_124, %reduce_max3A_125 [1, 2] : vector<1x80x128xf32> to vector<1xf32>
    %reduce_max3A_127 = vector.shape_cast %reduce_max3A_126 : vector<1xf32> to vector<1x1x1xf32>
    %reduce_max3A_128 = vector.extract %reduce_max3A_127[0, 0, 0] : f32 from vector<1x1x1xf32>
    %jit3A_129 = arith.constant -1.000000e+30 : f32
    %broadcast_in_dim3A_130 = vector.broadcast %jit3A_129 : f32 to vector<80x128xf32>
    %select_n3A_131 = arith.select %eq3A_120, %get3A_6, %broadcast_in_dim3A_130 : vector<80x128xi1>, vector<80x128xf32>
    %reduce_max3A_132 = vector.shape_cast %select_n3A_131 : vector<80x128xf32> to vector<1x80x128xf32>
    %reduce_max3A_133 = arith.constant dense<0xFF800000> : vector<1xf32>
    %reduce_max3A_134 = vector.multi_reduction <maximumf>, %reduce_max3A_132, %reduce_max3A_133 [1, 2] : vector<1x80x128xf32> to vector<1xf32>
    %reduce_max3A_135 = vector.shape_cast %reduce_max3A_134 : vector<1xf32> to vector<1x1x1xf32>
    %reduce_max3A_136 = vector.extract %reduce_max3A_135[0, 0, 0] : f32 from vector<1x1x1xf32>
    %gt3A_137 = arith.constant -5.000000e+29 : f32
    %gt3A_138 = arith.cmpf ogt, %reduce_max3A_128, %gt3A_137 : f32
    %jit3A_139 = arith.constant 0.000000e+00 : f32
    %select_n3A_140 = arith.select %gt3A_138, %reduce_max3A_128, %jit3A_139 : f32
    %gt3A_141 = arith.constant -5.000000e+29 : f32
    %gt3A_142 = arith.cmpf ogt, %reduce_max3A_136, %gt3A_141 : f32
    %jit3A_143 = arith.constant 0.000000e+00 : f32
    %select_n3A_144 = arith.select %gt3A_142, %reduce_max3A_136, %jit3A_143 : f32
    %jit3A_145 = arith.constant 0.000000e+00 : f32
    %broadcast_in_dim3A_146 = vector.broadcast %select_n3A_140 : f32 to vector<80x128xf32>
    %broadcast_in_dim3A_147 = vector.broadcast %jit3A_145 : f32 to vector<80x128xf32>
    %select_n3A_148 = arith.select %eq3A_120, %broadcast_in_dim3A_146, %broadcast_in_dim3A_147 : vector<80x128xi1>, vector<80x128xf32>
    %add3A_149 = arith.addf %add3A_112, %select_n3A_148 : vector<80x128xf32>
    %jit3A_150 = arith.constant 0.000000e+00 : f32
    %broadcast_in_dim3A_151 = vector.broadcast %select_n3A_144 : f32 to vector<80x128xf32>
    %broadcast_in_dim3A_152 = vector.broadcast %jit3A_150 : f32 to vector<80x128xf32>
    %select_n3A_153 = arith.select %eq3A_120, %broadcast_in_dim3A_151, %broadcast_in_dim3A_152 : vector<80x128xi1>, vector<80x128xf32>
    %add3A_154 = arith.addf %add3A_117, %select_n3A_153 : vector<80x128xf32>
    %eq3A_155 = arith.constant 4 : i32
    %eq3A_156 = vector.broadcast %eq3A_155 : i32 to vector<80x128xi32>
    %eq3A_157 = arith.cmpi eq, %get3A_9, %eq3A_156 : vector<80x128xi32>
    %jit3A_158 = arith.constant -1.000000e+30 : f32
    %broadcast_in_dim3A_159 = vector.broadcast %jit3A_158 : f32 to vector<80x128xf32>
    %select_n3A_160 = arith.select %eq3A_157, %reduce_sum3A_3, %broadcast_in_dim3A_159 : vector<80x128xi1>, vector<80x128xf32>
    %reduce_max3A_161 = vector.shape_cast %select_n3A_160 : vector<80x128xf32> to vector<1x80x128xf32>
    %reduce_max3A_162 = arith.constant dense<0xFF800000> : vector<1xf32>
    %reduce_max3A_163 = vector.multi_reduction <maximumf>, %reduce_max3A_161, %reduce_max3A_162 [1, 2] : vector<1x80x128xf32> to vector<1xf32>
    %reduce_max3A_164 = vector.shape_cast %reduce_max3A_163 : vector<1xf32> to vector<1x1x1xf32>
    %reduce_max3A_165 = vector.extract %reduce_max3A_164[0, 0, 0] : f32 from vector<1x1x1xf32>
    %jit3A_166 = arith.constant -1.000000e+30 : f32
    %broadcast_in_dim3A_167 = vector.broadcast %jit3A_166 : f32 to vector<80x128xf32>
    %select_n3A_168 = arith.select %eq3A_157, %get3A_6, %broadcast_in_dim3A_167 : vector<80x128xi1>, vector<80x128xf32>
    %reduce_max3A_169 = vector.shape_cast %select_n3A_168 : vector<80x128xf32> to vector<1x80x128xf32>
    %reduce_max3A_170 = arith.constant dense<0xFF800000> : vector<1xf32>
    %reduce_max3A_171 = vector.multi_reduction <maximumf>, %reduce_max3A_169, %reduce_max3A_170 [1, 2] : vector<1x80x128xf32> to vector<1xf32>
    %reduce_max3A_172 = vector.shape_cast %reduce_max3A_171 : vector<1xf32> to vector<1x1x1xf32>
    %reduce_max3A_173 = vector.extract %reduce_max3A_172[0, 0, 0] : f32 from vector<1x1x1xf32>
    %gt3A_174 = arith.constant -5.000000e+29 : f32
    %gt3A_175 = arith.cmpf ogt, %reduce_max3A_165, %gt3A_174 : f32
    %jit3A_176 = arith.constant 0.000000e+00 : f32
    %select_n3A_177 = arith.select %gt3A_175, %reduce_max3A_165, %jit3A_176 : f32
    %gt3A_178 = arith.constant -5.000000e+29 : f32
    %gt3A_179 = arith.cmpf ogt, %reduce_max3A_173, %gt3A_178 : f32
    %jit3A_180 = arith.constant 0.000000e+00 : f32
    %select_n3A_181 = arith.select %gt3A_179, %reduce_max3A_173, %jit3A_180 : f32
    %jit3A_182 = arith.constant 0.000000e+00 : f32
    %broadcast_in_dim3A_183 = vector.broadcast %select_n3A_177 : f32 to vector<80x128xf32>
    %broadcast_in_dim3A_184 = vector.broadcast %jit3A_182 : f32 to vector<80x128xf32>
    %select_n3A_185 = arith.select %eq3A_157, %broadcast_in_dim3A_183, %broadcast_in_dim3A_184 : vector<80x128xi1>, vector<80x128xf32>
    %add3A_186 = arith.addf %add3A_149, %select_n3A_185 : vector<80x128xf32>
    %jit3A_187 = arith.constant 0.000000e+00 : f32
    %broadcast_in_dim3A_188 = vector.broadcast %select_n3A_181 : f32 to vector<80x128xf32>
    %broadcast_in_dim3A_189 = vector.broadcast %jit3A_187 : f32 to vector<80x128xf32>
    %select_n3A_190 = arith.select %eq3A_157, %broadcast_in_dim3A_188, %broadcast_in_dim3A_189 : vector<80x128xi1>, vector<80x128xf32>
    %add3A_191 = arith.addf %add3A_154, %select_n3A_190 : vector<80x128xf32>
    %eq3A_192 = arith.constant 5 : i32
    %eq3A_193 = vector.broadcast %eq3A_192 : i32 to vector<80x128xi32>
    %eq3A_194 = arith.cmpi eq, %get3A_9, %eq3A_193 : vector<80x128xi32>
    %jit3A_195 = arith.constant -1.000000e+30 : f32
    %broadcast_in_dim3A_196 = vector.broadcast %jit3A_195 : f32 to vector<80x128xf32>
    %select_n3A_197 = arith.select %eq3A_194, %reduce_sum3A_3, %broadcast_in_dim3A_196 : vector<80x128xi1>, vector<80x128xf32>
    %reduce_max3A_198 = vector.shape_cast %select_n3A_197 : vector<80x128xf32> to vector<1x80x128xf32>
    %reduce_max3A_199 = arith.constant dense<0xFF800000> : vector<1xf32>
    %reduce_max3A_200 = vector.multi_reduction <maximumf>, %reduce_max3A_198, %reduce_max3A_199 [1, 2] : vector<1x80x128xf32> to vector<1xf32>
    %reduce_max3A_201 = vector.shape_cast %reduce_max3A_200 : vector<1xf32> to vector<1x1x1xf32>
    %reduce_max3A_202 = vector.extract %reduce_max3A_201[0, 0, 0] : f32 from vector<1x1x1xf32>
    %jit3A_203 = arith.constant -1.000000e+30 : f32
    %broadcast_in_dim3A_204 = vector.broadcast %jit3A_203 : f32 to vector<80x128xf32>
    %select_n3A_205 = arith.select %eq3A_194, %get3A_6, %broadcast_in_dim3A_204 : vector<80x128xi1>, vector<80x128xf32>
    %reduce_max3A_206 = vector.shape_cast %select_n3A_205 : vector<80x128xf32> to vector<1x80x128xf32>
    %reduce_max3A_207 = arith.constant dense<0xFF800000> : vector<1xf32>
    %reduce_max3A_208 = vector.multi_reduction <maximumf>, %reduce_max3A_206, %reduce_max3A_207 [1, 2] : vector<1x80x128xf32> to vector<1xf32>
    %reduce_max3A_209 = vector.shape_cast %reduce_max3A_208 : vector<1xf32> to vector<1x1x1xf32>
    %reduce_max3A_210 = vector.extract %reduce_max3A_209[0, 0, 0] : f32 from vector<1x1x1xf32>
    %gt3A_211 = arith.constant -5.000000e+29 : f32
    %gt3A_212 = arith.cmpf ogt, %reduce_max3A_202, %gt3A_211 : f32
    %jit3A_213 = arith.constant 0.000000e+00 : f32
    %select_n3A_214 = arith.select %gt3A_212, %reduce_max3A_202, %jit3A_213 : f32
    %gt3A_215 = arith.constant -5.000000e+29 : f32
    %gt3A_216 = arith.cmpf ogt, %reduce_max3A_210, %gt3A_215 : f32
    %jit3A_217 = arith.constant 0.000000e+00 : f32
    %select_n3A_218 = arith.select %gt3A_216, %reduce_max3A_210, %jit3A_217 : f32
    %jit3A_219 = arith.constant 0.000000e+00 : f32
    %broadcast_in_dim3A_220 = vector.broadcast %select_n3A_214 : f32 to vector<80x128xf32>
    %broadcast_in_dim3A_221 = vector.broadcast %jit3A_219 : f32 to vector<80x128xf32>
    %select_n3A_222 = arith.select %eq3A_194, %broadcast_in_dim3A_220, %broadcast_in_dim3A_221 : vector<80x128xi1>, vector<80x128xf32>
    %add3A_223 = arith.addf %add3A_186, %select_n3A_222 : vector<80x128xf32>
    %jit3A_224 = arith.constant 0.000000e+00 : f32
    %broadcast_in_dim3A_225 = vector.broadcast %select_n3A_218 : f32 to vector<80x128xf32>
    %broadcast_in_dim3A_226 = vector.broadcast %jit3A_224 : f32 to vector<80x128xf32>
    %select_n3A_227 = arith.select %eq3A_194, %broadcast_in_dim3A_225, %broadcast_in_dim3A_226 : vector<80x128xi1>, vector<80x128xf32>
    %add3A_228 = arith.addf %add3A_191, %select_n3A_227 : vector<80x128xf32>
    %eq3A_229 = arith.constant 6 : i32
    %eq3A_230 = vector.broadcast %eq3A_229 : i32 to vector<80x128xi32>
    %eq3A_231 = arith.cmpi eq, %get3A_9, %eq3A_230 : vector<80x128xi32>
    %jit3A_232 = arith.constant -1.000000e+30 : f32
    %broadcast_in_dim3A_233 = vector.broadcast %jit3A_232 : f32 to vector<80x128xf32>
    %select_n3A_234 = arith.select %eq3A_231, %reduce_sum3A_3, %broadcast_in_dim3A_233 : vector<80x128xi1>, vector<80x128xf32>
    %reduce_max3A_235 = vector.shape_cast %select_n3A_234 : vector<80x128xf32> to vector<1x80x128xf32>
    %reduce_max3A_236 = arith.constant dense<0xFF800000> : vector<1xf32>
    %reduce_max3A_237 = vector.multi_reduction <maximumf>, %reduce_max3A_235, %reduce_max3A_236 [1, 2] : vector<1x80x128xf32> to vector<1xf32>
    %reduce_max3A_238 = vector.shape_cast %reduce_max3A_237 : vector<1xf32> to vector<1x1x1xf32>
    %reduce_max3A_239 = vector.extract %reduce_max3A_238[0, 0, 0] : f32 from vector<1x1x1xf32>
    %jit3A_240 = arith.constant -1.000000e+30 : f32
    %broadcast_in_dim3A_241 = vector.broadcast %jit3A_240 : f32 to vector<80x128xf32>
    %select_n3A_242 = arith.select %eq3A_231, %get3A_6, %broadcast_in_dim3A_241 : vector<80x128xi1>, vector<80x128xf32>
    %reduce_max3A_243 = vector.shape_cast %select_n3A_242 : vector<80x128xf32> to vector<1x80x128xf32>
    %reduce_max3A_244 = arith.constant dense<0xFF800000> : vector<1xf32>
    %reduce_max3A_245 = vector.multi_reduction <maximumf>, %reduce_max3A_243, %reduce_max3A_244 [1, 2] : vector<1x80x128xf32> to vector<1xf32>
    %reduce_max3A_246 = vector.shape_cast %reduce_max3A_245 : vector<1xf32> to vector<1x1x1xf32>
    %reduce_max3A_247 = vector.extract %reduce_max3A_246[0, 0, 0] : f32 from vector<1x1x1xf32>
    %gt3A_248 = arith.constant -5.000000e+29 : f32
    %gt3A_249 = arith.cmpf ogt, %reduce_max3A_239, %gt3A_248 : f32
    %jit3A_250 = arith.constant 0.000000e+00 : f32
    %select_n3A_251 = arith.select %gt3A_249, %reduce_max3A_239, %jit3A_250 : f32
    %gt3A_252 = arith.constant -5.000000e+29 : f32
    %gt3A_253 = arith.cmpf ogt, %reduce_max3A_247, %gt3A_252 : f32
    %jit3A_254 = arith.constant 0.000000e+00 : f32
    %select_n3A_255 = arith.select %gt3A_253, %reduce_max3A_247, %jit3A_254 : f32
    %jit3A_256 = arith.constant 0.000000e+00 : f32
    %broadcast_in_dim3A_257 = vector.broadcast %select_n3A_251 : f32 to vector<80x128xf32>
    %broadcast_in_dim3A_258 = vector.broadcast %jit3A_256 : f32 to vector<80x128xf32>
    %select_n3A_259 = arith.select %eq3A_231, %broadcast_in_dim3A_257, %broadcast_in_dim3A_258 : vector<80x128xi1>, vector<80x128xf32>
    %add3A_260 = arith.addf %add3A_223, %select_n3A_259 : vector<80x128xf32>
    %jit3A_261 = arith.constant 0.000000e+00 : f32
    %broadcast_in_dim3A_262 = vector.broadcast %select_n3A_255 : f32 to vector<80x128xf32>
    %broadcast_in_dim3A_263 = vector.broadcast %jit3A_261 : f32 to vector<80x128xf32>
    %select_n3A_264 = arith.select %eq3A_231, %broadcast_in_dim3A_262, %broadcast_in_dim3A_263 : vector<80x128xi1>, vector<80x128xf32>
    %add3A_265 = arith.addf %add3A_228, %select_n3A_264 : vector<80x128xf32>
    %eq3A_266 = arith.constant 7 : i32
    %eq3A_267 = vector.broadcast %eq3A_266 : i32 to vector<80x128xi32>
    %eq3A_268 = arith.cmpi eq, %get3A_9, %eq3A_267 : vector<80x128xi32>
    %jit3A_269 = arith.constant -1.000000e+30 : f32
    %broadcast_in_dim3A_270 = vector.broadcast %jit3A_269 : f32 to vector<80x128xf32>
    %select_n3A_271 = arith.select %eq3A_268, %reduce_sum3A_3, %broadcast_in_dim3A_270 : vector<80x128xi1>, vector<80x128xf32>
    %reduce_max3A_272 = vector.shape_cast %select_n3A_271 : vector<80x128xf32> to vector<1x80x128xf32>
    %reduce_max3A_273 = arith.constant dense<0xFF800000> : vector<1xf32>
    %reduce_max3A_274 = vector.multi_reduction <maximumf>, %reduce_max3A_272, %reduce_max3A_273 [1, 2] : vector<1x80x128xf32> to vector<1xf32>
    %reduce_max3A_275 = vector.shape_cast %reduce_max3A_274 : vector<1xf32> to vector<1x1x1xf32>
    %reduce_max3A_276 = vector.extract %reduce_max3A_275[0, 0, 0] : f32 from vector<1x1x1xf32>
    %jit3A_277 = arith.constant -1.000000e+30 : f32
    %broadcast_in_dim3A_278 = vector.broadcast %jit3A_277 : f32 to vector<80x128xf32>
    %select_n3A_279 = arith.select %eq3A_268, %get3A_6, %broadcast_in_dim3A_278 : vector<80x128xi1>, vector<80x128xf32>
    %reduce_max3A_280 = vector.shape_cast %select_n3A_279 : vector<80x128xf32> to vector<1x80x128xf32>
    %reduce_max3A_281 = arith.constant dense<0xFF800000> : vector<1xf32>
    %reduce_max3A_282 = vector.multi_reduction <maximumf>, %reduce_max3A_280, %reduce_max3A_281 [1, 2] : vector<1x80x128xf32> to vector<1xf32>
    %reduce_max3A_283 = vector.shape_cast %reduce_max3A_282 : vector<1xf32> to vector<1x1x1xf32>
    %reduce_max3A_284 = vector.extract %reduce_max3A_283[0, 0, 0] : f32 from vector<1x1x1xf32>
    %gt3A_285 = arith.constant -5.000000e+29 : f32
    %gt3A_286 = arith.cmpf ogt, %reduce_max3A_276, %gt3A_285 : f32
    %jit3A_287 = arith.constant 0.000000e+00 : f32
    %select_n3A_288 = arith.select %gt3A_286, %reduce_max3A_276, %jit3A_287 : f32
    %gt3A_289 = arith.constant -5.000000e+29 : f32
    %gt3A_290 = arith.cmpf ogt, %reduce_max3A_284, %gt3A_289 : f32
    %jit3A_291 = arith.constant 0.000000e+00 : f32
    %select_n3A_292 = arith.select %gt3A_290, %reduce_max3A_284, %jit3A_291 : f32
    %jit3A_293 = arith.constant 0.000000e+00 : f32
    %broadcast_in_dim3A_294 = vector.broadcast %select_n3A_288 : f32 to vector<80x128xf32>
    %broadcast_in_dim3A_295 = vector.broadcast %jit3A_293 : f32 to vector<80x128xf32>
    %select_n3A_296 = arith.select %eq3A_268, %broadcast_in_dim3A_294, %broadcast_in_dim3A_295 : vector<80x128xi1>, vector<80x128xf32>
    %add3A_297 = arith.addf %add3A_260, %select_n3A_296 : vector<80x128xf32>
    %jit3A_298 = arith.constant 0.000000e+00 : f32
    %broadcast_in_dim3A_299 = vector.broadcast %select_n3A_292 : f32 to vector<80x128xf32>
    %broadcast_in_dim3A_300 = vector.broadcast %jit3A_298 : f32 to vector<80x128xf32>
    %select_n3A_301 = arith.select %eq3A_268, %broadcast_in_dim3A_299, %broadcast_in_dim3A_300 : vector<80x128xi1>, vector<80x128xf32>
    %add3A_302 = arith.addf %add3A_265, %select_n3A_301 : vector<80x128xf32>
    %eq3A_303 = arith.constant 8 : i32
    %eq3A_304 = vector.broadcast %eq3A_303 : i32 to vector<80x128xi32>
    %eq3A_305 = arith.cmpi eq, %get3A_9, %eq3A_304 : vector<80x128xi32>
    %jit3A_306 = arith.constant -1.000000e+30 : f32
    %broadcast_in_dim3A_307 = vector.broadcast %jit3A_306 : f32 to vector<80x128xf32>
    %select_n3A_308 = arith.select %eq3A_305, %reduce_sum3A_3, %broadcast_in_dim3A_307 : vector<80x128xi1>, vector<80x128xf32>
    %reduce_max3A_309 = vector.shape_cast %select_n3A_308 : vector<80x128xf32> to vector<1x80x128xf32>
    %reduce_max3A_310 = arith.constant dense<0xFF800000> : vector<1xf32>
    %reduce_max3A_311 = vector.multi_reduction <maximumf>, %reduce_max3A_309, %reduce_max3A_310 [1, 2] : vector<1x80x128xf32> to vector<1xf32>
    %reduce_max3A_312 = vector.shape_cast %reduce_max3A_311 : vector<1xf32> to vector<1x1x1xf32>
    %reduce_max3A_313 = vector.extract %reduce_max3A_312[0, 0, 0] : f32 from vector<1x1x1xf32>
    %jit3A_314 = arith.constant -1.000000e+30 : f32
    %broadcast_in_dim3A_315 = vector.broadcast %jit3A_314 : f32 to vector<80x128xf32>
    %select_n3A_316 = arith.select %eq3A_305, %get3A_6, %broadcast_in_dim3A_315 : vector<80x128xi1>, vector<80x128xf32>
    %reduce_max3A_317 = vector.shape_cast %select_n3A_316 : vector<80x128xf32> to vector<1x80x128xf32>
    %reduce_max3A_318 = arith.constant dense<0xFF800000> : vector<1xf32>
    %reduce_max3A_319 = vector.multi_reduction <maximumf>, %reduce_max3A_317, %reduce_max3A_318 [1, 2] : vector<1x80x128xf32> to vector<1xf32>
    %reduce_max3A_320 = vector.shape_cast %reduce_max3A_319 : vector<1xf32> to vector<1x1x1xf32>
    %reduce_max3A_321 = vector.extract %reduce_max3A_320[0, 0, 0] : f32 from vector<1x1x1xf32>
    %gt3A_322 = arith.constant -5.000000e+29 : f32
    %gt3A_323 = arith.cmpf ogt, %reduce_max3A_313, %gt3A_322 : f32
    %jit3A_324 = arith.constant 0.000000e+00 : f32
    %select_n3A_325 = arith.select %gt3A_323, %reduce_max3A_313, %jit3A_324 : f32
    %gt3A_326 = arith.constant -5.000000e+29 : f32
    %gt3A_327 = arith.cmpf ogt, %reduce_max3A_321, %gt3A_326 : f32
    %jit3A_328 = arith.constant 0.000000e+00 : f32
    %select_n3A_329 = arith.select %gt3A_327, %reduce_max3A_321, %jit3A_328 : f32
    %jit3A_330 = arith.constant 0.000000e+00 : f32
    %broadcast_in_dim3A_331 = vector.broadcast %select_n3A_325 : f32 to vector<80x128xf32>
    %broadcast_in_dim3A_332 = vector.broadcast %jit3A_330 : f32 to vector<80x128xf32>
    %select_n3A_333 = arith.select %eq3A_305, %broadcast_in_dim3A_331, %broadcast_in_dim3A_332 : vector<80x128xi1>, vector<80x128xf32>
    %add3A_334 = arith.addf %add3A_297, %select_n3A_333 : vector<80x128xf32>
    %jit3A_335 = arith.constant 0.000000e+00 : f32
    %broadcast_in_dim3A_336 = vector.broadcast %select_n3A_329 : f32 to vector<80x128xf32>
    %broadcast_in_dim3A_337 = vector.broadcast %jit3A_335 : f32 to vector<80x128xf32>
    %select_n3A_338 = arith.select %eq3A_305, %broadcast_in_dim3A_336, %broadcast_in_dim3A_337 : vector<80x128xi1>, vector<80x128xf32>
    %add3A_339 = arith.addf %add3A_302, %select_n3A_338 : vector<80x128xf32>
    %eq3A_340 = arith.constant 9 : i32
    %eq3A_341 = vector.broadcast %eq3A_340 : i32 to vector<80x128xi32>
    %eq3A_342 = arith.cmpi eq, %get3A_9, %eq3A_341 : vector<80x128xi32>
    %jit3A_343 = arith.constant -1.000000e+30 : f32
    %broadcast_in_dim3A_344 = vector.broadcast %jit3A_343 : f32 to vector<80x128xf32>
    %select_n3A_345 = arith.select %eq3A_342, %reduce_sum3A_3, %broadcast_in_dim3A_344 : vector<80x128xi1>, vector<80x128xf32>
    %reduce_max3A_346 = vector.shape_cast %select_n3A_345 : vector<80x128xf32> to vector<1x80x128xf32>
    %reduce_max3A_347 = arith.constant dense<0xFF800000> : vector<1xf32>
    %reduce_max3A_348 = vector.multi_reduction <maximumf>, %reduce_max3A_346, %reduce_max3A_347 [1, 2] : vector<1x80x128xf32> to vector<1xf32>
    %reduce_max3A_349 = vector.shape_cast %reduce_max3A_348 : vector<1xf32> to vector<1x1x1xf32>
    %reduce_max3A_350 = vector.extract %reduce_max3A_349[0, 0, 0] : f32 from vector<1x1x1xf32>
    %jit3A_351 = arith.constant -1.000000e+30 : f32
    %broadcast_in_dim3A_352 = vector.broadcast %jit3A_351 : f32 to vector<80x128xf32>
    %select_n3A_353 = arith.select %eq3A_342, %get3A_6, %broadcast_in_dim3A_352 : vector<80x128xi1>, vector<80x128xf32>
    %reduce_max3A_354 = vector.shape_cast %select_n3A_353 : vector<80x128xf32> to vector<1x80x128xf32>
    %reduce_max3A_355 = arith.constant dense<0xFF800000> : vector<1xf32>
    %reduce_max3A_356 = vector.multi_reduction <maximumf>, %reduce_max3A_354, %reduce_max3A_355 [1, 2] : vector<1x80x128xf32> to vector<1xf32>
    %reduce_max3A_357 = vector.shape_cast %reduce_max3A_356 : vector<1xf32> to vector<1x1x1xf32>
    %reduce_max3A_358 = vector.extract %reduce_max3A_357[0, 0, 0] : f32 from vector<1x1x1xf32>
    %gt3A_359 = arith.constant -5.000000e+29 : f32
    %gt3A_360 = arith.cmpf ogt, %reduce_max3A_350, %gt3A_359 : f32
    %jit3A_361 = arith.constant 0.000000e+00 : f32
    %select_n3A_362 = arith.select %gt3A_360, %reduce_max3A_350, %jit3A_361 : f32
    %gt3A_363 = arith.constant -5.000000e+29 : f32
    %gt3A_364 = arith.cmpf ogt, %reduce_max3A_358, %gt3A_363 : f32
    %jit3A_365 = arith.constant 0.000000e+00 : f32
    %select_n3A_366 = arith.select %gt3A_364, %reduce_max3A_358, %jit3A_365 : f32
    %jit3A_367 = arith.constant 0.000000e+00 : f32
    %broadcast_in_dim3A_368 = vector.broadcast %select_n3A_362 : f32 to vector<80x128xf32>
    %broadcast_in_dim3A_369 = vector.broadcast %jit3A_367 : f32 to vector<80x128xf32>
    %select_n3A_370 = arith.select %eq3A_342, %broadcast_in_dim3A_368, %broadcast_in_dim3A_369 : vector<80x128xi1>, vector<80x128xf32>
    %add3A_371 = arith.addf %add3A_334, %select_n3A_370 : vector<80x128xf32>
    %jit3A_372 = arith.constant 0.000000e+00 : f32
    %broadcast_in_dim3A_373 = vector.broadcast %select_n3A_366 : f32 to vector<80x128xf32>
    %broadcast_in_dim3A_374 = vector.broadcast %jit3A_372 : f32 to vector<80x128xf32>
    %select_n3A_375 = arith.select %eq3A_342, %broadcast_in_dim3A_373, %broadcast_in_dim3A_374 : vector<80x128xi1>, vector<80x128xf32>
    %add3A_376 = arith.addf %add3A_339, %select_n3A_375 : vector<80x128xf32>
    %eq3A_377 = arith.constant 10 : i32
    %eq3A_378 = vector.broadcast %eq3A_377 : i32 to vector<80x128xi32>
    %eq3A_379 = arith.cmpi eq, %get3A_9, %eq3A_378 : vector<80x128xi32>
    %jit3A_380 = arith.constant -1.000000e+30 : f32
    %broadcast_in_dim3A_381 = vector.broadcast %jit3A_380 : f32 to vector<80x128xf32>
    %select_n3A_382 = arith.select %eq3A_379, %reduce_sum3A_3, %broadcast_in_dim3A_381 : vector<80x128xi1>, vector<80x128xf32>
    %reduce_max3A_383 = vector.shape_cast %select_n3A_382 : vector<80x128xf32> to vector<1x80x128xf32>
    %reduce_max3A_384 = arith.constant dense<0xFF800000> : vector<1xf32>
    %reduce_max3A_385 = vector.multi_reduction <maximumf>, %reduce_max3A_383, %reduce_max3A_384 [1, 2] : vector<1x80x128xf32> to vector<1xf32>
    %reduce_max3A_386 = vector.shape_cast %reduce_max3A_385 : vector<1xf32> to vector<1x1x1xf32>
    %reduce_max3A_387 = vector.extract %reduce_max3A_386[0, 0, 0] : f32 from vector<1x1x1xf32>
    %jit3A_388 = arith.constant -1.000000e+30 : f32
    %broadcast_in_dim3A_389 = vector.broadcast %jit3A_388 : f32 to vector<80x128xf32>
    %select_n3A_390 = arith.select %eq3A_379, %get3A_6, %broadcast_in_dim3A_389 : vector<80x128xi1>, vector<80x128xf32>
    %reduce_max3A_391 = vector.shape_cast %select_n3A_390 : vector<80x128xf32> to vector<1x80x128xf32>
    %reduce_max3A_392 = arith.constant dense<0xFF800000> : vector<1xf32>
    %reduce_max3A_393 = vector.multi_reduction <maximumf>, %reduce_max3A_391, %reduce_max3A_392 [1, 2] : vector<1x80x128xf32> to vector<1xf32>
    %reduce_max3A_394 = vector.shape_cast %reduce_max3A_393 : vector<1xf32> to vector<1x1x1xf32>
    %reduce_max3A_395 = vector.extract %reduce_max3A_394[0, 0, 0] : f32 from vector<1x1x1xf32>
    %gt3A_396 = arith.constant -5.000000e+29 : f32
    %gt3A_397 = arith.cmpf ogt, %reduce_max3A_387, %gt3A_396 : f32
    %jit3A_398 = arith.constant 0.000000e+00 : f32
    %select_n3A_399 = arith.select %gt3A_397, %reduce_max3A_387, %jit3A_398 : f32
    %gt3A_400 = arith.constant -5.000000e+29 : f32
    %gt3A_401 = arith.cmpf ogt, %reduce_max3A_395, %gt3A_400 : f32
    %jit3A_402 = arith.constant 0.000000e+00 : f32
    %select_n3A_403 = arith.select %gt3A_401, %reduce_max3A_395, %jit3A_402 : f32
    %jit3A_404 = arith.constant 0.000000e+00 : f32
    %broadcast_in_dim3A_405 = vector.broadcast %select_n3A_399 : f32 to vector<80x128xf32>
    %broadcast_in_dim3A_406 = vector.broadcast %jit3A_404 : f32 to vector<80x128xf32>
    %select_n3A_407 = arith.select %eq3A_379, %broadcast_in_dim3A_405, %broadcast_in_dim3A_406 : vector<80x128xi1>, vector<80x128xf32>
    %add3A_408 = arith.addf %add3A_371, %select_n3A_407 : vector<80x128xf32>
    %jit3A_409 = arith.constant 0.000000e+00 : f32
    %broadcast_in_dim3A_410 = vector.broadcast %select_n3A_403 : f32 to vector<80x128xf32>
    %broadcast_in_dim3A_411 = vector.broadcast %jit3A_409 : f32 to vector<80x128xf32>
    %select_n3A_412 = arith.select %eq3A_379, %broadcast_in_dim3A_410, %broadcast_in_dim3A_411 : vector<80x128xi1>, vector<80x128xf32>
    %add3A_413 = arith.addf %add3A_376, %select_n3A_412 : vector<80x128xf32>
    %eq3A_414 = arith.constant 11 : i32
    %eq3A_415 = vector.broadcast %eq3A_414 : i32 to vector<80x128xi32>
    %eq3A_416 = arith.cmpi eq, %get3A_9, %eq3A_415 : vector<80x128xi32>
    %jit3A_417 = arith.constant -1.000000e+30 : f32
    %broadcast_in_dim3A_418 = vector.broadcast %jit3A_417 : f32 to vector<80x128xf32>
    %select_n3A_419 = arith.select %eq3A_416, %reduce_sum3A_3, %broadcast_in_dim3A_418 : vector<80x128xi1>, vector<80x128xf32>
    %reduce_max3A_420 = vector.shape_cast %select_n3A_419 : vector<80x128xf32> to vector<1x80x128xf32>
    %reduce_max3A_421 = arith.constant dense<0xFF800000> : vector<1xf32>
    %reduce_max3A_422 = vector.multi_reduction <maximumf>, %reduce_max3A_420, %reduce_max3A_421 [1, 2] : vector<1x80x128xf32> to vector<1xf32>
    %reduce_max3A_423 = vector.shape_cast %reduce_max3A_422 : vector<1xf32> to vector<1x1x1xf32>
    %reduce_max3A_424 = vector.extract %reduce_max3A_423[0, 0, 0] : f32 from vector<1x1x1xf32>
    %jit3A_425 = arith.constant -1.000000e+30 : f32
    %broadcast_in_dim3A_426 = vector.broadcast %jit3A_425 : f32 to vector<80x128xf32>
    %select_n3A_427 = arith.select %eq3A_416, %get3A_6, %broadcast_in_dim3A_426 : vector<80x128xi1>, vector<80x128xf32>
    %reduce_max3A_428 = vector.shape_cast %select_n3A_427 : vector<80x128xf32> to vector<1x80x128xf32>
    %reduce_max3A_429 = arith.constant dense<0xFF800000> : vector<1xf32>
    %reduce_max3A_430 = vector.multi_reduction <maximumf>, %reduce_max3A_428, %reduce_max3A_429 [1, 2] : vector<1x80x128xf32> to vector<1xf32>
    %reduce_max3A_431 = vector.shape_cast %reduce_max3A_430 : vector<1xf32> to vector<1x1x1xf32>
    %reduce_max3A_432 = vector.extract %reduce_max3A_431[0, 0, 0] : f32 from vector<1x1x1xf32>
    %gt3A_433 = arith.constant -5.000000e+29 : f32
    %gt3A_434 = arith.cmpf ogt, %reduce_max3A_424, %gt3A_433 : f32
    %jit3A_435 = arith.constant 0.000000e+00 : f32
    %select_n3A_436 = arith.select %gt3A_434, %reduce_max3A_424, %jit3A_435 : f32
    %gt3A_437 = arith.constant -5.000000e+29 : f32
    %gt3A_438 = arith.cmpf ogt, %reduce_max3A_432, %gt3A_437 : f32
    %jit3A_439 = arith.constant 0.000000e+00 : f32
    %select_n3A_440 = arith.select %gt3A_438, %reduce_max3A_432, %jit3A_439 : f32
    %jit3A_441 = arith.constant 0.000000e+00 : f32
    %broadcast_in_dim3A_442 = vector.broadcast %select_n3A_436 : f32 to vector<80x128xf32>
    %broadcast_in_dim3A_443 = vector.broadcast %jit3A_441 : f32 to vector<80x128xf32>
    %select_n3A_444 = arith.select %eq3A_416, %broadcast_in_dim3A_442, %broadcast_in_dim3A_443 : vector<80x128xi1>, vector<80x128xf32>
    %add3A_445 = arith.addf %add3A_408, %select_n3A_444 : vector<80x128xf32>
    %jit3A_446 = arith.constant 0.000000e+00 : f32
    %broadcast_in_dim3A_447 = vector.broadcast %select_n3A_440 : f32 to vector<80x128xf32>
    %broadcast_in_dim3A_448 = vector.broadcast %jit3A_446 : f32 to vector<80x128xf32>
    %select_n3A_449 = arith.select %eq3A_416, %broadcast_in_dim3A_447, %broadcast_in_dim3A_448 : vector<80x128xi1>, vector<80x128xf32>
    %add3A_450 = arith.addf %add3A_413, %select_n3A_449 : vector<80x128xf32>
    %eq3A_451 = arith.constant 12 : i32
    %eq3A_452 = vector.broadcast %eq3A_451 : i32 to vector<80x128xi32>
    %eq3A_453 = arith.cmpi eq, %get3A_9, %eq3A_452 : vector<80x128xi32>
    %jit3A_454 = arith.constant -1.000000e+30 : f32
    %broadcast_in_dim3A_455 = vector.broadcast %jit3A_454 : f32 to vector<80x128xf32>
    %select_n3A_456 = arith.select %eq3A_453, %reduce_sum3A_3, %broadcast_in_dim3A_455 : vector<80x128xi1>, vector<80x128xf32>
    %reduce_max3A_457 = vector.shape_cast %select_n3A_456 : vector<80x128xf32> to vector<1x80x128xf32>
    %reduce_max3A_458 = arith.constant dense<0xFF800000> : vector<1xf32>
    %reduce_max3A_459 = vector.multi_reduction <maximumf>, %reduce_max3A_457, %reduce_max3A_458 [1, 2] : vector<1x80x128xf32> to vector<1xf32>
    %reduce_max3A_460 = vector.shape_cast %reduce_max3A_459 : vector<1xf32> to vector<1x1x1xf32>
    %reduce_max3A_461 = vector.extract %reduce_max3A_460[0, 0, 0] : f32 from vector<1x1x1xf32>
    %jit3A_462 = arith.constant -1.000000e+30 : f32
    %broadcast_in_dim3A_463 = vector.broadcast %jit3A_462 : f32 to vector<80x128xf32>
    %select_n3A_464 = arith.select %eq3A_453, %get3A_6, %broadcast_in_dim3A_463 : vector<80x128xi1>, vector<80x128xf32>
    %reduce_max3A_465 = vector.shape_cast %select_n3A_464 : vector<80x128xf32> to vector<1x80x128xf32>
    %reduce_max3A_466 = arith.constant dense<0xFF800000> : vector<1xf32>
    %reduce_max3A_467 = vector.multi_reduction <maximumf>, %reduce_max3A_465, %reduce_max3A_466 [1, 2] : vector<1x80x128xf32> to vector<1xf32>
    %reduce_max3A_468 = vector.shape_cast %reduce_max3A_467 : vector<1xf32> to vector<1x1x1xf32>
    %reduce_max3A_469 = vector.extract %reduce_max3A_468[0, 0, 0] : f32 from vector<1x1x1xf32>
    %gt3A_470 = arith.constant -5.000000e+29 : f32
    %gt3A_471 = arith.cmpf ogt, %reduce_max3A_461, %gt3A_470 : f32
    %jit3A_472 = arith.constant 0.000000e+00 : f32
    %select_n3A_473 = arith.select %gt3A_471, %reduce_max3A_461, %jit3A_472 : f32
    %gt3A_474 = arith.constant -5.000000e+29 : f32
    %gt3A_475 = arith.cmpf ogt, %reduce_max3A_469, %gt3A_474 : f32
    %jit3A_476 = arith.constant 0.000000e+00 : f32
    %select_n3A_477 = arith.select %gt3A_475, %reduce_max3A_469, %jit3A_476 : f32
    %jit3A_478 = arith.constant 0.000000e+00 : f32
    %broadcast_in_dim3A_479 = vector.broadcast %select_n3A_473 : f32 to vector<80x128xf32>
    %broadcast_in_dim3A_480 = vector.broadcast %jit3A_478 : f32 to vector<80x128xf32>
    %select_n3A_481 = arith.select %eq3A_453, %broadcast_in_dim3A_479, %broadcast_in_dim3A_480 : vector<80x128xi1>, vector<80x128xf32>
    %add3A_482 = arith.addf %add3A_445, %select_n3A_481 : vector<80x128xf32>
    %jit3A_483 = arith.constant 0.000000e+00 : f32
    %broadcast_in_dim3A_484 = vector.broadcast %select_n3A_477 : f32 to vector<80x128xf32>
    %broadcast_in_dim3A_485 = vector.broadcast %jit3A_483 : f32 to vector<80x128xf32>
    %select_n3A_486 = arith.select %eq3A_453, %broadcast_in_dim3A_484, %broadcast_in_dim3A_485 : vector<80x128xi1>, vector<80x128xf32>
    %add3A_487 = arith.addf %add3A_450, %select_n3A_486 : vector<80x128xf32>
    %eq3A_488 = arith.constant 13 : i32
    %eq3A_489 = vector.broadcast %eq3A_488 : i32 to vector<80x128xi32>
    %eq3A_490 = arith.cmpi eq, %get3A_9, %eq3A_489 : vector<80x128xi32>
    %jit3A_491 = arith.constant -1.000000e+30 : f32
    %broadcast_in_dim3A_492 = vector.broadcast %jit3A_491 : f32 to vector<80x128xf32>
    %select_n3A_493 = arith.select %eq3A_490, %reduce_sum3A_3, %broadcast_in_dim3A_492 : vector<80x128xi1>, vector<80x128xf32>
    %reduce_max3A_494 = vector.shape_cast %select_n3A_493 : vector<80x128xf32> to vector<1x80x128xf32>
    %reduce_max3A_495 = arith.constant dense<0xFF800000> : vector<1xf32>
    %reduce_max3A_496 = vector.multi_reduction <maximumf>, %reduce_max3A_494, %reduce_max3A_495 [1, 2] : vector<1x80x128xf32> to vector<1xf32>
    %reduce_max3A_497 = vector.shape_cast %reduce_max3A_496 : vector<1xf32> to vector<1x1x1xf32>
    %reduce_max3A_498 = vector.extract %reduce_max3A_497[0, 0, 0] : f32 from vector<1x1x1xf32>
    %jit3A_499 = arith.constant -1.000000e+30 : f32
    %broadcast_in_dim3A_500 = vector.broadcast %jit3A_499 : f32 to vector<80x128xf32>
    %select_n3A_501 = arith.select %eq3A_490, %get3A_6, %broadcast_in_dim3A_500 : vector<80x128xi1>, vector<80x128xf32>
    %reduce_max3A_502 = vector.shape_cast %select_n3A_501 : vector<80x128xf32> to vector<1x80x128xf32>
    %reduce_max3A_503 = arith.constant dense<0xFF800000> : vector<1xf32>
    %reduce_max3A_504 = vector.multi_reduction <maximumf>, %reduce_max3A_502, %reduce_max3A_503 [1, 2] : vector<1x80x128xf32> to vector<1xf32>
    %reduce_max3A_505 = vector.shape_cast %reduce_max3A_504 : vector<1xf32> to vector<1x1x1xf32>
    %reduce_max3A_506 = vector.extract %reduce_max3A_505[0, 0, 0] : f32 from vector<1x1x1xf32>
    %gt3A_507 = arith.constant -5.000000e+29 : f32
    %gt3A_508 = arith.cmpf ogt, %reduce_max3A_498, %gt3A_507 : f32
    %jit3A_509 = arith.constant 0.000000e+00 : f32
    %select_n3A_510 = arith.select %gt3A_508, %reduce_max3A_498, %jit3A_509 : f32
    %gt3A_511 = arith.constant -5.000000e+29 : f32
    %gt3A_512 = arith.cmpf ogt, %reduce_max3A_506, %gt3A_511 : f32
    %jit3A_513 = arith.constant 0.000000e+00 : f32
    %select_n3A_514 = arith.select %gt3A_512, %reduce_max3A_506, %jit3A_513 : f32
    %jit3A_515 = arith.constant 0.000000e+00 : f32
    %broadcast_in_dim3A_516 = vector.broadcast %select_n3A_510 : f32 to vector<80x128xf32>
    %broadcast_in_dim3A_517 = vector.broadcast %jit3A_515 : f32 to vector<80x128xf32>
    %select_n3A_518 = arith.select %eq3A_490, %broadcast_in_dim3A_516, %broadcast_in_dim3A_517 : vector<80x128xi1>, vector<80x128xf32>
    %add3A_519 = arith.addf %add3A_482, %select_n3A_518 : vector<80x128xf32>
    %jit3A_520 = arith.constant 0.000000e+00 : f32
    %broadcast_in_dim3A_521 = vector.broadcast %select_n3A_514 : f32 to vector<80x128xf32>
    %broadcast_in_dim3A_522 = vector.broadcast %jit3A_520 : f32 to vector<80x128xf32>
    %select_n3A_523 = arith.select %eq3A_490, %broadcast_in_dim3A_521, %broadcast_in_dim3A_522 : vector<80x128xi1>, vector<80x128xf32>
    %add3A_524 = arith.addf %add3A_487, %select_n3A_523 : vector<80x128xf32>
    %eq3A_525 = arith.constant 14 : i32
    %eq3A_526 = vector.broadcast %eq3A_525 : i32 to vector<80x128xi32>
    %eq3A_527 = arith.cmpi eq, %get3A_9, %eq3A_526 : vector<80x128xi32>
    %jit3A_528 = arith.constant -1.000000e+30 : f32
    %broadcast_in_dim3A_529 = vector.broadcast %jit3A_528 : f32 to vector<80x128xf32>
    %select_n3A_530 = arith.select %eq3A_527, %reduce_sum3A_3, %broadcast_in_dim3A_529 : vector<80x128xi1>, vector<80x128xf32>
    %reduce_max3A_531 = vector.shape_cast %select_n3A_530 : vector<80x128xf32> to vector<1x80x128xf32>
    %reduce_max3A_532 = arith.constant dense<0xFF800000> : vector<1xf32>
    %reduce_max3A_533 = vector.multi_reduction <maximumf>, %reduce_max3A_531, %reduce_max3A_532 [1, 2] : vector<1x80x128xf32> to vector<1xf32>
    %reduce_max3A_534 = vector.shape_cast %reduce_max3A_533 : vector<1xf32> to vector<1x1x1xf32>
    %reduce_max3A_535 = vector.extract %reduce_max3A_534[0, 0, 0] : f32 from vector<1x1x1xf32>
    %jit3A_536 = arith.constant -1.000000e+30 : f32
    %broadcast_in_dim3A_537 = vector.broadcast %jit3A_536 : f32 to vector<80x128xf32>
    %select_n3A_538 = arith.select %eq3A_527, %get3A_6, %broadcast_in_dim3A_537 : vector<80x128xi1>, vector<80x128xf32>
    %reduce_max3A_539 = vector.shape_cast %select_n3A_538 : vector<80x128xf32> to vector<1x80x128xf32>
    %reduce_max3A_540 = arith.constant dense<0xFF800000> : vector<1xf32>
    %reduce_max3A_541 = vector.multi_reduction <maximumf>, %reduce_max3A_539, %reduce_max3A_540 [1, 2] : vector<1x80x128xf32> to vector<1xf32>
    %reduce_max3A_542 = vector.shape_cast %reduce_max3A_541 : vector<1xf32> to vector<1x1x1xf32>
    %reduce_max3A_543 = vector.extract %reduce_max3A_542[0, 0, 0] : f32 from vector<1x1x1xf32>
    %gt3A_544 = arith.constant -5.000000e+29 : f32
    %gt3A_545 = arith.cmpf ogt, %reduce_max3A_535, %gt3A_544 : f32
    %jit3A_546 = arith.constant 0.000000e+00 : f32
    %select_n3A_547 = arith.select %gt3A_545, %reduce_max3A_535, %jit3A_546 : f32
    %gt3A_548 = arith.constant -5.000000e+29 : f32
    %gt3A_549 = arith.cmpf ogt, %reduce_max3A_543, %gt3A_548 : f32
    %jit3A_550 = arith.constant 0.000000e+00 : f32
    %select_n3A_551 = arith.select %gt3A_549, %reduce_max3A_543, %jit3A_550 : f32
    %jit3A_552 = arith.constant 0.000000e+00 : f32
    %broadcast_in_dim3A_553 = vector.broadcast %select_n3A_547 : f32 to vector<80x128xf32>
    %broadcast_in_dim3A_554 = vector.broadcast %jit3A_552 : f32 to vector<80x128xf32>
    %select_n3A_555 = arith.select %eq3A_527, %broadcast_in_dim3A_553, %broadcast_in_dim3A_554 : vector<80x128xi1>, vector<80x128xf32>
    %add3A_556 = arith.addf %add3A_519, %select_n3A_555 : vector<80x128xf32>
    %jit3A_557 = arith.constant 0.000000e+00 : f32
    %broadcast_in_dim3A_558 = vector.broadcast %select_n3A_551 : f32 to vector<80x128xf32>
    %broadcast_in_dim3A_559 = vector.broadcast %jit3A_557 : f32 to vector<80x128xf32>
    %select_n3A_560 = arith.select %eq3A_527, %broadcast_in_dim3A_558, %broadcast_in_dim3A_559 : vector<80x128xi1>, vector<80x128xf32>
    %add3A_561 = arith.addf %add3A_524, %select_n3A_560 : vector<80x128xf32>
    %eq3A_562 = arith.constant 15 : i32
    %eq3A_563 = vector.broadcast %eq3A_562 : i32 to vector<80x128xi32>
    %eq3A_564 = arith.cmpi eq, %get3A_9, %eq3A_563 : vector<80x128xi32>
    %jit3A_565 = arith.constant -1.000000e+30 : f32
    %broadcast_in_dim3A_566 = vector.broadcast %jit3A_565 : f32 to vector<80x128xf32>
    %select_n3A_567 = arith.select %eq3A_564, %reduce_sum3A_3, %broadcast_in_dim3A_566 : vector<80x128xi1>, vector<80x128xf32>
    %reduce_max3A_568 = vector.shape_cast %select_n3A_567 : vector<80x128xf32> to vector<1x80x128xf32>
    %reduce_max3A_569 = arith.constant dense<0xFF800000> : vector<1xf32>
    %reduce_max3A_570 = vector.multi_reduction <maximumf>, %reduce_max3A_568, %reduce_max3A_569 [1, 2] : vector<1x80x128xf32> to vector<1xf32>
    %reduce_max3A_571 = vector.shape_cast %reduce_max3A_570 : vector<1xf32> to vector<1x1x1xf32>
    %reduce_max3A_572 = vector.extract %reduce_max3A_571[0, 0, 0] : f32 from vector<1x1x1xf32>
    %jit3A_573 = arith.constant -1.000000e+30 : f32
    %broadcast_in_dim3A_574 = vector.broadcast %jit3A_573 : f32 to vector<80x128xf32>
    %select_n3A_575 = arith.select %eq3A_564, %get3A_6, %broadcast_in_dim3A_574 : vector<80x128xi1>, vector<80x128xf32>
    %reduce_max3A_576 = vector.shape_cast %select_n3A_575 : vector<80x128xf32> to vector<1x80x128xf32>
    %reduce_max3A_577 = arith.constant dense<0xFF800000> : vector<1xf32>
    %reduce_max3A_578 = vector.multi_reduction <maximumf>, %reduce_max3A_576, %reduce_max3A_577 [1, 2] : vector<1x80x128xf32> to vector<1xf32>
    %reduce_max3A_579 = vector.shape_cast %reduce_max3A_578 : vector<1xf32> to vector<1x1x1xf32>
    %reduce_max3A_580 = vector.extract %reduce_max3A_579[0, 0, 0] : f32 from vector<1x1x1xf32>
    %gt3A_581 = arith.constant -5.000000e+29 : f32
    %gt3A_582 = arith.cmpf ogt, %reduce_max3A_572, %gt3A_581 : f32
    %jit3A_583 = arith.constant 0.000000e+00 : f32
    %select_n3A_584 = arith.select %gt3A_582, %reduce_max3A_572, %jit3A_583 : f32
    %gt3A_585 = arith.constant -5.000000e+29 : f32
    %gt3A_586 = arith.cmpf ogt, %reduce_max3A_580, %gt3A_585 : f32
    %jit3A_587 = arith.constant 0.000000e+00 : f32
    %select_n3A_588 = arith.select %gt3A_586, %reduce_max3A_580, %jit3A_587 : f32
    %jit3A_589 = arith.constant 0.000000e+00 : f32
    %broadcast_in_dim3A_590 = vector.broadcast %select_n3A_584 : f32 to vector<80x128xf32>
    %broadcast_in_dim3A_591 = vector.broadcast %jit3A_589 : f32 to vector<80x128xf32>
    %select_n3A_592 = arith.select %eq3A_564, %broadcast_in_dim3A_590, %broadcast_in_dim3A_591 : vector<80x128xi1>, vector<80x128xf32>
    %add3A_593 = arith.addf %add3A_556, %select_n3A_592 : vector<80x128xf32>
    %jit3A_594 = arith.constant 0.000000e+00 : f32
    %broadcast_in_dim3A_595 = vector.broadcast %select_n3A_588 : f32 to vector<80x128xf32>
    %broadcast_in_dim3A_596 = vector.broadcast %jit3A_594 : f32 to vector<80x128xf32>
    %select_n3A_597 = arith.select %eq3A_564, %broadcast_in_dim3A_595, %broadcast_in_dim3A_596 : vector<80x128xi1>, vector<80x128xf32>
    %add3A_598 = arith.addf %add3A_561, %select_n3A_597 : vector<80x128xf32>
    %eq3A_599 = arith.constant 16 : i32
    %eq3A_600 = vector.broadcast %eq3A_599 : i32 to vector<80x128xi32>
    %eq3A_601 = arith.cmpi eq, %get3A_9, %eq3A_600 : vector<80x128xi32>
    %jit3A_602 = arith.constant -1.000000e+30 : f32
    %broadcast_in_dim3A_603 = vector.broadcast %jit3A_602 : f32 to vector<80x128xf32>
    %select_n3A_604 = arith.select %eq3A_601, %reduce_sum3A_3, %broadcast_in_dim3A_603 : vector<80x128xi1>, vector<80x128xf32>
    %reduce_max3A_605 = vector.shape_cast %select_n3A_604 : vector<80x128xf32> to vector<1x80x128xf32>
    %reduce_max3A_606 = arith.constant dense<0xFF800000> : vector<1xf32>
    %reduce_max3A_607 = vector.multi_reduction <maximumf>, %reduce_max3A_605, %reduce_max3A_606 [1, 2] : vector<1x80x128xf32> to vector<1xf32>
    %reduce_max3A_608 = vector.shape_cast %reduce_max3A_607 : vector<1xf32> to vector<1x1x1xf32>
    %reduce_max3A_609 = vector.extract %reduce_max3A_608[0, 0, 0] : f32 from vector<1x1x1xf32>
    %jit3A_610 = arith.constant -1.000000e+30 : f32
    %broadcast_in_dim3A_611 = vector.broadcast %jit3A_610 : f32 to vector<80x128xf32>
    %select_n3A_612 = arith.select %eq3A_601, %get3A_6, %broadcast_in_dim3A_611 : vector<80x128xi1>, vector<80x128xf32>
    %reduce_max3A_613 = vector.shape_cast %select_n3A_612 : vector<80x128xf32> to vector<1x80x128xf32>
    %reduce_max3A_614 = arith.constant dense<0xFF800000> : vector<1xf32>
    %reduce_max3A_615 = vector.multi_reduction <maximumf>, %reduce_max3A_613, %reduce_max3A_614 [1, 2] : vector<1x80x128xf32> to vector<1xf32>
    %reduce_max3A_616 = vector.shape_cast %reduce_max3A_615 : vector<1xf32> to vector<1x1x1xf32>
    %reduce_max3A_617 = vector.extract %reduce_max3A_616[0, 0, 0] : f32 from vector<1x1x1xf32>
    %gt3A_618 = arith.constant -5.000000e+29 : f32
    %gt3A_619 = arith.cmpf ogt, %reduce_max3A_609, %gt3A_618 : f32
    %jit3A_620 = arith.constant 0.000000e+00 : f32
    %select_n3A_621 = arith.select %gt3A_619, %reduce_max3A_609, %jit3A_620 : f32
    %gt3A_622 = arith.constant -5.000000e+29 : f32
    %gt3A_623 = arith.cmpf ogt, %reduce_max3A_617, %gt3A_622 : f32
    %jit3A_624 = arith.constant 0.000000e+00 : f32
    %select_n3A_625 = arith.select %gt3A_623, %reduce_max3A_617, %jit3A_624 : f32
    %jit3A_626 = arith.constant 0.000000e+00 : f32
    %broadcast_in_dim3A_627 = vector.broadcast %select_n3A_621 : f32 to vector<80x128xf32>
    %broadcast_in_dim3A_628 = vector.broadcast %jit3A_626 : f32 to vector<80x128xf32>
    %select_n3A_629 = arith.select %eq3A_601, %broadcast_in_dim3A_627, %broadcast_in_dim3A_628 : vector<80x128xi1>, vector<80x128xf32>
    %add3A_630 = arith.addf %add3A_593, %select_n3A_629 : vector<80x128xf32>
    %jit3A_631 = arith.constant 0.000000e+00 : f32
    %broadcast_in_dim3A_632 = vector.broadcast %select_n3A_625 : f32 to vector<80x128xf32>
    %broadcast_in_dim3A_633 = vector.broadcast %jit3A_631 : f32 to vector<80x128xf32>
    %select_n3A_634 = arith.select %eq3A_601, %broadcast_in_dim3A_632, %broadcast_in_dim3A_633 : vector<80x128xi1>, vector<80x128xf32>
    %add3A_635 = arith.addf %add3A_598, %select_n3A_634 : vector<80x128xf32>
    %eq3A_636 = arith.constant 17 : i32
    %eq3A_637 = vector.broadcast %eq3A_636 : i32 to vector<80x128xi32>
    %eq3A_638 = arith.cmpi eq, %get3A_9, %eq3A_637 : vector<80x128xi32>
    %jit3A_639 = arith.constant -1.000000e+30 : f32
    %broadcast_in_dim3A_640 = vector.broadcast %jit3A_639 : f32 to vector<80x128xf32>
    %select_n3A_641 = arith.select %eq3A_638, %reduce_sum3A_3, %broadcast_in_dim3A_640 : vector<80x128xi1>, vector<80x128xf32>
    %reduce_max3A_642 = vector.shape_cast %select_n3A_641 : vector<80x128xf32> to vector<1x80x128xf32>
    %reduce_max3A_643 = arith.constant dense<0xFF800000> : vector<1xf32>
    %reduce_max3A_644 = vector.multi_reduction <maximumf>, %reduce_max3A_642, %reduce_max3A_643 [1, 2] : vector<1x80x128xf32> to vector<1xf32>
    %reduce_max3A_645 = vector.shape_cast %reduce_max3A_644 : vector<1xf32> to vector<1x1x1xf32>
    %reduce_max3A_646 = vector.extract %reduce_max3A_645[0, 0, 0] : f32 from vector<1x1x1xf32>
    %jit3A_647 = arith.constant -1.000000e+30 : f32
    %broadcast_in_dim3A_648 = vector.broadcast %jit3A_647 : f32 to vector<80x128xf32>
    %select_n3A_649 = arith.select %eq3A_638, %get3A_6, %broadcast_in_dim3A_648 : vector<80x128xi1>, vector<80x128xf32>
    %reduce_max3A_650 = vector.shape_cast %select_n3A_649 : vector<80x128xf32> to vector<1x80x128xf32>
    %reduce_max3A_651 = arith.constant dense<0xFF800000> : vector<1xf32>
    %reduce_max3A_652 = vector.multi_reduction <maximumf>, %reduce_max3A_650, %reduce_max3A_651 [1, 2] : vector<1x80x128xf32> to vector<1xf32>
    %reduce_max3A_653 = vector.shape_cast %reduce_max3A_652 : vector<1xf32> to vector<1x1x1xf32>
    %reduce_max3A_654 = vector.extract %reduce_max3A_653[0, 0, 0] : f32 from vector<1x1x1xf32>
    %gt3A_655 = arith.constant -5.000000e+29 : f32
    %gt3A_656 = arith.cmpf ogt, %reduce_max3A_646, %gt3A_655 : f32
    %jit3A_657 = arith.constant 0.000000e+00 : f32
    %select_n3A_658 = arith.select %gt3A_656, %reduce_max3A_646, %jit3A_657 : f32
    %gt3A_659 = arith.constant -5.000000e+29 : f32
    %gt3A_660 = arith.cmpf ogt, %reduce_max3A_654, %gt3A_659 : f32
    %jit3A_661 = arith.constant 0.000000e+00 : f32
    %select_n3A_662 = arith.select %gt3A_660, %reduce_max3A_654, %jit3A_661 : f32
    %jit3A_663 = arith.constant 0.000000e+00 : f32
    %broadcast_in_dim3A_664 = vector.broadcast %select_n3A_658 : f32 to vector<80x128xf32>
    %broadcast_in_dim3A_665 = vector.broadcast %jit3A_663 : f32 to vector<80x128xf32>
    %select_n3A_666 = arith.select %eq3A_638, %broadcast_in_dim3A_664, %broadcast_in_dim3A_665 : vector<80x128xi1>, vector<80x128xf32>
    %add3A_667 = arith.addf %add3A_630, %select_n3A_666 : vector<80x128xf32>
    %jit3A_668 = arith.constant 0.000000e+00 : f32
    %broadcast_in_dim3A_669 = vector.broadcast %select_n3A_662 : f32 to vector<80x128xf32>
    %broadcast_in_dim3A_670 = vector.broadcast %jit3A_668 : f32 to vector<80x128xf32>
    %select_n3A_671 = arith.select %eq3A_638, %broadcast_in_dim3A_669, %broadcast_in_dim3A_670 : vector<80x128xi1>, vector<80x128xf32>
    %add3A_672 = arith.addf %add3A_635, %select_n3A_671 : vector<80x128xf32>
    %eq3A_673 = arith.constant 18 : i32
    %eq3A_674 = vector.broadcast %eq3A_673 : i32 to vector<80x128xi32>
    %eq3A_675 = arith.cmpi eq, %get3A_9, %eq3A_674 : vector<80x128xi32>
    %jit3A_676 = arith.constant -1.000000e+30 : f32
    %broadcast_in_dim3A_677 = vector.broadcast %jit3A_676 : f32 to vector<80x128xf32>
    %select_n3A_678 = arith.select %eq3A_675, %reduce_sum3A_3, %broadcast_in_dim3A_677 : vector<80x128xi1>, vector<80x128xf32>
    %reduce_max3A_679 = vector.shape_cast %select_n3A_678 : vector<80x128xf32> to vector<1x80x128xf32>
    %reduce_max3A_680 = arith.constant dense<0xFF800000> : vector<1xf32>
    %reduce_max3A_681 = vector.multi_reduction <maximumf>, %reduce_max3A_679, %reduce_max3A_680 [1, 2] : vector<1x80x128xf32> to vector<1xf32>
    %reduce_max3A_682 = vector.shape_cast %reduce_max3A_681 : vector<1xf32> to vector<1x1x1xf32>
    %reduce_max3A_683 = vector.extract %reduce_max3A_682[0, 0, 0] : f32 from vector<1x1x1xf32>
    %jit3A_684 = arith.constant -1.000000e+30 : f32
    %broadcast_in_dim3A_685 = vector.broadcast %jit3A_684 : f32 to vector<80x128xf32>
    %select_n3A_686 = arith.select %eq3A_675, %get3A_6, %broadcast_in_dim3A_685 : vector<80x128xi1>, vector<80x128xf32>
    %reduce_max3A_687 = vector.shape_cast %select_n3A_686 : vector<80x128xf32> to vector<1x80x128xf32>
    %reduce_max3A_688 = arith.constant dense<0xFF800000> : vector<1xf32>
    %reduce_max3A_689 = vector.multi_reduction <maximumf>, %reduce_max3A_687, %reduce_max3A_688 [1, 2] : vector<1x80x128xf32> to vector<1xf32>
    %reduce_max3A_690 = vector.shape_cast %reduce_max3A_689 : vector<1xf32> to vector<1x1x1xf32>
    %reduce_max3A_691 = vector.extract %reduce_max3A_690[0, 0, 0] : f32 from vector<1x1x1xf32>
    %gt3A_692 = arith.constant -5.000000e+29 : f32
    %gt3A_693 = arith.cmpf ogt, %reduce_max3A_683, %gt3A_692 : f32
    %jit3A_694 = arith.constant 0.000000e+00 : f32
    %select_n3A_695 = arith.select %gt3A_693, %reduce_max3A_683, %jit3A_694 : f32
    %gt3A_696 = arith.constant -5.000000e+29 : f32
    %gt3A_697 = arith.cmpf ogt, %reduce_max3A_691, %gt3A_696 : f32
    %jit3A_698 = arith.constant 0.000000e+00 : f32
    %select_n3A_699 = arith.select %gt3A_697, %reduce_max3A_691, %jit3A_698 : f32
    %jit3A_700 = arith.constant 0.000000e+00 : f32
    %broadcast_in_dim3A_701 = vector.broadcast %select_n3A_695 : f32 to vector<80x128xf32>
    %broadcast_in_dim3A_702 = vector.broadcast %jit3A_700 : f32 to vector<80x128xf32>
    %select_n3A_703 = arith.select %eq3A_675, %broadcast_in_dim3A_701, %broadcast_in_dim3A_702 : vector<80x128xi1>, vector<80x128xf32>
    %add3A_704 = arith.addf %add3A_667, %select_n3A_703 : vector<80x128xf32>
    %jit3A_705 = arith.constant 0.000000e+00 : f32
    %broadcast_in_dim3A_706 = vector.broadcast %select_n3A_699 : f32 to vector<80x128xf32>
    %broadcast_in_dim3A_707 = vector.broadcast %jit3A_705 : f32 to vector<80x128xf32>
    %select_n3A_708 = arith.select %eq3A_675, %broadcast_in_dim3A_706, %broadcast_in_dim3A_707 : vector<80x128xi1>, vector<80x128xf32>
    %add3A_709 = arith.addf %add3A_672, %select_n3A_708 : vector<80x128xf32>
    %eq3A_710 = arith.constant 19 : i32
    %eq3A_711 = vector.broadcast %eq3A_710 : i32 to vector<80x128xi32>
    %eq3A_712 = arith.cmpi eq, %get3A_9, %eq3A_711 : vector<80x128xi32>
    %jit3A_713 = arith.constant -1.000000e+30 : f32
    %broadcast_in_dim3A_714 = vector.broadcast %jit3A_713 : f32 to vector<80x128xf32>
    %select_n3A_715 = arith.select %eq3A_712, %reduce_sum3A_3, %broadcast_in_dim3A_714 : vector<80x128xi1>, vector<80x128xf32>
    %reduce_max3A_716 = vector.shape_cast %select_n3A_715 : vector<80x128xf32> to vector<1x80x128xf32>
    %reduce_max3A_717 = arith.constant dense<0xFF800000> : vector<1xf32>
    %reduce_max3A_718 = vector.multi_reduction <maximumf>, %reduce_max3A_716, %reduce_max3A_717 [1, 2] : vector<1x80x128xf32> to vector<1xf32>
    %reduce_max3A_719 = vector.shape_cast %reduce_max3A_718 : vector<1xf32> to vector<1x1x1xf32>
    %reduce_max3A_720 = vector.extract %reduce_max3A_719[0, 0, 0] : f32 from vector<1x1x1xf32>
    %jit3A_721 = arith.constant -1.000000e+30 : f32
    %broadcast_in_dim3A_722 = vector.broadcast %jit3A_721 : f32 to vector<80x128xf32>
    %select_n3A_723 = arith.select %eq3A_712, %get3A_6, %broadcast_in_dim3A_722 : vector<80x128xi1>, vector<80x128xf32>
    %reduce_max3A_724 = vector.shape_cast %select_n3A_723 : vector<80x128xf32> to vector<1x80x128xf32>
    %reduce_max3A_725 = arith.constant dense<0xFF800000> : vector<1xf32>
    %reduce_max3A_726 = vector.multi_reduction <maximumf>, %reduce_max3A_724, %reduce_max3A_725 [1, 2] : vector<1x80x128xf32> to vector<1xf32>
    %reduce_max3A_727 = vector.shape_cast %reduce_max3A_726 : vector<1xf32> to vector<1x1x1xf32>
    %reduce_max3A_728 = vector.extract %reduce_max3A_727[0, 0, 0] : f32 from vector<1x1x1xf32>
    %gt3A_729 = arith.constant -5.000000e+29 : f32
    %gt3A_730 = arith.cmpf ogt, %reduce_max3A_720, %gt3A_729 : f32
    %jit3A_731 = arith.constant 0.000000e+00 : f32
    %select_n3A_732 = arith.select %gt3A_730, %reduce_max3A_720, %jit3A_731 : f32
    %gt3A_733 = arith.constant -5.000000e+29 : f32
    %gt3A_734 = arith.cmpf ogt, %reduce_max3A_728, %gt3A_733 : f32
    %jit3A_735 = arith.constant 0.000000e+00 : f32
    %select_n3A_736 = arith.select %gt3A_734, %reduce_max3A_728, %jit3A_735 : f32
    %jit3A_737 = arith.constant 0.000000e+00 : f32
    %broadcast_in_dim3A_738 = vector.broadcast %select_n3A_732 : f32 to vector<80x128xf32>
    %broadcast_in_dim3A_739 = vector.broadcast %jit3A_737 : f32 to vector<80x128xf32>
    %select_n3A_740 = arith.select %eq3A_712, %broadcast_in_dim3A_738, %broadcast_in_dim3A_739 : vector<80x128xi1>, vector<80x128xf32>
    %add3A_741 = arith.addf %add3A_704, %select_n3A_740 : vector<80x128xf32>
    %jit3A_742 = arith.constant 0.000000e+00 : f32
    %broadcast_in_dim3A_743 = vector.broadcast %select_n3A_736 : f32 to vector<80x128xf32>
    %broadcast_in_dim3A_744 = vector.broadcast %jit3A_742 : f32 to vector<80x128xf32>
    %select_n3A_745 = arith.select %eq3A_712, %broadcast_in_dim3A_743, %broadcast_in_dim3A_744 : vector<80x128xi1>, vector<80x128xf32>
    %add3A_746 = arith.addf %add3A_709, %select_n3A_745 : vector<80x128xf32>
    %eq3A_747 = arith.constant 20 : i32
    %eq3A_748 = vector.broadcast %eq3A_747 : i32 to vector<80x128xi32>
    %eq3A_749 = arith.cmpi eq, %get3A_9, %eq3A_748 : vector<80x128xi32>
    %jit3A_750 = arith.constant -1.000000e+30 : f32
    %broadcast_in_dim3A_751 = vector.broadcast %jit3A_750 : f32 to vector<80x128xf32>
    %select_n3A_752 = arith.select %eq3A_749, %reduce_sum3A_3, %broadcast_in_dim3A_751 : vector<80x128xi1>, vector<80x128xf32>
    %reduce_max3A_753 = vector.shape_cast %select_n3A_752 : vector<80x128xf32> to vector<1x80x128xf32>
    %reduce_max3A_754 = arith.constant dense<0xFF800000> : vector<1xf32>
    %reduce_max3A_755 = vector.multi_reduction <maximumf>, %reduce_max3A_753, %reduce_max3A_754 [1, 2] : vector<1x80x128xf32> to vector<1xf32>
    %reduce_max3A_756 = vector.shape_cast %reduce_max3A_755 : vector<1xf32> to vector<1x1x1xf32>
    %reduce_max3A_757 = vector.extract %reduce_max3A_756[0, 0, 0] : f32 from vector<1x1x1xf32>
    %jit3A_758 = arith.constant -1.000000e+30 : f32
    %broadcast_in_dim3A_759 = vector.broadcast %jit3A_758 : f32 to vector<80x128xf32>
    %select_n3A_760 = arith.select %eq3A_749, %get3A_6, %broadcast_in_dim3A_759 : vector<80x128xi1>, vector<80x128xf32>
    %reduce_max3A_761 = vector.shape_cast %select_n3A_760 : vector<80x128xf32> to vector<1x80x128xf32>
    %reduce_max3A_762 = arith.constant dense<0xFF800000> : vector<1xf32>
    %reduce_max3A_763 = vector.multi_reduction <maximumf>, %reduce_max3A_761, %reduce_max3A_762 [1, 2] : vector<1x80x128xf32> to vector<1xf32>
    %reduce_max3A_764 = vector.shape_cast %reduce_max3A_763 : vector<1xf32> to vector<1x1x1xf32>
    %reduce_max3A_765 = vector.extract %reduce_max3A_764[0, 0, 0] : f32 from vector<1x1x1xf32>
    %gt3A_766 = arith.constant -5.000000e+29 : f32
    %gt3A_767 = arith.cmpf ogt, %reduce_max3A_757, %gt3A_766 : f32
    %jit3A_768 = arith.constant 0.000000e+00 : f32
    %select_n3A_769 = arith.select %gt3A_767, %reduce_max3A_757, %jit3A_768 : f32
    %gt3A_770 = arith.constant -5.000000e+29 : f32
    %gt3A_771 = arith.cmpf ogt, %reduce_max3A_765, %gt3A_770 : f32
    %jit3A_772 = arith.constant 0.000000e+00 : f32
    %select_n3A_773 = arith.select %gt3A_771, %reduce_max3A_765, %jit3A_772 : f32
    %jit3A_774 = arith.constant 0.000000e+00 : f32
    %broadcast_in_dim3A_775 = vector.broadcast %select_n3A_769 : f32 to vector<80x128xf32>
    %broadcast_in_dim3A_776 = vector.broadcast %jit3A_774 : f32 to vector<80x128xf32>
    %select_n3A_777 = arith.select %eq3A_749, %broadcast_in_dim3A_775, %broadcast_in_dim3A_776 : vector<80x128xi1>, vector<80x128xf32>
    %add3A_778 = arith.addf %add3A_741, %select_n3A_777 : vector<80x128xf32>
    %jit3A_779 = arith.constant 0.000000e+00 : f32
    %broadcast_in_dim3A_780 = vector.broadcast %select_n3A_773 : f32 to vector<80x128xf32>
    %broadcast_in_dim3A_781 = vector.broadcast %jit3A_779 : f32 to vector<80x128xf32>
    %select_n3A_782 = arith.select %eq3A_749, %broadcast_in_dim3A_780, %broadcast_in_dim3A_781 : vector<80x128xi1>, vector<80x128xf32>
    %add3A_783 = arith.addf %add3A_746, %select_n3A_782 : vector<80x128xf32>
    %eq3A_784 = arith.constant 21 : i32
    %eq3A_785 = vector.broadcast %eq3A_784 : i32 to vector<80x128xi32>
    %eq3A_786 = arith.cmpi eq, %get3A_9, %eq3A_785 : vector<80x128xi32>
    %jit3A_787 = arith.constant -1.000000e+30 : f32
    %broadcast_in_dim3A_788 = vector.broadcast %jit3A_787 : f32 to vector<80x128xf32>
    %select_n3A_789 = arith.select %eq3A_786, %reduce_sum3A_3, %broadcast_in_dim3A_788 : vector<80x128xi1>, vector<80x128xf32>
    %reduce_max3A_790 = vector.shape_cast %select_n3A_789 : vector<80x128xf32> to vector<1x80x128xf32>
    %reduce_max3A_791 = arith.constant dense<0xFF800000> : vector<1xf32>
    %reduce_max3A_792 = vector.multi_reduction <maximumf>, %reduce_max3A_790, %reduce_max3A_791 [1, 2] : vector<1x80x128xf32> to vector<1xf32>
    %reduce_max3A_793 = vector.shape_cast %reduce_max3A_792 : vector<1xf32> to vector<1x1x1xf32>
    %reduce_max3A_794 = vector.extract %reduce_max3A_793[0, 0, 0] : f32 from vector<1x1x1xf32>
    %jit3A_795 = arith.constant -1.000000e+30 : f32
    %broadcast_in_dim3A_796 = vector.broadcast %jit3A_795 : f32 to vector<80x128xf32>
    %select_n3A_797 = arith.select %eq3A_786, %get3A_6, %broadcast_in_dim3A_796 : vector<80x128xi1>, vector<80x128xf32>
    %reduce_max3A_798 = vector.shape_cast %select_n3A_797 : vector<80x128xf32> to vector<1x80x128xf32>
    %reduce_max3A_799 = arith.constant dense<0xFF800000> : vector<1xf32>
    %reduce_max3A_800 = vector.multi_reduction <maximumf>, %reduce_max3A_798, %reduce_max3A_799 [1, 2] : vector<1x80x128xf32> to vector<1xf32>
    %reduce_max3A_801 = vector.shape_cast %reduce_max3A_800 : vector<1xf32> to vector<1x1x1xf32>
    %reduce_max3A_802 = vector.extract %reduce_max3A_801[0, 0, 0] : f32 from vector<1x1x1xf32>
    %gt3A_803 = arith.constant -5.000000e+29 : f32
    %gt3A_804 = arith.cmpf ogt, %reduce_max3A_794, %gt3A_803 : f32
    %jit3A_805 = arith.constant 0.000000e+00 : f32
    %select_n3A_806 = arith.select %gt3A_804, %reduce_max3A_794, %jit3A_805 : f32
    %gt3A_807 = arith.constant -5.000000e+29 : f32
    %gt3A_808 = arith.cmpf ogt, %reduce_max3A_802, %gt3A_807 : f32
    %jit3A_809 = arith.constant 0.000000e+00 : f32
    %select_n3A_810 = arith.select %gt3A_808, %reduce_max3A_802, %jit3A_809 : f32
    %jit3A_811 = arith.constant 0.000000e+00 : f32
    %broadcast_in_dim3A_812 = vector.broadcast %select_n3A_806 : f32 to vector<80x128xf32>
    %broadcast_in_dim3A_813 = vector.broadcast %jit3A_811 : f32 to vector<80x128xf32>
    %select_n3A_814 = arith.select %eq3A_786, %broadcast_in_dim3A_812, %broadcast_in_dim3A_813 : vector<80x128xi1>, vector<80x128xf32>
    %add3A_815 = arith.addf %add3A_778, %select_n3A_814 : vector<80x128xf32>
    %jit3A_816 = arith.constant 0.000000e+00 : f32
    %broadcast_in_dim3A_817 = vector.broadcast %select_n3A_810 : f32 to vector<80x128xf32>
    %broadcast_in_dim3A_818 = vector.broadcast %jit3A_816 : f32 to vector<80x128xf32>
    %select_n3A_819 = arith.select %eq3A_786, %broadcast_in_dim3A_817, %broadcast_in_dim3A_818 : vector<80x128xi1>, vector<80x128xf32>
    %add3A_820 = arith.addf %add3A_783, %select_n3A_819 : vector<80x128xf32>
    %eq3A_821 = arith.constant 22 : i32
    %eq3A_822 = vector.broadcast %eq3A_821 : i32 to vector<80x128xi32>
    %eq3A_823 = arith.cmpi eq, %get3A_9, %eq3A_822 : vector<80x128xi32>
    %jit3A_824 = arith.constant -1.000000e+30 : f32
    %broadcast_in_dim3A_825 = vector.broadcast %jit3A_824 : f32 to vector<80x128xf32>
    %select_n3A_826 = arith.select %eq3A_823, %reduce_sum3A_3, %broadcast_in_dim3A_825 : vector<80x128xi1>, vector<80x128xf32>
    %reduce_max3A_827 = vector.shape_cast %select_n3A_826 : vector<80x128xf32> to vector<1x80x128xf32>
    %reduce_max3A_828 = arith.constant dense<0xFF800000> : vector<1xf32>
    %reduce_max3A_829 = vector.multi_reduction <maximumf>, %reduce_max3A_827, %reduce_max3A_828 [1, 2] : vector<1x80x128xf32> to vector<1xf32>
    %reduce_max3A_830 = vector.shape_cast %reduce_max3A_829 : vector<1xf32> to vector<1x1x1xf32>
    %reduce_max3A_831 = vector.extract %reduce_max3A_830[0, 0, 0] : f32 from vector<1x1x1xf32>
    %jit3A_832 = arith.constant -1.000000e+30 : f32
    %broadcast_in_dim3A_833 = vector.broadcast %jit3A_832 : f32 to vector<80x128xf32>
    %select_n3A_834 = arith.select %eq3A_823, %get3A_6, %broadcast_in_dim3A_833 : vector<80x128xi1>, vector<80x128xf32>
    %reduce_max3A_835 = vector.shape_cast %select_n3A_834 : vector<80x128xf32> to vector<1x80x128xf32>
    %reduce_max3A_836 = arith.constant dense<0xFF800000> : vector<1xf32>
    %reduce_max3A_837 = vector.multi_reduction <maximumf>, %reduce_max3A_835, %reduce_max3A_836 [1, 2] : vector<1x80x128xf32> to vector<1xf32>
    %reduce_max3A_838 = vector.shape_cast %reduce_max3A_837 : vector<1xf32> to vector<1x1x1xf32>
    %reduce_max3A_839 = vector.extract %reduce_max3A_838[0, 0, 0] : f32 from vector<1x1x1xf32>
    %gt3A_840 = arith.constant -5.000000e+29 : f32
    %gt3A_841 = arith.cmpf ogt, %reduce_max3A_831, %gt3A_840 : f32
    %jit3A_842 = arith.constant 0.000000e+00 : f32
    %select_n3A_843 = arith.select %gt3A_841, %reduce_max3A_831, %jit3A_842 : f32
    %gt3A_844 = arith.constant -5.000000e+29 : f32
    %gt3A_845 = arith.cmpf ogt, %reduce_max3A_839, %gt3A_844 : f32
    %jit3A_846 = arith.constant 0.000000e+00 : f32
    %select_n3A_847 = arith.select %gt3A_845, %reduce_max3A_839, %jit3A_846 : f32
    %jit3A_848 = arith.constant 0.000000e+00 : f32
    %broadcast_in_dim3A_849 = vector.broadcast %select_n3A_843 : f32 to vector<80x128xf32>
    %broadcast_in_dim3A_850 = vector.broadcast %jit3A_848 : f32 to vector<80x128xf32>
    %select_n3A_851 = arith.select %eq3A_823, %broadcast_in_dim3A_849, %broadcast_in_dim3A_850 : vector<80x128xi1>, vector<80x128xf32>
    %add3A_852 = arith.addf %add3A_815, %select_n3A_851 : vector<80x128xf32>
    %jit3A_853 = arith.constant 0.000000e+00 : f32
    %broadcast_in_dim3A_854 = vector.broadcast %select_n3A_847 : f32 to vector<80x128xf32>
    %broadcast_in_dim3A_855 = vector.broadcast %jit3A_853 : f32 to vector<80x128xf32>
    %select_n3A_856 = arith.select %eq3A_823, %broadcast_in_dim3A_854, %broadcast_in_dim3A_855 : vector<80x128xi1>, vector<80x128xf32>
    %add3A_857 = arith.addf %add3A_820, %select_n3A_856 : vector<80x128xf32>
    %eq3A_858 = arith.constant 23 : i32
    %eq3A_859 = vector.broadcast %eq3A_858 : i32 to vector<80x128xi32>
    %eq3A_860 = arith.cmpi eq, %get3A_9, %eq3A_859 : vector<80x128xi32>
    %jit3A_861 = arith.constant -1.000000e+30 : f32
    %broadcast_in_dim3A_862 = vector.broadcast %jit3A_861 : f32 to vector<80x128xf32>
    %select_n3A_863 = arith.select %eq3A_860, %reduce_sum3A_3, %broadcast_in_dim3A_862 : vector<80x128xi1>, vector<80x128xf32>
    %reduce_max3A_864 = vector.shape_cast %select_n3A_863 : vector<80x128xf32> to vector<1x80x128xf32>
    %reduce_max3A_865 = arith.constant dense<0xFF800000> : vector<1xf32>
    %reduce_max3A_866 = vector.multi_reduction <maximumf>, %reduce_max3A_864, %reduce_max3A_865 [1, 2] : vector<1x80x128xf32> to vector<1xf32>
    %reduce_max3A_867 = vector.shape_cast %reduce_max3A_866 : vector<1xf32> to vector<1x1x1xf32>
    %reduce_max3A_868 = vector.extract %reduce_max3A_867[0, 0, 0] : f32 from vector<1x1x1xf32>
    %jit3A_869 = arith.constant -1.000000e+30 : f32
    %broadcast_in_dim3A_870 = vector.broadcast %jit3A_869 : f32 to vector<80x128xf32>
    %select_n3A_871 = arith.select %eq3A_860, %get3A_6, %broadcast_in_dim3A_870 : vector<80x128xi1>, vector<80x128xf32>
    %reduce_max3A_872 = vector.shape_cast %select_n3A_871 : vector<80x128xf32> to vector<1x80x128xf32>
    %reduce_max3A_873 = arith.constant dense<0xFF800000> : vector<1xf32>
    %reduce_max3A_874 = vector.multi_reduction <maximumf>, %reduce_max3A_872, %reduce_max3A_873 [1, 2] : vector<1x80x128xf32> to vector<1xf32>
    %reduce_max3A_875 = vector.shape_cast %reduce_max3A_874 : vector<1xf32> to vector<1x1x1xf32>
    %reduce_max3A_876 = vector.extract %reduce_max3A_875[0, 0, 0] : f32 from vector<1x1x1xf32>
    %gt3A_877 = arith.constant -5.000000e+29 : f32
    %gt3A_878 = arith.cmpf ogt, %reduce_max3A_868, %gt3A_877 : f32
    %jit3A_879 = arith.constant 0.000000e+00 : f32
    %select_n3A_880 = arith.select %gt3A_878, %reduce_max3A_868, %jit3A_879 : f32
    %gt3A_881 = arith.constant -5.000000e+29 : f32
    %gt3A_882 = arith.cmpf ogt, %reduce_max3A_876, %gt3A_881 : f32
    %jit3A_883 = arith.constant 0.000000e+00 : f32
    %select_n3A_884 = arith.select %gt3A_882, %reduce_max3A_876, %jit3A_883 : f32
    %jit3A_885 = arith.constant 0.000000e+00 : f32
    %broadcast_in_dim3A_886 = vector.broadcast %select_n3A_880 : f32 to vector<80x128xf32>
    %broadcast_in_dim3A_887 = vector.broadcast %jit3A_885 : f32 to vector<80x128xf32>
    %select_n3A_888 = arith.select %eq3A_860, %broadcast_in_dim3A_886, %broadcast_in_dim3A_887 : vector<80x128xi1>, vector<80x128xf32>
    %add3A_889 = arith.addf %add3A_852, %select_n3A_888 : vector<80x128xf32>
    %jit3A_890 = arith.constant 0.000000e+00 : f32
    %broadcast_in_dim3A_891 = vector.broadcast %select_n3A_884 : f32 to vector<80x128xf32>
    %broadcast_in_dim3A_892 = vector.broadcast %jit3A_890 : f32 to vector<80x128xf32>
    %select_n3A_893 = arith.select %eq3A_860, %broadcast_in_dim3A_891, %broadcast_in_dim3A_892 : vector<80x128xi1>, vector<80x128xf32>
    %add3A_894 = arith.addf %add3A_857, %select_n3A_893 : vector<80x128xf32>
    %eq3A_895 = arith.constant 24 : i32
    %eq3A_896 = vector.broadcast %eq3A_895 : i32 to vector<80x128xi32>
    %eq3A_897 = arith.cmpi eq, %get3A_9, %eq3A_896 : vector<80x128xi32>
    %jit3A_898 = arith.constant -1.000000e+30 : f32
    %broadcast_in_dim3A_899 = vector.broadcast %jit3A_898 : f32 to vector<80x128xf32>
    %select_n3A_900 = arith.select %eq3A_897, %reduce_sum3A_3, %broadcast_in_dim3A_899 : vector<80x128xi1>, vector<80x128xf32>
    %reduce_max3A_901 = vector.shape_cast %select_n3A_900 : vector<80x128xf32> to vector<1x80x128xf32>
    %reduce_max3A_902 = arith.constant dense<0xFF800000> : vector<1xf32>
    %reduce_max3A_903 = vector.multi_reduction <maximumf>, %reduce_max3A_901, %reduce_max3A_902 [1, 2] : vector<1x80x128xf32> to vector<1xf32>
    %reduce_max3A_904 = vector.shape_cast %reduce_max3A_903 : vector<1xf32> to vector<1x1x1xf32>
    %reduce_max3A_905 = vector.extract %reduce_max3A_904[0, 0, 0] : f32 from vector<1x1x1xf32>
    %jit3A_906 = arith.constant -1.000000e+30 : f32
    %broadcast_in_dim3A_907 = vector.broadcast %jit3A_906 : f32 to vector<80x128xf32>
    %select_n3A_908 = arith.select %eq3A_897, %get3A_6, %broadcast_in_dim3A_907 : vector<80x128xi1>, vector<80x128xf32>
    %reduce_max3A_909 = vector.shape_cast %select_n3A_908 : vector<80x128xf32> to vector<1x80x128xf32>
    %reduce_max3A_910 = arith.constant dense<0xFF800000> : vector<1xf32>
    %reduce_max3A_911 = vector.multi_reduction <maximumf>, %reduce_max3A_909, %reduce_max3A_910 [1, 2] : vector<1x80x128xf32> to vector<1xf32>
    %reduce_max3A_912 = vector.shape_cast %reduce_max3A_911 : vector<1xf32> to vector<1x1x1xf32>
    %reduce_max3A_913 = vector.extract %reduce_max3A_912[0, 0, 0] : f32 from vector<1x1x1xf32>
    %gt3A_914 = arith.constant -5.000000e+29 : f32
    %gt3A_915 = arith.cmpf ogt, %reduce_max3A_905, %gt3A_914 : f32
    %jit3A_916 = arith.constant 0.000000e+00 : f32
    %select_n3A_917 = arith.select %gt3A_915, %reduce_max3A_905, %jit3A_916 : f32
    %gt3A_918 = arith.constant -5.000000e+29 : f32
    %gt3A_919 = arith.cmpf ogt, %reduce_max3A_913, %gt3A_918 : f32
    %jit3A_920 = arith.constant 0.000000e+00 : f32
    %select_n3A_921 = arith.select %gt3A_919, %reduce_max3A_913, %jit3A_920 : f32
    %jit3A_922 = arith.constant 0.000000e+00 : f32
    %broadcast_in_dim3A_923 = vector.broadcast %select_n3A_917 : f32 to vector<80x128xf32>
    %broadcast_in_dim3A_924 = vector.broadcast %jit3A_922 : f32 to vector<80x128xf32>
    %select_n3A_925 = arith.select %eq3A_897, %broadcast_in_dim3A_923, %broadcast_in_dim3A_924 : vector<80x128xi1>, vector<80x128xf32>
    %add3A_926 = arith.addf %add3A_889, %select_n3A_925 : vector<80x128xf32>
    %jit3A_927 = arith.constant 0.000000e+00 : f32
    %broadcast_in_dim3A_928 = vector.broadcast %select_n3A_921 : f32 to vector<80x128xf32>
    %broadcast_in_dim3A_929 = vector.broadcast %jit3A_927 : f32 to vector<80x128xf32>
    %select_n3A_930 = arith.select %eq3A_897, %broadcast_in_dim3A_928, %broadcast_in_dim3A_929 : vector<80x128xi1>, vector<80x128xf32>
    %add3A_931 = arith.addf %add3A_894, %select_n3A_930 : vector<80x128xf32>
    %eq3A_932 = arith.constant 25 : i32
    %eq3A_933 = vector.broadcast %eq3A_932 : i32 to vector<80x128xi32>
    %eq3A_934 = arith.cmpi eq, %get3A_9, %eq3A_933 : vector<80x128xi32>
    %jit3A_935 = arith.constant -1.000000e+30 : f32
    %broadcast_in_dim3A_936 = vector.broadcast %jit3A_935 : f32 to vector<80x128xf32>
    %select_n3A_937 = arith.select %eq3A_934, %reduce_sum3A_3, %broadcast_in_dim3A_936 : vector<80x128xi1>, vector<80x128xf32>
    %reduce_max3A_938 = vector.shape_cast %select_n3A_937 : vector<80x128xf32> to vector<1x80x128xf32>
    %reduce_max3A_939 = arith.constant dense<0xFF800000> : vector<1xf32>
    %reduce_max3A_940 = vector.multi_reduction <maximumf>, %reduce_max3A_938, %reduce_max3A_939 [1, 2] : vector<1x80x128xf32> to vector<1xf32>
    %reduce_max3A_941 = vector.shape_cast %reduce_max3A_940 : vector<1xf32> to vector<1x1x1xf32>
    %reduce_max3A_942 = vector.extract %reduce_max3A_941[0, 0, 0] : f32 from vector<1x1x1xf32>
    %jit3A_943 = arith.constant -1.000000e+30 : f32
    %broadcast_in_dim3A_944 = vector.broadcast %jit3A_943 : f32 to vector<80x128xf32>
    %select_n3A_945 = arith.select %eq3A_934, %get3A_6, %broadcast_in_dim3A_944 : vector<80x128xi1>, vector<80x128xf32>
    %reduce_max3A_946 = vector.shape_cast %select_n3A_945 : vector<80x128xf32> to vector<1x80x128xf32>
    %reduce_max3A_947 = arith.constant dense<0xFF800000> : vector<1xf32>
    %reduce_max3A_948 = vector.multi_reduction <maximumf>, %reduce_max3A_946, %reduce_max3A_947 [1, 2] : vector<1x80x128xf32> to vector<1xf32>
    %reduce_max3A_949 = vector.shape_cast %reduce_max3A_948 : vector<1xf32> to vector<1x1x1xf32>
    %reduce_max3A_950 = vector.extract %reduce_max3A_949[0, 0, 0] : f32 from vector<1x1x1xf32>
    %gt3A_951 = arith.constant -5.000000e+29 : f32
    %gt3A_952 = arith.cmpf ogt, %reduce_max3A_942, %gt3A_951 : f32
    %jit3A_953 = arith.constant 0.000000e+00 : f32
    %select_n3A_954 = arith.select %gt3A_952, %reduce_max3A_942, %jit3A_953 : f32
    %gt3A_955 = arith.constant -5.000000e+29 : f32
    %gt3A_956 = arith.cmpf ogt, %reduce_max3A_950, %gt3A_955 : f32
    %jit3A_957 = arith.constant 0.000000e+00 : f32
    %select_n3A_958 = arith.select %gt3A_956, %reduce_max3A_950, %jit3A_957 : f32
    %jit3A_959 = arith.constant 0.000000e+00 : f32
    %broadcast_in_dim3A_960 = vector.broadcast %select_n3A_954 : f32 to vector<80x128xf32>
    %broadcast_in_dim3A_961 = vector.broadcast %jit3A_959 : f32 to vector<80x128xf32>
    %select_n3A_962 = arith.select %eq3A_934, %broadcast_in_dim3A_960, %broadcast_in_dim3A_961 : vector<80x128xi1>, vector<80x128xf32>
    %add3A_963 = arith.addf %add3A_926, %select_n3A_962 : vector<80x128xf32>
    %jit3A_964 = arith.constant 0.000000e+00 : f32
    %broadcast_in_dim3A_965 = vector.broadcast %select_n3A_958 : f32 to vector<80x128xf32>
    %broadcast_in_dim3A_966 = vector.broadcast %jit3A_964 : f32 to vector<80x128xf32>
    %select_n3A_967 = arith.select %eq3A_934, %broadcast_in_dim3A_965, %broadcast_in_dim3A_966 : vector<80x128xi1>, vector<80x128xf32>
    %add3A_968 = arith.addf %add3A_931, %select_n3A_967 : vector<80x128xf32>
    %eq3A_969 = arith.constant 26 : i32
    %eq3A_970 = vector.broadcast %eq3A_969 : i32 to vector<80x128xi32>
    %eq3A_971 = arith.cmpi eq, %get3A_9, %eq3A_970 : vector<80x128xi32>
    %jit3A_972 = arith.constant -1.000000e+30 : f32
    %broadcast_in_dim3A_973 = vector.broadcast %jit3A_972 : f32 to vector<80x128xf32>
    %select_n3A_974 = arith.select %eq3A_971, %reduce_sum3A_3, %broadcast_in_dim3A_973 : vector<80x128xi1>, vector<80x128xf32>
    %reduce_max3A_975 = vector.shape_cast %select_n3A_974 : vector<80x128xf32> to vector<1x80x128xf32>
    %reduce_max3A_976 = arith.constant dense<0xFF800000> : vector<1xf32>
    %reduce_max3A_977 = vector.multi_reduction <maximumf>, %reduce_max3A_975, %reduce_max3A_976 [1, 2] : vector<1x80x128xf32> to vector<1xf32>
    %reduce_max3A_978 = vector.shape_cast %reduce_max3A_977 : vector<1xf32> to vector<1x1x1xf32>
    %reduce_max3A_979 = vector.extract %reduce_max3A_978[0, 0, 0] : f32 from vector<1x1x1xf32>
    %jit3A_980 = arith.constant -1.000000e+30 : f32
    %broadcast_in_dim3A_981 = vector.broadcast %jit3A_980 : f32 to vector<80x128xf32>
    %select_n3A_982 = arith.select %eq3A_971, %get3A_6, %broadcast_in_dim3A_981 : vector<80x128xi1>, vector<80x128xf32>
    %reduce_max3A_983 = vector.shape_cast %select_n3A_982 : vector<80x128xf32> to vector<1x80x128xf32>
    %reduce_max3A_984 = arith.constant dense<0xFF800000> : vector<1xf32>
    %reduce_max3A_985 = vector.multi_reduction <maximumf>, %reduce_max3A_983, %reduce_max3A_984 [1, 2] : vector<1x80x128xf32> to vector<1xf32>
    %reduce_max3A_986 = vector.shape_cast %reduce_max3A_985 : vector<1xf32> to vector<1x1x1xf32>
    %reduce_max3A_987 = vector.extract %reduce_max3A_986[0, 0, 0] : f32 from vector<1x1x1xf32>
    %gt3A_988 = arith.constant -5.000000e+29 : f32
    %gt3A_989 = arith.cmpf ogt, %reduce_max3A_979, %gt3A_988 : f32
    %jit3A_990 = arith.constant 0.000000e+00 : f32
    %select_n3A_991 = arith.select %gt3A_989, %reduce_max3A_979, %jit3A_990 : f32
    %gt3A_992 = arith.constant -5.000000e+29 : f32
    %gt3A_993 = arith.cmpf ogt, %reduce_max3A_987, %gt3A_992 : f32
    %jit3A_994 = arith.constant 0.000000e+00 : f32
    %select_n3A_995 = arith.select %gt3A_993, %reduce_max3A_987, %jit3A_994 : f32
    %jit3A_996 = arith.constant 0.000000e+00 : f32
    %broadcast_in_dim3A_997 = vector.broadcast %select_n3A_991 : f32 to vector<80x128xf32>
    %broadcast_in_dim3A_998 = vector.broadcast %jit3A_996 : f32 to vector<80x128xf32>
    %select_n3A_999 = arith.select %eq3A_971, %broadcast_in_dim3A_997, %broadcast_in_dim3A_998 : vector<80x128xi1>, vector<80x128xf32>
    %add3A_1000 = arith.addf %add3A_963, %select_n3A_999 : vector<80x128xf32>
    %jit3A_1001 = arith.constant 0.000000e+00 : f32
    %broadcast_in_dim3A_1002 = vector.broadcast %select_n3A_995 : f32 to vector<80x128xf32>
    %broadcast_in_dim3A_1003 = vector.broadcast %jit3A_1001 : f32 to vector<80x128xf32>
    %select_n3A_1004 = arith.select %eq3A_971, %broadcast_in_dim3A_1002, %broadcast_in_dim3A_1003 : vector<80x128xi1>, vector<80x128xf32>
    %add3A_1005 = arith.addf %add3A_968, %select_n3A_1004 : vector<80x128xf32>
    %eq3A_1006 = arith.constant 27 : i32
    %eq3A_1007 = vector.broadcast %eq3A_1006 : i32 to vector<80x128xi32>
    %eq3A_1008 = arith.cmpi eq, %get3A_9, %eq3A_1007 : vector<80x128xi32>
    %jit3A_1009 = arith.constant -1.000000e+30 : f32
    %broadcast_in_dim3A_1010 = vector.broadcast %jit3A_1009 : f32 to vector<80x128xf32>
    %select_n3A_1011 = arith.select %eq3A_1008, %reduce_sum3A_3, %broadcast_in_dim3A_1010 : vector<80x128xi1>, vector<80x128xf32>
    %reduce_max3A_1012 = vector.shape_cast %select_n3A_1011 : vector<80x128xf32> to vector<1x80x128xf32>
    %reduce_max3A_1013 = arith.constant dense<0xFF800000> : vector<1xf32>
    %reduce_max3A_1014 = vector.multi_reduction <maximumf>, %reduce_max3A_1012, %reduce_max3A_1013 [1, 2] : vector<1x80x128xf32> to vector<1xf32>
    %reduce_max3A_1015 = vector.shape_cast %reduce_max3A_1014 : vector<1xf32> to vector<1x1x1xf32>
    %reduce_max3A_1016 = vector.extract %reduce_max3A_1015[0, 0, 0] : f32 from vector<1x1x1xf32>
    %jit3A_1017 = arith.constant -1.000000e+30 : f32
    %broadcast_in_dim3A_1018 = vector.broadcast %jit3A_1017 : f32 to vector<80x128xf32>
    %select_n3A_1019 = arith.select %eq3A_1008, %get3A_6, %broadcast_in_dim3A_1018 : vector<80x128xi1>, vector<80x128xf32>
    %reduce_max3A_1020 = vector.shape_cast %select_n3A_1019 : vector<80x128xf32> to vector<1x80x128xf32>
    %reduce_max3A_1021 = arith.constant dense<0xFF800000> : vector<1xf32>
    %reduce_max3A_1022 = vector.multi_reduction <maximumf>, %reduce_max3A_1020, %reduce_max3A_1021 [1, 2] : vector<1x80x128xf32> to vector<1xf32>
    %reduce_max3A_1023 = vector.shape_cast %reduce_max3A_1022 : vector<1xf32> to vector<1x1x1xf32>
    %reduce_max3A_1024 = vector.extract %reduce_max3A_1023[0, 0, 0] : f32 from vector<1x1x1xf32>
    %gt3A_1025 = arith.constant -5.000000e+29 : f32
    %gt3A_1026 = arith.cmpf ogt, %reduce_max3A_1016, %gt3A_1025 : f32
    %jit3A_1027 = arith.constant 0.000000e+00 : f32
    %select_n3A_1028 = arith.select %gt3A_1026, %reduce_max3A_1016, %jit3A_1027 : f32
    %gt3A_1029 = arith.constant -5.000000e+29 : f32
    %gt3A_1030 = arith.cmpf ogt, %reduce_max3A_1024, %gt3A_1029 : f32
    %jit3A_1031 = arith.constant 0.000000e+00 : f32
    %select_n3A_1032 = arith.select %gt3A_1030, %reduce_max3A_1024, %jit3A_1031 : f32
    %jit3A_1033 = arith.constant 0.000000e+00 : f32
    %broadcast_in_dim3A_1034 = vector.broadcast %select_n3A_1028 : f32 to vector<80x128xf32>
    %broadcast_in_dim3A_1035 = vector.broadcast %jit3A_1033 : f32 to vector<80x128xf32>
    %select_n3A_1036 = arith.select %eq3A_1008, %broadcast_in_dim3A_1034, %broadcast_in_dim3A_1035 : vector<80x128xi1>, vector<80x128xf32>
    %add3A_1037 = arith.addf %add3A_1000, %select_n3A_1036 : vector<80x128xf32>
    %jit3A_1038 = arith.constant 0.000000e+00 : f32
    %broadcast_in_dim3A_1039 = vector.broadcast %select_n3A_1032 : f32 to vector<80x128xf32>
    %broadcast_in_dim3A_1040 = vector.broadcast %jit3A_1038 : f32 to vector<80x128xf32>
    %select_n3A_1041 = arith.select %eq3A_1008, %broadcast_in_dim3A_1039, %broadcast_in_dim3A_1040 : vector<80x128xi1>, vector<80x128xf32>
    %add3A_1042 = arith.addf %add3A_1005, %select_n3A_1041 : vector<80x128xf32>
    %eq3A_1043 = arith.constant 28 : i32
    %eq3A_1044 = vector.broadcast %eq3A_1043 : i32 to vector<80x128xi32>
    %eq3A_1045 = arith.cmpi eq, %get3A_9, %eq3A_1044 : vector<80x128xi32>
    %jit3A_1046 = arith.constant -1.000000e+30 : f32
    %broadcast_in_dim3A_1047 = vector.broadcast %jit3A_1046 : f32 to vector<80x128xf32>
    %select_n3A_1048 = arith.select %eq3A_1045, %reduce_sum3A_3, %broadcast_in_dim3A_1047 : vector<80x128xi1>, vector<80x128xf32>
    %reduce_max3A_1049 = vector.shape_cast %select_n3A_1048 : vector<80x128xf32> to vector<1x80x128xf32>
    %reduce_max3A_1050 = arith.constant dense<0xFF800000> : vector<1xf32>
    %reduce_max3A_1051 = vector.multi_reduction <maximumf>, %reduce_max3A_1049, %reduce_max3A_1050 [1, 2] : vector<1x80x128xf32> to vector<1xf32>
    %reduce_max3A_1052 = vector.shape_cast %reduce_max3A_1051 : vector<1xf32> to vector<1x1x1xf32>
    %reduce_max3A_1053 = vector.extract %reduce_max3A_1052[0, 0, 0] : f32 from vector<1x1x1xf32>
    %jit3A_1054 = arith.constant -1.000000e+30 : f32
    %broadcast_in_dim3A_1055 = vector.broadcast %jit3A_1054 : f32 to vector<80x128xf32>
    %select_n3A_1056 = arith.select %eq3A_1045, %get3A_6, %broadcast_in_dim3A_1055 : vector<80x128xi1>, vector<80x128xf32>
    %reduce_max3A_1057 = vector.shape_cast %select_n3A_1056 : vector<80x128xf32> to vector<1x80x128xf32>
    %reduce_max3A_1058 = arith.constant dense<0xFF800000> : vector<1xf32>
    %reduce_max3A_1059 = vector.multi_reduction <maximumf>, %reduce_max3A_1057, %reduce_max3A_1058 [1, 2] : vector<1x80x128xf32> to vector<1xf32>
    %reduce_max3A_1060 = vector.shape_cast %reduce_max3A_1059 : vector<1xf32> to vector<1x1x1xf32>
    %reduce_max3A_1061 = vector.extract %reduce_max3A_1060[0, 0, 0] : f32 from vector<1x1x1xf32>
    %gt3A_1062 = arith.constant -5.000000e+29 : f32
    %gt3A_1063 = arith.cmpf ogt, %reduce_max3A_1053, %gt3A_1062 : f32
    %jit3A_1064 = arith.constant 0.000000e+00 : f32
    %select_n3A_1065 = arith.select %gt3A_1063, %reduce_max3A_1053, %jit3A_1064 : f32
    %gt3A_1066 = arith.constant -5.000000e+29 : f32
    %gt3A_1067 = arith.cmpf ogt, %reduce_max3A_1061, %gt3A_1066 : f32
    %jit3A_1068 = arith.constant 0.000000e+00 : f32
    %select_n3A_1069 = arith.select %gt3A_1067, %reduce_max3A_1061, %jit3A_1068 : f32
    %jit3A_1070 = arith.constant 0.000000e+00 : f32
    %broadcast_in_dim3A_1071 = vector.broadcast %select_n3A_1065 : f32 to vector<80x128xf32>
    %broadcast_in_dim3A_1072 = vector.broadcast %jit3A_1070 : f32 to vector<80x128xf32>
    %select_n3A_1073 = arith.select %eq3A_1045, %broadcast_in_dim3A_1071, %broadcast_in_dim3A_1072 : vector<80x128xi1>, vector<80x128xf32>
    %add3A_1074 = arith.addf %add3A_1037, %select_n3A_1073 : vector<80x128xf32>
    %jit3A_1075 = arith.constant 0.000000e+00 : f32
    %broadcast_in_dim3A_1076 = vector.broadcast %select_n3A_1069 : f32 to vector<80x128xf32>
    %broadcast_in_dim3A_1077 = vector.broadcast %jit3A_1075 : f32 to vector<80x128xf32>
    %select_n3A_1078 = arith.select %eq3A_1045, %broadcast_in_dim3A_1076, %broadcast_in_dim3A_1077 : vector<80x128xi1>, vector<80x128xf32>
    %add3A_1079 = arith.addf %add3A_1042, %select_n3A_1078 : vector<80x128xf32>
    %eq3A_1080 = arith.constant 29 : i32
    %eq3A_1081 = vector.broadcast %eq3A_1080 : i32 to vector<80x128xi32>
    %eq3A_1082 = arith.cmpi eq, %get3A_9, %eq3A_1081 : vector<80x128xi32>
    %jit3A_1083 = arith.constant -1.000000e+30 : f32
    %broadcast_in_dim3A_1084 = vector.broadcast %jit3A_1083 : f32 to vector<80x128xf32>
    %select_n3A_1085 = arith.select %eq3A_1082, %reduce_sum3A_3, %broadcast_in_dim3A_1084 : vector<80x128xi1>, vector<80x128xf32>
    %reduce_max3A_1086 = vector.shape_cast %select_n3A_1085 : vector<80x128xf32> to vector<1x80x128xf32>
    %reduce_max3A_1087 = arith.constant dense<0xFF800000> : vector<1xf32>
    %reduce_max3A_1088 = vector.multi_reduction <maximumf>, %reduce_max3A_1086, %reduce_max3A_1087 [1, 2] : vector<1x80x128xf32> to vector<1xf32>
    %reduce_max3A_1089 = vector.shape_cast %reduce_max3A_1088 : vector<1xf32> to vector<1x1x1xf32>
    %reduce_max3A_1090 = vector.extract %reduce_max3A_1089[0, 0, 0] : f32 from vector<1x1x1xf32>
    %jit3A_1091 = arith.constant -1.000000e+30 : f32
    %broadcast_in_dim3A_1092 = vector.broadcast %jit3A_1091 : f32 to vector<80x128xf32>
    %select_n3A_1093 = arith.select %eq3A_1082, %get3A_6, %broadcast_in_dim3A_1092 : vector<80x128xi1>, vector<80x128xf32>
    %reduce_max3A_1094 = vector.shape_cast %select_n3A_1093 : vector<80x128xf32> to vector<1x80x128xf32>
    %reduce_max3A_1095 = arith.constant dense<0xFF800000> : vector<1xf32>
    %reduce_max3A_1096 = vector.multi_reduction <maximumf>, %reduce_max3A_1094, %reduce_max3A_1095 [1, 2] : vector<1x80x128xf32> to vector<1xf32>
    %reduce_max3A_1097 = vector.shape_cast %reduce_max3A_1096 : vector<1xf32> to vector<1x1x1xf32>
    %reduce_max3A_1098 = vector.extract %reduce_max3A_1097[0, 0, 0] : f32 from vector<1x1x1xf32>
    %gt3A_1099 = arith.constant -5.000000e+29 : f32
    %gt3A_1100 = arith.cmpf ogt, %reduce_max3A_1090, %gt3A_1099 : f32
    %jit3A_1101 = arith.constant 0.000000e+00 : f32
    %select_n3A_1102 = arith.select %gt3A_1100, %reduce_max3A_1090, %jit3A_1101 : f32
    %gt3A_1103 = arith.constant -5.000000e+29 : f32
    %gt3A_1104 = arith.cmpf ogt, %reduce_max3A_1098, %gt3A_1103 : f32
    %jit3A_1105 = arith.constant 0.000000e+00 : f32
    %select_n3A_1106 = arith.select %gt3A_1104, %reduce_max3A_1098, %jit3A_1105 : f32
    %jit3A_1107 = arith.constant 0.000000e+00 : f32
    %broadcast_in_dim3A_1108 = vector.broadcast %select_n3A_1102 : f32 to vector<80x128xf32>
    %broadcast_in_dim3A_1109 = vector.broadcast %jit3A_1107 : f32 to vector<80x128xf32>
    %select_n3A_1110 = arith.select %eq3A_1082, %broadcast_in_dim3A_1108, %broadcast_in_dim3A_1109 : vector<80x128xi1>, vector<80x128xf32>
    %add3A_1111 = arith.addf %add3A_1074, %select_n3A_1110 : vector<80x128xf32>
    %jit3A_1112 = arith.constant 0.000000e+00 : f32
    %broadcast_in_dim3A_1113 = vector.broadcast %select_n3A_1106 : f32 to vector<80x128xf32>
    %broadcast_in_dim3A_1114 = vector.broadcast %jit3A_1112 : f32 to vector<80x128xf32>
    %select_n3A_1115 = arith.select %eq3A_1082, %broadcast_in_dim3A_1113, %broadcast_in_dim3A_1114 : vector<80x128xi1>, vector<80x128xf32>
    %add3A_1116 = arith.addf %add3A_1079, %select_n3A_1115 : vector<80x128xf32>
    %eq3A_1117 = arith.constant 30 : i32
    %eq3A_1118 = vector.broadcast %eq3A_1117 : i32 to vector<80x128xi32>
    %eq3A_1119 = arith.cmpi eq, %get3A_9, %eq3A_1118 : vector<80x128xi32>
    %jit3A_1120 = arith.constant -1.000000e+30 : f32
    %broadcast_in_dim3A_1121 = vector.broadcast %jit3A_1120 : f32 to vector<80x128xf32>
    %select_n3A_1122 = arith.select %eq3A_1119, %reduce_sum3A_3, %broadcast_in_dim3A_1121 : vector<80x128xi1>, vector<80x128xf32>
    %reduce_max3A_1123 = vector.shape_cast %select_n3A_1122 : vector<80x128xf32> to vector<1x80x128xf32>
    %reduce_max3A_1124 = arith.constant dense<0xFF800000> : vector<1xf32>
    %reduce_max3A_1125 = vector.multi_reduction <maximumf>, %reduce_max3A_1123, %reduce_max3A_1124 [1, 2] : vector<1x80x128xf32> to vector<1xf32>
    %reduce_max3A_1126 = vector.shape_cast %reduce_max3A_1125 : vector<1xf32> to vector<1x1x1xf32>
    %reduce_max3A_1127 = vector.extract %reduce_max3A_1126[0, 0, 0] : f32 from vector<1x1x1xf32>
    %jit3A_1128 = arith.constant -1.000000e+30 : f32
    %broadcast_in_dim3A_1129 = vector.broadcast %jit3A_1128 : f32 to vector<80x128xf32>
    %select_n3A_1130 = arith.select %eq3A_1119, %get3A_6, %broadcast_in_dim3A_1129 : vector<80x128xi1>, vector<80x128xf32>
    %reduce_max3A_1131 = vector.shape_cast %select_n3A_1130 : vector<80x128xf32> to vector<1x80x128xf32>
    %reduce_max3A_1132 = arith.constant dense<0xFF800000> : vector<1xf32>
    %reduce_max3A_1133 = vector.multi_reduction <maximumf>, %reduce_max3A_1131, %reduce_max3A_1132 [1, 2] : vector<1x80x128xf32> to vector<1xf32>
    %reduce_max3A_1134 = vector.shape_cast %reduce_max3A_1133 : vector<1xf32> to vector<1x1x1xf32>
    %reduce_max3A_1135 = vector.extract %reduce_max3A_1134[0, 0, 0] : f32 from vector<1x1x1xf32>
    %gt3A_1136 = arith.constant -5.000000e+29 : f32
    %gt3A_1137 = arith.cmpf ogt, %reduce_max3A_1127, %gt3A_1136 : f32
    %jit3A_1138 = arith.constant 0.000000e+00 : f32
    %select_n3A_1139 = arith.select %gt3A_1137, %reduce_max3A_1127, %jit3A_1138 : f32
    %gt3A_1140 = arith.constant -5.000000e+29 : f32
    %gt3A_1141 = arith.cmpf ogt, %reduce_max3A_1135, %gt3A_1140 : f32
    %jit3A_1142 = arith.constant 0.000000e+00 : f32
    %select_n3A_1143 = arith.select %gt3A_1141, %reduce_max3A_1135, %jit3A_1142 : f32
    %jit3A_1144 = arith.constant 0.000000e+00 : f32
    %broadcast_in_dim3A_1145 = vector.broadcast %select_n3A_1139 : f32 to vector<80x128xf32>
    %broadcast_in_dim3A_1146 = vector.broadcast %jit3A_1144 : f32 to vector<80x128xf32>
    %select_n3A_1147 = arith.select %eq3A_1119, %broadcast_in_dim3A_1145, %broadcast_in_dim3A_1146 : vector<80x128xi1>, vector<80x128xf32>
    %add3A_1148 = arith.addf %add3A_1111, %select_n3A_1147 : vector<80x128xf32>
    %jit3A_1149 = arith.constant 0.000000e+00 : f32
    %broadcast_in_dim3A_1150 = vector.broadcast %select_n3A_1143 : f32 to vector<80x128xf32>
    %broadcast_in_dim3A_1151 = vector.broadcast %jit3A_1149 : f32 to vector<80x128xf32>
    %select_n3A_1152 = arith.select %eq3A_1119, %broadcast_in_dim3A_1150, %broadcast_in_dim3A_1151 : vector<80x128xi1>, vector<80x128xf32>
    %add3A_1153 = arith.addf %add3A_1116, %select_n3A_1152 : vector<80x128xf32>
    %eq3A_1154 = arith.constant 31 : i32
    %eq3A_1155 = vector.broadcast %eq3A_1154 : i32 to vector<80x128xi32>
    %eq3A_1156 = arith.cmpi eq, %get3A_9, %eq3A_1155 : vector<80x128xi32>
    %jit3A_1157 = arith.constant -1.000000e+30 : f32
    %broadcast_in_dim3A_1158 = vector.broadcast %jit3A_1157 : f32 to vector<80x128xf32>
    %select_n3A_1159 = arith.select %eq3A_1156, %reduce_sum3A_3, %broadcast_in_dim3A_1158 : vector<80x128xi1>, vector<80x128xf32>
    %reduce_max3A_1160 = vector.shape_cast %select_n3A_1159 : vector<80x128xf32> to vector<1x80x128xf32>
    %reduce_max3A_1161 = arith.constant dense<0xFF800000> : vector<1xf32>
    %reduce_max3A_1162 = vector.multi_reduction <maximumf>, %reduce_max3A_1160, %reduce_max3A_1161 [1, 2] : vector<1x80x128xf32> to vector<1xf32>
    %reduce_max3A_1163 = vector.shape_cast %reduce_max3A_1162 : vector<1xf32> to vector<1x1x1xf32>
    %reduce_max3A_1164 = vector.extract %reduce_max3A_1163[0, 0, 0] : f32 from vector<1x1x1xf32>
    %jit3A_1165 = arith.constant -1.000000e+30 : f32
    %broadcast_in_dim3A_1166 = vector.broadcast %jit3A_1165 : f32 to vector<80x128xf32>
    %select_n3A_1167 = arith.select %eq3A_1156, %get3A_6, %broadcast_in_dim3A_1166 : vector<80x128xi1>, vector<80x128xf32>
    %reduce_max3A_1168 = vector.shape_cast %select_n3A_1167 : vector<80x128xf32> to vector<1x80x128xf32>
    %reduce_max3A_1169 = arith.constant dense<0xFF800000> : vector<1xf32>
    %reduce_max3A_1170 = vector.multi_reduction <maximumf>, %reduce_max3A_1168, %reduce_max3A_1169 [1, 2] : vector<1x80x128xf32> to vector<1xf32>
    %reduce_max3A_1171 = vector.shape_cast %reduce_max3A_1170 : vector<1xf32> to vector<1x1x1xf32>
    %reduce_max3A_1172 = vector.extract %reduce_max3A_1171[0, 0, 0] : f32 from vector<1x1x1xf32>
    %gt3A_1173 = arith.constant -5.000000e+29 : f32
    %gt3A_1174 = arith.cmpf ogt, %reduce_max3A_1164, %gt3A_1173 : f32
    %jit3A_1175 = arith.constant 0.000000e+00 : f32
    %select_n3A_1176 = arith.select %gt3A_1174, %reduce_max3A_1164, %jit3A_1175 : f32
    %gt3A_1177 = arith.constant -5.000000e+29 : f32
    %gt3A_1178 = arith.cmpf ogt, %reduce_max3A_1172, %gt3A_1177 : f32
    %jit3A_1179 = arith.constant 0.000000e+00 : f32
    %select_n3A_1180 = arith.select %gt3A_1178, %reduce_max3A_1172, %jit3A_1179 : f32
    %jit3A_1181 = arith.constant 0.000000e+00 : f32
    %broadcast_in_dim3A_1182 = vector.broadcast %select_n3A_1176 : f32 to vector<80x128xf32>
    %broadcast_in_dim3A_1183 = vector.broadcast %jit3A_1181 : f32 to vector<80x128xf32>
    %select_n3A_1184 = arith.select %eq3A_1156, %broadcast_in_dim3A_1182, %broadcast_in_dim3A_1183 : vector<80x128xi1>, vector<80x128xf32>
    %add3A_1185 = arith.addf %add3A_1148, %select_n3A_1184 : vector<80x128xf32>
    %jit3A_1186 = arith.constant 0.000000e+00 : f32
    %broadcast_in_dim3A_1187 = vector.broadcast %select_n3A_1180 : f32 to vector<80x128xf32>
    %broadcast_in_dim3A_1188 = vector.broadcast %jit3A_1186 : f32 to vector<80x128xf32>
    %select_n3A_1189 = arith.select %eq3A_1156, %broadcast_in_dim3A_1187, %broadcast_in_dim3A_1188 : vector<80x128xi1>, vector<80x128xf32>
    %add3A_1190 = arith.addf %add3A_1153, %select_n3A_1189 : vector<80x128xf32>
    %sub3A = arith.subf %reduce_sum3A_3, %add3A_1185 : vector<80x128xf32>
    %exp3A = math.exp %sub3A : vector<80x128xf32>
    %sub3A_1191 = arith.subf %get3A_6, %add3A_1190 : vector<80x128xf32>
    %exp3A_1192 = math.exp %sub3A_1191 : vector<80x128xf32>
    %broadcast_in_dim3A_1193 = arith.constant 1.000000e+00 : f32
    %broadcast_in_dim3A_1194 = vector.broadcast %broadcast_in_dim3A_1193 : f32 to vector<80x128xf32>
    %broadcast_in_dim3A_1195 = arith.constant 1.000000e+00 : f32
    %broadcast_in_dim3A_1196 = vector.broadcast %broadcast_in_dim3A_1195 : f32 to vector<80x128xf32>
    %broadcast_in_dim3A_1197 = arith.constant 0.000000e+00 : f32
    %broadcast_in_dim3A_1198 = vector.broadcast %broadcast_in_dim3A_1197 : f32 to vector<80x128xf32>
    %eq3A_1199 = arith.constant 0 : i32
    %eq3A_1200 = vector.broadcast %eq3A_1199 : i32 to vector<80x128xi32>
    %eq3A_1201 = arith.cmpi eq, %get3A_9, %eq3A_1200 : vector<80x128xi32>
    %jit3A_1202 = arith.constant 0.000000e+00 : f32
    %broadcast_in_dim3A_1203 = vector.broadcast %jit3A_1202 : f32 to vector<80x128xf32>
    %select_n3A_1204 = arith.select %eq3A_1201, %exp3A, %broadcast_in_dim3A_1203 : vector<80x128xi1>, vector<80x128xf32>
    %reduce_sum3A_1205 = vector.shape_cast %select_n3A_1204 : vector<80x128xf32> to vector<1x80x128xf32>
    %reduce_sum3A_1206 = arith.constant dense<0.000000e+00> : vector<1xf32>
    %reduce_sum3A_1207 = vector.multi_reduction <add>, %reduce_sum3A_1205, %reduce_sum3A_1206 [1, 2] : vector<1x80x128xf32> to vector<1xf32>
    %reduce_sum3A_1208 = vector.shape_cast %reduce_sum3A_1207 : vector<1xf32> to vector<1x1x1xf32>
    %reduce_sum3A_1209 = vector.extract %reduce_sum3A_1208[0, 0, 0] : f32 from vector<1x1x1xf32>
    %jit3A_1210 = arith.constant 0.000000e+00 : f32
    %broadcast_in_dim3A_1211 = vector.broadcast %jit3A_1210 : f32 to vector<80x128xf32>
    %select_n3A_1212 = arith.select %eq3A_1201, %exp3A_1192, %broadcast_in_dim3A_1211 : vector<80x128xi1>, vector<80x128xf32>
    %reduce_sum3A_1213 = vector.shape_cast %select_n3A_1212 : vector<80x128xf32> to vector<1x80x128xf32>
    %reduce_sum3A_1214 = arith.constant dense<0.000000e+00> : vector<1xf32>
    %reduce_sum3A_1215 = vector.multi_reduction <add>, %reduce_sum3A_1213, %reduce_sum3A_1214 [1, 2] : vector<1x80x128xf32> to vector<1xf32>
    %reduce_sum3A_1216 = vector.shape_cast %reduce_sum3A_1215 : vector<1xf32> to vector<1x1x1xf32>
    %reduce_sum3A_1217 = vector.extract %reduce_sum3A_1216[0, 0, 0] : f32 from vector<1x1x1xf32>
    %broadcast_in_dim3A_1218 = vector.broadcast %reduce_sum3A_1209 : f32 to vector<80x128xf32>
    %select_n3A_1219 = arith.select %eq3A_1201, %broadcast_in_dim3A_1218, %broadcast_in_dim3A_1194 : vector<80x128xi1>, vector<80x128xf32>
    %broadcast_in_dim3A_1220 = vector.broadcast %reduce_sum3A_1217 : f32 to vector<80x128xf32>
    %select_n3A_1221 = arith.select %eq3A_1201, %broadcast_in_dim3A_1220, %broadcast_in_dim3A_1196 : vector<80x128xi1>, vector<80x128xf32>
    %get3A_1222 = arith.constant 0 : index
    %get3A_1223 = arith.constant 0 : index
    %get3A_1224 = vector.load %arg3[%get3A_1222, %get3A_1223] : memref<1x32xf32, #tpu.memory_space<vmem>>, vector<1x1xf32>
    %get3A_1225 = vector.extract %get3A_1224[0, 0] : f32 from vector<1x1xf32>
    %jit3A_1226 = arith.constant 0.000000e+00 : f32
    %broadcast_in_dim3A_1227 = vector.broadcast %get3A_1225 : f32 to vector<80x128xf32>
    %broadcast_in_dim3A_1228 = vector.broadcast %jit3A_1226 : f32 to vector<80x128xf32>
    %select_n3A_1229 = arith.select %eq3A_1201, %broadcast_in_dim3A_1227, %broadcast_in_dim3A_1228 : vector<80x128xi1>, vector<80x128xf32>
    %add3A_1230 = arith.addf %broadcast_in_dim3A_1198, %select_n3A_1229 : vector<80x128xf32>
    %eq3A_1231 = arith.constant 1 : i32
    %eq3A_1232 = vector.broadcast %eq3A_1231 : i32 to vector<80x128xi32>
    %eq3A_1233 = arith.cmpi eq, %get3A_9, %eq3A_1232 : vector<80x128xi32>
    %jit3A_1234 = arith.constant 0.000000e+00 : f32
    %broadcast_in_dim3A_1235 = vector.broadcast %jit3A_1234 : f32 to vector<80x128xf32>
    %select_n3A_1236 = arith.select %eq3A_1233, %exp3A, %broadcast_in_dim3A_1235 : vector<80x128xi1>, vector<80x128xf32>
    %reduce_sum3A_1237 = vector.shape_cast %select_n3A_1236 : vector<80x128xf32> to vector<1x80x128xf32>
    %reduce_sum3A_1238 = arith.constant dense<0.000000e+00> : vector<1xf32>
    %reduce_sum3A_1239 = vector.multi_reduction <add>, %reduce_sum3A_1237, %reduce_sum3A_1238 [1, 2] : vector<1x80x128xf32> to vector<1xf32>
    %reduce_sum3A_1240 = vector.shape_cast %reduce_sum3A_1239 : vector<1xf32> to vector<1x1x1xf32>
    %reduce_sum3A_1241 = vector.extract %reduce_sum3A_1240[0, 0, 0] : f32 from vector<1x1x1xf32>
    %jit3A_1242 = arith.constant 0.000000e+00 : f32
    %broadcast_in_dim3A_1243 = vector.broadcast %jit3A_1242 : f32 to vector<80x128xf32>
    %select_n3A_1244 = arith.select %eq3A_1233, %exp3A_1192, %broadcast_in_dim3A_1243 : vector<80x128xi1>, vector<80x128xf32>
    %reduce_sum3A_1245 = vector.shape_cast %select_n3A_1244 : vector<80x128xf32> to vector<1x80x128xf32>
    %reduce_sum3A_1246 = arith.constant dense<0.000000e+00> : vector<1xf32>
    %reduce_sum3A_1247 = vector.multi_reduction <add>, %reduce_sum3A_1245, %reduce_sum3A_1246 [1, 2] : vector<1x80x128xf32> to vector<1xf32>
    %reduce_sum3A_1248 = vector.shape_cast %reduce_sum3A_1247 : vector<1xf32> to vector<1x1x1xf32>
    %reduce_sum3A_1249 = vector.extract %reduce_sum3A_1248[0, 0, 0] : f32 from vector<1x1x1xf32>
    %broadcast_in_dim3A_1250 = vector.broadcast %reduce_sum3A_1241 : f32 to vector<80x128xf32>
    %select_n3A_1251 = arith.select %eq3A_1233, %broadcast_in_dim3A_1250, %select_n3A_1219 : vector<80x128xi1>, vector<80x128xf32>
    %broadcast_in_dim3A_1252 = vector.broadcast %reduce_sum3A_1249 : f32 to vector<80x128xf32>
    %select_n3A_1253 = arith.select %eq3A_1233, %broadcast_in_dim3A_1252, %select_n3A_1221 : vector<80x128xi1>, vector<80x128xf32>
    %get3A_1254 = arith.constant 0 : index
    %get3A_1255 = arith.constant 1 : index
    %get3A_1256 = vector.load %arg3[%get3A_1254, %get3A_1255] : memref<1x32xf32, #tpu.memory_space<vmem>>, vector<1x1xf32>
    %get3A_1257 = vector.extract %get3A_1256[0, 0] : f32 from vector<1x1xf32>
    %jit3A_1258 = arith.constant 0.000000e+00 : f32
    %broadcast_in_dim3A_1259 = vector.broadcast %get3A_1257 : f32 to vector<80x128xf32>
    %broadcast_in_dim3A_1260 = vector.broadcast %jit3A_1258 : f32 to vector<80x128xf32>
    %select_n3A_1261 = arith.select %eq3A_1233, %broadcast_in_dim3A_1259, %broadcast_in_dim3A_1260 : vector<80x128xi1>, vector<80x128xf32>
    %add3A_1262 = arith.addf %add3A_1230, %select_n3A_1261 : vector<80x128xf32>
    %eq3A_1263 = arith.constant 2 : i32
    %eq3A_1264 = vector.broadcast %eq3A_1263 : i32 to vector<80x128xi32>
    %eq3A_1265 = arith.cmpi eq, %get3A_9, %eq3A_1264 : vector<80x128xi32>
    %jit3A_1266 = arith.constant 0.000000e+00 : f32
    %broadcast_in_dim3A_1267 = vector.broadcast %jit3A_1266 : f32 to vector<80x128xf32>
    %select_n3A_1268 = arith.select %eq3A_1265, %exp3A, %broadcast_in_dim3A_1267 : vector<80x128xi1>, vector<80x128xf32>
    %reduce_sum3A_1269 = vector.shape_cast %select_n3A_1268 : vector<80x128xf32> to vector<1x80x128xf32>
    %reduce_sum3A_1270 = arith.constant dense<0.000000e+00> : vector<1xf32>
    %reduce_sum3A_1271 = vector.multi_reduction <add>, %reduce_sum3A_1269, %reduce_sum3A_1270 [1, 2] : vector<1x80x128xf32> to vector<1xf32>
    %reduce_sum3A_1272 = vector.shape_cast %reduce_sum3A_1271 : vector<1xf32> to vector<1x1x1xf32>
    %reduce_sum3A_1273 = vector.extract %reduce_sum3A_1272[0, 0, 0] : f32 from vector<1x1x1xf32>
    %jit3A_1274 = arith.constant 0.000000e+00 : f32
    %broadcast_in_dim3A_1275 = vector.broadcast %jit3A_1274 : f32 to vector<80x128xf32>
    %select_n3A_1276 = arith.select %eq3A_1265, %exp3A_1192, %broadcast_in_dim3A_1275 : vector<80x128xi1>, vector<80x128xf32>
    %reduce_sum3A_1277 = vector.shape_cast %select_n3A_1276 : vector<80x128xf32> to vector<1x80x128xf32>
    %reduce_sum3A_1278 = arith.constant dense<0.000000e+00> : vector<1xf32>
    %reduce_sum3A_1279 = vector.multi_reduction <add>, %reduce_sum3A_1277, %reduce_sum3A_1278 [1, 2] : vector<1x80x128xf32> to vector<1xf32>
    %reduce_sum3A_1280 = vector.shape_cast %reduce_sum3A_1279 : vector<1xf32> to vector<1x1x1xf32>
    %reduce_sum3A_1281 = vector.extract %reduce_sum3A_1280[0, 0, 0] : f32 from vector<1x1x1xf32>
    %broadcast_in_dim3A_1282 = vector.broadcast %reduce_sum3A_1273 : f32 to vector<80x128xf32>
    %select_n3A_1283 = arith.select %eq3A_1265, %broadcast_in_dim3A_1282, %select_n3A_1251 : vector<80x128xi1>, vector<80x128xf32>
    %broadcast_in_dim3A_1284 = vector.broadcast %reduce_sum3A_1281 : f32 to vector<80x128xf32>
    %select_n3A_1285 = arith.select %eq3A_1265, %broadcast_in_dim3A_1284, %select_n3A_1253 : vector<80x128xi1>, vector<80x128xf32>
    %get3A_1286 = arith.constant 0 : index
    %get3A_1287 = arith.constant 2 : index
    %get3A_1288 = vector.load %arg3[%get3A_1286, %get3A_1287] : memref<1x32xf32, #tpu.memory_space<vmem>>, vector<1x1xf32>
    %get3A_1289 = vector.extract %get3A_1288[0, 0] : f32 from vector<1x1xf32>
    %jit3A_1290 = arith.constant 0.000000e+00 : f32
    %broadcast_in_dim3A_1291 = vector.broadcast %get3A_1289 : f32 to vector<80x128xf32>
    %broadcast_in_dim3A_1292 = vector.broadcast %jit3A_1290 : f32 to vector<80x128xf32>
    %select_n3A_1293 = arith.select %eq3A_1265, %broadcast_in_dim3A_1291, %broadcast_in_dim3A_1292 : vector<80x128xi1>, vector<80x128xf32>
    %add3A_1294 = arith.addf %add3A_1262, %select_n3A_1293 : vector<80x128xf32>
    %eq3A_1295 = arith.constant 3 : i32
    %eq3A_1296 = vector.broadcast %eq3A_1295 : i32 to vector<80x128xi32>
    %eq3A_1297 = arith.cmpi eq, %get3A_9, %eq3A_1296 : vector<80x128xi32>
    %jit3A_1298 = arith.constant 0.000000e+00 : f32
    %broadcast_in_dim3A_1299 = vector.broadcast %jit3A_1298 : f32 to vector<80x128xf32>
    %select_n3A_1300 = arith.select %eq3A_1297, %exp3A, %broadcast_in_dim3A_1299 : vector<80x128xi1>, vector<80x128xf32>
    %reduce_sum3A_1301 = vector.shape_cast %select_n3A_1300 : vector<80x128xf32> to vector<1x80x128xf32>
    %reduce_sum3A_1302 = arith.constant dense<0.000000e+00> : vector<1xf32>
    %reduce_sum3A_1303 = vector.multi_reduction <add>, %reduce_sum3A_1301, %reduce_sum3A_1302 [1, 2] : vector<1x80x128xf32> to vector<1xf32>
    %reduce_sum3A_1304 = vector.shape_cast %reduce_sum3A_1303 : vector<1xf32> to vector<1x1x1xf32>
    %reduce_sum3A_1305 = vector.extract %reduce_sum3A_1304[0, 0, 0] : f32 from vector<1x1x1xf32>
    %jit3A_1306 = arith.constant 0.000000e+00 : f32
    %broadcast_in_dim3A_1307 = vector.broadcast %jit3A_1306 : f32 to vector<80x128xf32>
    %select_n3A_1308 = arith.select %eq3A_1297, %exp3A_1192, %broadcast_in_dim3A_1307 : vector<80x128xi1>, vector<80x128xf32>
    %reduce_sum3A_1309 = vector.shape_cast %select_n3A_1308 : vector<80x128xf32> to vector<1x80x128xf32>
    %reduce_sum3A_1310 = arith.constant dense<0.000000e+00> : vector<1xf32>
    %reduce_sum3A_1311 = vector.multi_reduction <add>, %reduce_sum3A_1309, %reduce_sum3A_1310 [1, 2] : vector<1x80x128xf32> to vector<1xf32>
    %reduce_sum3A_1312 = vector.shape_cast %reduce_sum3A_1311 : vector<1xf32> to vector<1x1x1xf32>
    %reduce_sum3A_1313 = vector.extract %reduce_sum3A_1312[0, 0, 0] : f32 from vector<1x1x1xf32>
    %broadcast_in_dim3A_1314 = vector.broadcast %reduce_sum3A_1305 : f32 to vector<80x128xf32>
    %select_n3A_1315 = arith.select %eq3A_1297, %broadcast_in_dim3A_1314, %select_n3A_1283 : vector<80x128xi1>, vector<80x128xf32>
    %broadcast_in_dim3A_1316 = vector.broadcast %reduce_sum3A_1313 : f32 to vector<80x128xf32>
    %select_n3A_1317 = arith.select %eq3A_1297, %broadcast_in_dim3A_1316, %select_n3A_1285 : vector<80x128xi1>, vector<80x128xf32>
    %get3A_1318 = arith.constant 0 : index
    %get3A_1319 = arith.constant 3 : index
    %get3A_1320 = vector.load %arg3[%get3A_1318, %get3A_1319] : memref<1x32xf32, #tpu.memory_space<vmem>>, vector<1x1xf32>
    %get3A_1321 = vector.extract %get3A_1320[0, 0] : f32 from vector<1x1xf32>
    %jit3A_1322 = arith.constant 0.000000e+00 : f32
    %broadcast_in_dim3A_1323 = vector.broadcast %get3A_1321 : f32 to vector<80x128xf32>
    %broadcast_in_dim3A_1324 = vector.broadcast %jit3A_1322 : f32 to vector<80x128xf32>
    %select_n3A_1325 = arith.select %eq3A_1297, %broadcast_in_dim3A_1323, %broadcast_in_dim3A_1324 : vector<80x128xi1>, vector<80x128xf32>
    %add3A_1326 = arith.addf %add3A_1294, %select_n3A_1325 : vector<80x128xf32>
    %eq3A_1327 = arith.constant 4 : i32
    %eq3A_1328 = vector.broadcast %eq3A_1327 : i32 to vector<80x128xi32>
    %eq3A_1329 = arith.cmpi eq, %get3A_9, %eq3A_1328 : vector<80x128xi32>
    %jit3A_1330 = arith.constant 0.000000e+00 : f32
    %broadcast_in_dim3A_1331 = vector.broadcast %jit3A_1330 : f32 to vector<80x128xf32>
    %select_n3A_1332 = arith.select %eq3A_1329, %exp3A, %broadcast_in_dim3A_1331 : vector<80x128xi1>, vector<80x128xf32>
    %reduce_sum3A_1333 = vector.shape_cast %select_n3A_1332 : vector<80x128xf32> to vector<1x80x128xf32>
    %reduce_sum3A_1334 = arith.constant dense<0.000000e+00> : vector<1xf32>
    %reduce_sum3A_1335 = vector.multi_reduction <add>, %reduce_sum3A_1333, %reduce_sum3A_1334 [1, 2] : vector<1x80x128xf32> to vector<1xf32>
    %reduce_sum3A_1336 = vector.shape_cast %reduce_sum3A_1335 : vector<1xf32> to vector<1x1x1xf32>
    %reduce_sum3A_1337 = vector.extract %reduce_sum3A_1336[0, 0, 0] : f32 from vector<1x1x1xf32>
    %jit3A_1338 = arith.constant 0.000000e+00 : f32
    %broadcast_in_dim3A_1339 = vector.broadcast %jit3A_1338 : f32 to vector<80x128xf32>
    %select_n3A_1340 = arith.select %eq3A_1329, %exp3A_1192, %broadcast_in_dim3A_1339 : vector<80x128xi1>, vector<80x128xf32>
    %reduce_sum3A_1341 = vector.shape_cast %select_n3A_1340 : vector<80x128xf32> to vector<1x80x128xf32>
    %reduce_sum3A_1342 = arith.constant dense<0.000000e+00> : vector<1xf32>
    %reduce_sum3A_1343 = vector.multi_reduction <add>, %reduce_sum3A_1341, %reduce_sum3A_1342 [1, 2] : vector<1x80x128xf32> to vector<1xf32>
    %reduce_sum3A_1344 = vector.shape_cast %reduce_sum3A_1343 : vector<1xf32> to vector<1x1x1xf32>
    %reduce_sum3A_1345 = vector.extract %reduce_sum3A_1344[0, 0, 0] : f32 from vector<1x1x1xf32>
    %broadcast_in_dim3A_1346 = vector.broadcast %reduce_sum3A_1337 : f32 to vector<80x128xf32>
    %select_n3A_1347 = arith.select %eq3A_1329, %broadcast_in_dim3A_1346, %select_n3A_1315 : vector<80x128xi1>, vector<80x128xf32>
    %broadcast_in_dim3A_1348 = vector.broadcast %reduce_sum3A_1345 : f32 to vector<80x128xf32>
    %select_n3A_1349 = arith.select %eq3A_1329, %broadcast_in_dim3A_1348, %select_n3A_1317 : vector<80x128xi1>, vector<80x128xf32>
    %get3A_1350 = arith.constant 0 : index
    %get3A_1351 = arith.constant 4 : index
    %get3A_1352 = vector.load %arg3[%get3A_1350, %get3A_1351] : memref<1x32xf32, #tpu.memory_space<vmem>>, vector<1x1xf32>
    %get3A_1353 = vector.extract %get3A_1352[0, 0] : f32 from vector<1x1xf32>
    %jit3A_1354 = arith.constant 0.000000e+00 : f32
    %broadcast_in_dim3A_1355 = vector.broadcast %get3A_1353 : f32 to vector<80x128xf32>
    %broadcast_in_dim3A_1356 = vector.broadcast %jit3A_1354 : f32 to vector<80x128xf32>
    %select_n3A_1357 = arith.select %eq3A_1329, %broadcast_in_dim3A_1355, %broadcast_in_dim3A_1356 : vector<80x128xi1>, vector<80x128xf32>
    %add3A_1358 = arith.addf %add3A_1326, %select_n3A_1357 : vector<80x128xf32>
    %eq3A_1359 = arith.constant 5 : i32
    %eq3A_1360 = vector.broadcast %eq3A_1359 : i32 to vector<80x128xi32>
    %eq3A_1361 = arith.cmpi eq, %get3A_9, %eq3A_1360 : vector<80x128xi32>
    %jit3A_1362 = arith.constant 0.000000e+00 : f32
    %broadcast_in_dim3A_1363 = vector.broadcast %jit3A_1362 : f32 to vector<80x128xf32>
    %select_n3A_1364 = arith.select %eq3A_1361, %exp3A, %broadcast_in_dim3A_1363 : vector<80x128xi1>, vector<80x128xf32>
    %reduce_sum3A_1365 = vector.shape_cast %select_n3A_1364 : vector<80x128xf32> to vector<1x80x128xf32>
    %reduce_sum3A_1366 = arith.constant dense<0.000000e+00> : vector<1xf32>
    %reduce_sum3A_1367 = vector.multi_reduction <add>, %reduce_sum3A_1365, %reduce_sum3A_1366 [1, 2] : vector<1x80x128xf32> to vector<1xf32>
    %reduce_sum3A_1368 = vector.shape_cast %reduce_sum3A_1367 : vector<1xf32> to vector<1x1x1xf32>
    %reduce_sum3A_1369 = vector.extract %reduce_sum3A_1368[0, 0, 0] : f32 from vector<1x1x1xf32>
    %jit3A_1370 = arith.constant 0.000000e+00 : f32
    %broadcast_in_dim3A_1371 = vector.broadcast %jit3A_1370 : f32 to vector<80x128xf32>
    %select_n3A_1372 = arith.select %eq3A_1361, %exp3A_1192, %broadcast_in_dim3A_1371 : vector<80x128xi1>, vector<80x128xf32>
    %reduce_sum3A_1373 = vector.shape_cast %select_n3A_1372 : vector<80x128xf32> to vector<1x80x128xf32>
    %reduce_sum3A_1374 = arith.constant dense<0.000000e+00> : vector<1xf32>
    %reduce_sum3A_1375 = vector.multi_reduction <add>, %reduce_sum3A_1373, %reduce_sum3A_1374 [1, 2] : vector<1x80x128xf32> to vector<1xf32>
    %reduce_sum3A_1376 = vector.shape_cast %reduce_sum3A_1375 : vector<1xf32> to vector<1x1x1xf32>
    %reduce_sum3A_1377 = vector.extract %reduce_sum3A_1376[0, 0, 0] : f32 from vector<1x1x1xf32>
    %broadcast_in_dim3A_1378 = vector.broadcast %reduce_sum3A_1369 : f32 to vector<80x128xf32>
    %select_n3A_1379 = arith.select %eq3A_1361, %broadcast_in_dim3A_1378, %select_n3A_1347 : vector<80x128xi1>, vector<80x128xf32>
    %broadcast_in_dim3A_1380 = vector.broadcast %reduce_sum3A_1377 : f32 to vector<80x128xf32>
    %select_n3A_1381 = arith.select %eq3A_1361, %broadcast_in_dim3A_1380, %select_n3A_1349 : vector<80x128xi1>, vector<80x128xf32>
    %get3A_1382 = arith.constant 0 : index
    %get3A_1383 = arith.constant 5 : index
    %get3A_1384 = vector.load %arg3[%get3A_1382, %get3A_1383] : memref<1x32xf32, #tpu.memory_space<vmem>>, vector<1x1xf32>
    %get3A_1385 = vector.extract %get3A_1384[0, 0] : f32 from vector<1x1xf32>
    %jit3A_1386 = arith.constant 0.000000e+00 : f32
    %broadcast_in_dim3A_1387 = vector.broadcast %get3A_1385 : f32 to vector<80x128xf32>
    %broadcast_in_dim3A_1388 = vector.broadcast %jit3A_1386 : f32 to vector<80x128xf32>
    %select_n3A_1389 = arith.select %eq3A_1361, %broadcast_in_dim3A_1387, %broadcast_in_dim3A_1388 : vector<80x128xi1>, vector<80x128xf32>
    %add3A_1390 = arith.addf %add3A_1358, %select_n3A_1389 : vector<80x128xf32>
    %eq3A_1391 = arith.constant 6 : i32
    %eq3A_1392 = vector.broadcast %eq3A_1391 : i32 to vector<80x128xi32>
    %eq3A_1393 = arith.cmpi eq, %get3A_9, %eq3A_1392 : vector<80x128xi32>
    %jit3A_1394 = arith.constant 0.000000e+00 : f32
    %broadcast_in_dim3A_1395 = vector.broadcast %jit3A_1394 : f32 to vector<80x128xf32>
    %select_n3A_1396 = arith.select %eq3A_1393, %exp3A, %broadcast_in_dim3A_1395 : vector<80x128xi1>, vector<80x128xf32>
    %reduce_sum3A_1397 = vector.shape_cast %select_n3A_1396 : vector<80x128xf32> to vector<1x80x128xf32>
    %reduce_sum3A_1398 = arith.constant dense<0.000000e+00> : vector<1xf32>
    %reduce_sum3A_1399 = vector.multi_reduction <add>, %reduce_sum3A_1397, %reduce_sum3A_1398 [1, 2] : vector<1x80x128xf32> to vector<1xf32>
    %reduce_sum3A_1400 = vector.shape_cast %reduce_sum3A_1399 : vector<1xf32> to vector<1x1x1xf32>
    %reduce_sum3A_1401 = vector.extract %reduce_sum3A_1400[0, 0, 0] : f32 from vector<1x1x1xf32>
    %jit3A_1402 = arith.constant 0.000000e+00 : f32
    %broadcast_in_dim3A_1403 = vector.broadcast %jit3A_1402 : f32 to vector<80x128xf32>
    %select_n3A_1404 = arith.select %eq3A_1393, %exp3A_1192, %broadcast_in_dim3A_1403 : vector<80x128xi1>, vector<80x128xf32>
    %reduce_sum3A_1405 = vector.shape_cast %select_n3A_1404 : vector<80x128xf32> to vector<1x80x128xf32>
    %reduce_sum3A_1406 = arith.constant dense<0.000000e+00> : vector<1xf32>
    %reduce_sum3A_1407 = vector.multi_reduction <add>, %reduce_sum3A_1405, %reduce_sum3A_1406 [1, 2] : vector<1x80x128xf32> to vector<1xf32>
    %reduce_sum3A_1408 = vector.shape_cast %reduce_sum3A_1407 : vector<1xf32> to vector<1x1x1xf32>
    %reduce_sum3A_1409 = vector.extract %reduce_sum3A_1408[0, 0, 0] : f32 from vector<1x1x1xf32>
    %broadcast_in_dim3A_1410 = vector.broadcast %reduce_sum3A_1401 : f32 to vector<80x128xf32>
    %select_n3A_1411 = arith.select %eq3A_1393, %broadcast_in_dim3A_1410, %select_n3A_1379 : vector<80x128xi1>, vector<80x128xf32>
    %broadcast_in_dim3A_1412 = vector.broadcast %reduce_sum3A_1409 : f32 to vector<80x128xf32>
    %select_n3A_1413 = arith.select %eq3A_1393, %broadcast_in_dim3A_1412, %select_n3A_1381 : vector<80x128xi1>, vector<80x128xf32>
    %get3A_1414 = arith.constant 0 : index
    %get3A_1415 = arith.constant 6 : index
    %get3A_1416 = vector.load %arg3[%get3A_1414, %get3A_1415] : memref<1x32xf32, #tpu.memory_space<vmem>>, vector<1x1xf32>
    %get3A_1417 = vector.extract %get3A_1416[0, 0] : f32 from vector<1x1xf32>
    %jit3A_1418 = arith.constant 0.000000e+00 : f32
    %broadcast_in_dim3A_1419 = vector.broadcast %get3A_1417 : f32 to vector<80x128xf32>
    %broadcast_in_dim3A_1420 = vector.broadcast %jit3A_1418 : f32 to vector<80x128xf32>
    %select_n3A_1421 = arith.select %eq3A_1393, %broadcast_in_dim3A_1419, %broadcast_in_dim3A_1420 : vector<80x128xi1>, vector<80x128xf32>
    %add3A_1422 = arith.addf %add3A_1390, %select_n3A_1421 : vector<80x128xf32>
    %eq3A_1423 = arith.constant 7 : i32
    %eq3A_1424 = vector.broadcast %eq3A_1423 : i32 to vector<80x128xi32>
    %eq3A_1425 = arith.cmpi eq, %get3A_9, %eq3A_1424 : vector<80x128xi32>
    %jit3A_1426 = arith.constant 0.000000e+00 : f32
    %broadcast_in_dim3A_1427 = vector.broadcast %jit3A_1426 : f32 to vector<80x128xf32>
    %select_n3A_1428 = arith.select %eq3A_1425, %exp3A, %broadcast_in_dim3A_1427 : vector<80x128xi1>, vector<80x128xf32>
    %reduce_sum3A_1429 = vector.shape_cast %select_n3A_1428 : vector<80x128xf32> to vector<1x80x128xf32>
    %reduce_sum3A_1430 = arith.constant dense<0.000000e+00> : vector<1xf32>
    %reduce_sum3A_1431 = vector.multi_reduction <add>, %reduce_sum3A_1429, %reduce_sum3A_1430 [1, 2] : vector<1x80x128xf32> to vector<1xf32>
    %reduce_sum3A_1432 = vector.shape_cast %reduce_sum3A_1431 : vector<1xf32> to vector<1x1x1xf32>
    %reduce_sum3A_1433 = vector.extract %reduce_sum3A_1432[0, 0, 0] : f32 from vector<1x1x1xf32>
    %jit3A_1434 = arith.constant 0.000000e+00 : f32
    %broadcast_in_dim3A_1435 = vector.broadcast %jit3A_1434 : f32 to vector<80x128xf32>
    %select_n3A_1436 = arith.select %eq3A_1425, %exp3A_1192, %broadcast_in_dim3A_1435 : vector<80x128xi1>, vector<80x128xf32>
    %reduce_sum3A_1437 = vector.shape_cast %select_n3A_1436 : vector<80x128xf32> to vector<1x80x128xf32>
    %reduce_sum3A_1438 = arith.constant dense<0.000000e+00> : vector<1xf32>
    %reduce_sum3A_1439 = vector.multi_reduction <add>, %reduce_sum3A_1437, %reduce_sum3A_1438 [1, 2] : vector<1x80x128xf32> to vector<1xf32>
    %reduce_sum3A_1440 = vector.shape_cast %reduce_sum3A_1439 : vector<1xf32> to vector<1x1x1xf32>
    %reduce_sum3A_1441 = vector.extract %reduce_sum3A_1440[0, 0, 0] : f32 from vector<1x1x1xf32>
    %broadcast_in_dim3A_1442 = vector.broadcast %reduce_sum3A_1433 : f32 to vector<80x128xf32>
    %select_n3A_1443 = arith.select %eq3A_1425, %broadcast_in_dim3A_1442, %select_n3A_1411 : vector<80x128xi1>, vector<80x128xf32>
    %broadcast_in_dim3A_1444 = vector.broadcast %reduce_sum3A_1441 : f32 to vector<80x128xf32>
    %select_n3A_1445 = arith.select %eq3A_1425, %broadcast_in_dim3A_1444, %select_n3A_1413 : vector<80x128xi1>, vector<80x128xf32>
    %get3A_1446 = arith.constant 0 : index
    %get3A_1447 = arith.constant 7 : index
    %get3A_1448 = vector.load %arg3[%get3A_1446, %get3A_1447] : memref<1x32xf32, #tpu.memory_space<vmem>>, vector<1x1xf32>
    %get3A_1449 = vector.extract %get3A_1448[0, 0] : f32 from vector<1x1xf32>
    %jit3A_1450 = arith.constant 0.000000e+00 : f32
    %broadcast_in_dim3A_1451 = vector.broadcast %get3A_1449 : f32 to vector<80x128xf32>
    %broadcast_in_dim3A_1452 = vector.broadcast %jit3A_1450 : f32 to vector<80x128xf32>
    %select_n3A_1453 = arith.select %eq3A_1425, %broadcast_in_dim3A_1451, %broadcast_in_dim3A_1452 : vector<80x128xi1>, vector<80x128xf32>
    %add3A_1454 = arith.addf %add3A_1422, %select_n3A_1453 : vector<80x128xf32>
    %eq3A_1455 = arith.constant 8 : i32
    %eq3A_1456 = vector.broadcast %eq3A_1455 : i32 to vector<80x128xi32>
    %eq3A_1457 = arith.cmpi eq, %get3A_9, %eq3A_1456 : vector<80x128xi32>
    %jit3A_1458 = arith.constant 0.000000e+00 : f32
    %broadcast_in_dim3A_1459 = vector.broadcast %jit3A_1458 : f32 to vector<80x128xf32>
    %select_n3A_1460 = arith.select %eq3A_1457, %exp3A, %broadcast_in_dim3A_1459 : vector<80x128xi1>, vector<80x128xf32>
    %reduce_sum3A_1461 = vector.shape_cast %select_n3A_1460 : vector<80x128xf32> to vector<1x80x128xf32>
    %reduce_sum3A_1462 = arith.constant dense<0.000000e+00> : vector<1xf32>
    %reduce_sum3A_1463 = vector.multi_reduction <add>, %reduce_sum3A_1461, %reduce_sum3A_1462 [1, 2] : vector<1x80x128xf32> to vector<1xf32>
    %reduce_sum3A_1464 = vector.shape_cast %reduce_sum3A_1463 : vector<1xf32> to vector<1x1x1xf32>
    %reduce_sum3A_1465 = vector.extract %reduce_sum3A_1464[0, 0, 0] : f32 from vector<1x1x1xf32>
    %jit3A_1466 = arith.constant 0.000000e+00 : f32
    %broadcast_in_dim3A_1467 = vector.broadcast %jit3A_1466 : f32 to vector<80x128xf32>
    %select_n3A_1468 = arith.select %eq3A_1457, %exp3A_1192, %broadcast_in_dim3A_1467 : vector<80x128xi1>, vector<80x128xf32>
    %reduce_sum3A_1469 = vector.shape_cast %select_n3A_1468 : vector<80x128xf32> to vector<1x80x128xf32>
    %reduce_sum3A_1470 = arith.constant dense<0.000000e+00> : vector<1xf32>
    %reduce_sum3A_1471 = vector.multi_reduction <add>, %reduce_sum3A_1469, %reduce_sum3A_1470 [1, 2] : vector<1x80x128xf32> to vector<1xf32>
    %reduce_sum3A_1472 = vector.shape_cast %reduce_sum3A_1471 : vector<1xf32> to vector<1x1x1xf32>
    %reduce_sum3A_1473 = vector.extract %reduce_sum3A_1472[0, 0, 0] : f32 from vector<1x1x1xf32>
    %broadcast_in_dim3A_1474 = vector.broadcast %reduce_sum3A_1465 : f32 to vector<80x128xf32>
    %select_n3A_1475 = arith.select %eq3A_1457, %broadcast_in_dim3A_1474, %select_n3A_1443 : vector<80x128xi1>, vector<80x128xf32>
    %broadcast_in_dim3A_1476 = vector.broadcast %reduce_sum3A_1473 : f32 to vector<80x128xf32>
    %select_n3A_1477 = arith.select %eq3A_1457, %broadcast_in_dim3A_1476, %select_n3A_1445 : vector<80x128xi1>, vector<80x128xf32>
    %get3A_1478 = arith.constant 0 : index
    %get3A_1479 = arith.constant 8 : index
    %get3A_1480 = vector.load %arg3[%get3A_1478, %get3A_1479] : memref<1x32xf32, #tpu.memory_space<vmem>>, vector<1x1xf32>
    %get3A_1481 = vector.extract %get3A_1480[0, 0] : f32 from vector<1x1xf32>
    %jit3A_1482 = arith.constant 0.000000e+00 : f32
    %broadcast_in_dim3A_1483 = vector.broadcast %get3A_1481 : f32 to vector<80x128xf32>
    %broadcast_in_dim3A_1484 = vector.broadcast %jit3A_1482 : f32 to vector<80x128xf32>
    %select_n3A_1485 = arith.select %eq3A_1457, %broadcast_in_dim3A_1483, %broadcast_in_dim3A_1484 : vector<80x128xi1>, vector<80x128xf32>
    %add3A_1486 = arith.addf %add3A_1454, %select_n3A_1485 : vector<80x128xf32>
    %eq3A_1487 = arith.constant 9 : i32
    %eq3A_1488 = vector.broadcast %eq3A_1487 : i32 to vector<80x128xi32>
    %eq3A_1489 = arith.cmpi eq, %get3A_9, %eq3A_1488 : vector<80x128xi32>
    %jit3A_1490 = arith.constant 0.000000e+00 : f32
    %broadcast_in_dim3A_1491 = vector.broadcast %jit3A_1490 : f32 to vector<80x128xf32>
    %select_n3A_1492 = arith.select %eq3A_1489, %exp3A, %broadcast_in_dim3A_1491 : vector<80x128xi1>, vector<80x128xf32>
    %reduce_sum3A_1493 = vector.shape_cast %select_n3A_1492 : vector<80x128xf32> to vector<1x80x128xf32>
    %reduce_sum3A_1494 = arith.constant dense<0.000000e+00> : vector<1xf32>
    %reduce_sum3A_1495 = vector.multi_reduction <add>, %reduce_sum3A_1493, %reduce_sum3A_1494 [1, 2] : vector<1x80x128xf32> to vector<1xf32>
    %reduce_sum3A_1496 = vector.shape_cast %reduce_sum3A_1495 : vector<1xf32> to vector<1x1x1xf32>
    %reduce_sum3A_1497 = vector.extract %reduce_sum3A_1496[0, 0, 0] : f32 from vector<1x1x1xf32>
    %jit3A_1498 = arith.constant 0.000000e+00 : f32
    %broadcast_in_dim3A_1499 = vector.broadcast %jit3A_1498 : f32 to vector<80x128xf32>
    %select_n3A_1500 = arith.select %eq3A_1489, %exp3A_1192, %broadcast_in_dim3A_1499 : vector<80x128xi1>, vector<80x128xf32>
    %reduce_sum3A_1501 = vector.shape_cast %select_n3A_1500 : vector<80x128xf32> to vector<1x80x128xf32>
    %reduce_sum3A_1502 = arith.constant dense<0.000000e+00> : vector<1xf32>
    %reduce_sum3A_1503 = vector.multi_reduction <add>, %reduce_sum3A_1501, %reduce_sum3A_1502 [1, 2] : vector<1x80x128xf32> to vector<1xf32>
    %reduce_sum3A_1504 = vector.shape_cast %reduce_sum3A_1503 : vector<1xf32> to vector<1x1x1xf32>
    %reduce_sum3A_1505 = vector.extract %reduce_sum3A_1504[0, 0, 0] : f32 from vector<1x1x1xf32>
    %broadcast_in_dim3A_1506 = vector.broadcast %reduce_sum3A_1497 : f32 to vector<80x128xf32>
    %select_n3A_1507 = arith.select %eq3A_1489, %broadcast_in_dim3A_1506, %select_n3A_1475 : vector<80x128xi1>, vector<80x128xf32>
    %broadcast_in_dim3A_1508 = vector.broadcast %reduce_sum3A_1505 : f32 to vector<80x128xf32>
    %select_n3A_1509 = arith.select %eq3A_1489, %broadcast_in_dim3A_1508, %select_n3A_1477 : vector<80x128xi1>, vector<80x128xf32>
    %get3A_1510 = arith.constant 0 : index
    %get3A_1511 = arith.constant 9 : index
    %get3A_1512 = vector.load %arg3[%get3A_1510, %get3A_1511] : memref<1x32xf32, #tpu.memory_space<vmem>>, vector<1x1xf32>
    %get3A_1513 = vector.extract %get3A_1512[0, 0] : f32 from vector<1x1xf32>
    %jit3A_1514 = arith.constant 0.000000e+00 : f32
    %broadcast_in_dim3A_1515 = vector.broadcast %get3A_1513 : f32 to vector<80x128xf32>
    %broadcast_in_dim3A_1516 = vector.broadcast %jit3A_1514 : f32 to vector<80x128xf32>
    %select_n3A_1517 = arith.select %eq3A_1489, %broadcast_in_dim3A_1515, %broadcast_in_dim3A_1516 : vector<80x128xi1>, vector<80x128xf32>
    %add3A_1518 = arith.addf %add3A_1486, %select_n3A_1517 : vector<80x128xf32>
    %eq3A_1519 = arith.constant 10 : i32
    %eq3A_1520 = vector.broadcast %eq3A_1519 : i32 to vector<80x128xi32>
    %eq3A_1521 = arith.cmpi eq, %get3A_9, %eq3A_1520 : vector<80x128xi32>
    %jit3A_1522 = arith.constant 0.000000e+00 : f32
    %broadcast_in_dim3A_1523 = vector.broadcast %jit3A_1522 : f32 to vector<80x128xf32>
    %select_n3A_1524 = arith.select %eq3A_1521, %exp3A, %broadcast_in_dim3A_1523 : vector<80x128xi1>, vector<80x128xf32>
    %reduce_sum3A_1525 = vector.shape_cast %select_n3A_1524 : vector<80x128xf32> to vector<1x80x128xf32>
    %reduce_sum3A_1526 = arith.constant dense<0.000000e+00> : vector<1xf32>
    %reduce_sum3A_1527 = vector.multi_reduction <add>, %reduce_sum3A_1525, %reduce_sum3A_1526 [1, 2] : vector<1x80x128xf32> to vector<1xf32>
    %reduce_sum3A_1528 = vector.shape_cast %reduce_sum3A_1527 : vector<1xf32> to vector<1x1x1xf32>
    %reduce_sum3A_1529 = vector.extract %reduce_sum3A_1528[0, 0, 0] : f32 from vector<1x1x1xf32>
    %jit3A_1530 = arith.constant 0.000000e+00 : f32
    %broadcast_in_dim3A_1531 = vector.broadcast %jit3A_1530 : f32 to vector<80x128xf32>
    %select_n3A_1532 = arith.select %eq3A_1521, %exp3A_1192, %broadcast_in_dim3A_1531 : vector<80x128xi1>, vector<80x128xf32>
    %reduce_sum3A_1533 = vector.shape_cast %select_n3A_1532 : vector<80x128xf32> to vector<1x80x128xf32>
    %reduce_sum3A_1534 = arith.constant dense<0.000000e+00> : vector<1xf32>
    %reduce_sum3A_1535 = vector.multi_reduction <add>, %reduce_sum3A_1533, %reduce_sum3A_1534 [1, 2] : vector<1x80x128xf32> to vector<1xf32>
    %reduce_sum3A_1536 = vector.shape_cast %reduce_sum3A_1535 : vector<1xf32> to vector<1x1x1xf32>
    %reduce_sum3A_1537 = vector.extract %reduce_sum3A_1536[0, 0, 0] : f32 from vector<1x1x1xf32>
    %broadcast_in_dim3A_1538 = vector.broadcast %reduce_sum3A_1529 : f32 to vector<80x128xf32>
    %select_n3A_1539 = arith.select %eq3A_1521, %broadcast_in_dim3A_1538, %select_n3A_1507 : vector<80x128xi1>, vector<80x128xf32>
    %broadcast_in_dim3A_1540 = vector.broadcast %reduce_sum3A_1537 : f32 to vector<80x128xf32>
    %select_n3A_1541 = arith.select %eq3A_1521, %broadcast_in_dim3A_1540, %select_n3A_1509 : vector<80x128xi1>, vector<80x128xf32>
    %get3A_1542 = arith.constant 0 : index
    %get3A_1543 = arith.constant 10 : index
    %get3A_1544 = vector.load %arg3[%get3A_1542, %get3A_1543] : memref<1x32xf32, #tpu.memory_space<vmem>>, vector<1x1xf32>
    %get3A_1545 = vector.extract %get3A_1544[0, 0] : f32 from vector<1x1xf32>
    %jit3A_1546 = arith.constant 0.000000e+00 : f32
    %broadcast_in_dim3A_1547 = vector.broadcast %get3A_1545 : f32 to vector<80x128xf32>
    %broadcast_in_dim3A_1548 = vector.broadcast %jit3A_1546 : f32 to vector<80x128xf32>
    %select_n3A_1549 = arith.select %eq3A_1521, %broadcast_in_dim3A_1547, %broadcast_in_dim3A_1548 : vector<80x128xi1>, vector<80x128xf32>
    %add3A_1550 = arith.addf %add3A_1518, %select_n3A_1549 : vector<80x128xf32>
    %eq3A_1551 = arith.constant 11 : i32
    %eq3A_1552 = vector.broadcast %eq3A_1551 : i32 to vector<80x128xi32>
    %eq3A_1553 = arith.cmpi eq, %get3A_9, %eq3A_1552 : vector<80x128xi32>
    %jit3A_1554 = arith.constant 0.000000e+00 : f32
    %broadcast_in_dim3A_1555 = vector.broadcast %jit3A_1554 : f32 to vector<80x128xf32>
    %select_n3A_1556 = arith.select %eq3A_1553, %exp3A, %broadcast_in_dim3A_1555 : vector<80x128xi1>, vector<80x128xf32>
    %reduce_sum3A_1557 = vector.shape_cast %select_n3A_1556 : vector<80x128xf32> to vector<1x80x128xf32>
    %reduce_sum3A_1558 = arith.constant dense<0.000000e+00> : vector<1xf32>
    %reduce_sum3A_1559 = vector.multi_reduction <add>, %reduce_sum3A_1557, %reduce_sum3A_1558 [1, 2] : vector<1x80x128xf32> to vector<1xf32>
    %reduce_sum3A_1560 = vector.shape_cast %reduce_sum3A_1559 : vector<1xf32> to vector<1x1x1xf32>
    %reduce_sum3A_1561 = vector.extract %reduce_sum3A_1560[0, 0, 0] : f32 from vector<1x1x1xf32>
    %jit3A_1562 = arith.constant 0.000000e+00 : f32
    %broadcast_in_dim3A_1563 = vector.broadcast %jit3A_1562 : f32 to vector<80x128xf32>
    %select_n3A_1564 = arith.select %eq3A_1553, %exp3A_1192, %broadcast_in_dim3A_1563 : vector<80x128xi1>, vector<80x128xf32>
    %reduce_sum3A_1565 = vector.shape_cast %select_n3A_1564 : vector<80x128xf32> to vector<1x80x128xf32>
    %reduce_sum3A_1566 = arith.constant dense<0.000000e+00> : vector<1xf32>
    %reduce_sum3A_1567 = vector.multi_reduction <add>, %reduce_sum3A_1565, %reduce_sum3A_1566 [1, 2] : vector<1x80x128xf32> to vector<1xf32>
    %reduce_sum3A_1568 = vector.shape_cast %reduce_sum3A_1567 : vector<1xf32> to vector<1x1x1xf32>
    %reduce_sum3A_1569 = vector.extract %reduce_sum3A_1568[0, 0, 0] : f32 from vector<1x1x1xf32>
    %broadcast_in_dim3A_1570 = vector.broadcast %reduce_sum3A_1561 : f32 to vector<80x128xf32>
    %select_n3A_1571 = arith.select %eq3A_1553, %broadcast_in_dim3A_1570, %select_n3A_1539 : vector<80x128xi1>, vector<80x128xf32>
    %broadcast_in_dim3A_1572 = vector.broadcast %reduce_sum3A_1569 : f32 to vector<80x128xf32>
    %select_n3A_1573 = arith.select %eq3A_1553, %broadcast_in_dim3A_1572, %select_n3A_1541 : vector<80x128xi1>, vector<80x128xf32>
    %get3A_1574 = arith.constant 0 : index
    %get3A_1575 = arith.constant 11 : index
    %get3A_1576 = vector.load %arg3[%get3A_1574, %get3A_1575] : memref<1x32xf32, #tpu.memory_space<vmem>>, vector<1x1xf32>
    %get3A_1577 = vector.extract %get3A_1576[0, 0] : f32 from vector<1x1xf32>
    %jit3A_1578 = arith.constant 0.000000e+00 : f32
    %broadcast_in_dim3A_1579 = vector.broadcast %get3A_1577 : f32 to vector<80x128xf32>
    %broadcast_in_dim3A_1580 = vector.broadcast %jit3A_1578 : f32 to vector<80x128xf32>
    %select_n3A_1581 = arith.select %eq3A_1553, %broadcast_in_dim3A_1579, %broadcast_in_dim3A_1580 : vector<80x128xi1>, vector<80x128xf32>
    %add3A_1582 = arith.addf %add3A_1550, %select_n3A_1581 : vector<80x128xf32>
    %eq3A_1583 = arith.constant 12 : i32
    %eq3A_1584 = vector.broadcast %eq3A_1583 : i32 to vector<80x128xi32>
    %eq3A_1585 = arith.cmpi eq, %get3A_9, %eq3A_1584 : vector<80x128xi32>
    %jit3A_1586 = arith.constant 0.000000e+00 : f32
    %broadcast_in_dim3A_1587 = vector.broadcast %jit3A_1586 : f32 to vector<80x128xf32>
    %select_n3A_1588 = arith.select %eq3A_1585, %exp3A, %broadcast_in_dim3A_1587 : vector<80x128xi1>, vector<80x128xf32>
    %reduce_sum3A_1589 = vector.shape_cast %select_n3A_1588 : vector<80x128xf32> to vector<1x80x128xf32>
    %reduce_sum3A_1590 = arith.constant dense<0.000000e+00> : vector<1xf32>
    %reduce_sum3A_1591 = vector.multi_reduction <add>, %reduce_sum3A_1589, %reduce_sum3A_1590 [1, 2] : vector<1x80x128xf32> to vector<1xf32>
    %reduce_sum3A_1592 = vector.shape_cast %reduce_sum3A_1591 : vector<1xf32> to vector<1x1x1xf32>
    %reduce_sum3A_1593 = vector.extract %reduce_sum3A_1592[0, 0, 0] : f32 from vector<1x1x1xf32>
    %jit3A_1594 = arith.constant 0.000000e+00 : f32
    %broadcast_in_dim3A_1595 = vector.broadcast %jit3A_1594 : f32 to vector<80x128xf32>
    %select_n3A_1596 = arith.select %eq3A_1585, %exp3A_1192, %broadcast_in_dim3A_1595 : vector<80x128xi1>, vector<80x128xf32>
    %reduce_sum3A_1597 = vector.shape_cast %select_n3A_1596 : vector<80x128xf32> to vector<1x80x128xf32>
    %reduce_sum3A_1598 = arith.constant dense<0.000000e+00> : vector<1xf32>
    %reduce_sum3A_1599 = vector.multi_reduction <add>, %reduce_sum3A_1597, %reduce_sum3A_1598 [1, 2] : vector<1x80x128xf32> to vector<1xf32>
    %reduce_sum3A_1600 = vector.shape_cast %reduce_sum3A_1599 : vector<1xf32> to vector<1x1x1xf32>
    %reduce_sum3A_1601 = vector.extract %reduce_sum3A_1600[0, 0, 0] : f32 from vector<1x1x1xf32>
    %broadcast_in_dim3A_1602 = vector.broadcast %reduce_sum3A_1593 : f32 to vector<80x128xf32>
    %select_n3A_1603 = arith.select %eq3A_1585, %broadcast_in_dim3A_1602, %select_n3A_1571 : vector<80x128xi1>, vector<80x128xf32>
    %broadcast_in_dim3A_1604 = vector.broadcast %reduce_sum3A_1601 : f32 to vector<80x128xf32>
    %select_n3A_1605 = arith.select %eq3A_1585, %broadcast_in_dim3A_1604, %select_n3A_1573 : vector<80x128xi1>, vector<80x128xf32>
    %get3A_1606 = arith.constant 0 : index
    %get3A_1607 = arith.constant 12 : index
    %get3A_1608 = vector.load %arg3[%get3A_1606, %get3A_1607] : memref<1x32xf32, #tpu.memory_space<vmem>>, vector<1x1xf32>
    %get3A_1609 = vector.extract %get3A_1608[0, 0] : f32 from vector<1x1xf32>
    %jit3A_1610 = arith.constant 0.000000e+00 : f32
    %broadcast_in_dim3A_1611 = vector.broadcast %get3A_1609 : f32 to vector<80x128xf32>
    %broadcast_in_dim3A_1612 = vector.broadcast %jit3A_1610 : f32 to vector<80x128xf32>
    %select_n3A_1613 = arith.select %eq3A_1585, %broadcast_in_dim3A_1611, %broadcast_in_dim3A_1612 : vector<80x128xi1>, vector<80x128xf32>
    %add3A_1614 = arith.addf %add3A_1582, %select_n3A_1613 : vector<80x128xf32>
    %eq3A_1615 = arith.constant 13 : i32
    %eq3A_1616 = vector.broadcast %eq3A_1615 : i32 to vector<80x128xi32>
    %eq3A_1617 = arith.cmpi eq, %get3A_9, %eq3A_1616 : vector<80x128xi32>
    %jit3A_1618 = arith.constant 0.000000e+00 : f32
    %broadcast_in_dim3A_1619 = vector.broadcast %jit3A_1618 : f32 to vector<80x128xf32>
    %select_n3A_1620 = arith.select %eq3A_1617, %exp3A, %broadcast_in_dim3A_1619 : vector<80x128xi1>, vector<80x128xf32>
    %reduce_sum3A_1621 = vector.shape_cast %select_n3A_1620 : vector<80x128xf32> to vector<1x80x128xf32>
    %reduce_sum3A_1622 = arith.constant dense<0.000000e+00> : vector<1xf32>
    %reduce_sum3A_1623 = vector.multi_reduction <add>, %reduce_sum3A_1621, %reduce_sum3A_1622 [1, 2] : vector<1x80x128xf32> to vector<1xf32>
    %reduce_sum3A_1624 = vector.shape_cast %reduce_sum3A_1623 : vector<1xf32> to vector<1x1x1xf32>
    %reduce_sum3A_1625 = vector.extract %reduce_sum3A_1624[0, 0, 0] : f32 from vector<1x1x1xf32>
    %jit3A_1626 = arith.constant 0.000000e+00 : f32
    %broadcast_in_dim3A_1627 = vector.broadcast %jit3A_1626 : f32 to vector<80x128xf32>
    %select_n3A_1628 = arith.select %eq3A_1617, %exp3A_1192, %broadcast_in_dim3A_1627 : vector<80x128xi1>, vector<80x128xf32>
    %reduce_sum3A_1629 = vector.shape_cast %select_n3A_1628 : vector<80x128xf32> to vector<1x80x128xf32>
    %reduce_sum3A_1630 = arith.constant dense<0.000000e+00> : vector<1xf32>
    %reduce_sum3A_1631 = vector.multi_reduction <add>, %reduce_sum3A_1629, %reduce_sum3A_1630 [1, 2] : vector<1x80x128xf32> to vector<1xf32>
    %reduce_sum3A_1632 = vector.shape_cast %reduce_sum3A_1631 : vector<1xf32> to vector<1x1x1xf32>
    %reduce_sum3A_1633 = vector.extract %reduce_sum3A_1632[0, 0, 0] : f32 from vector<1x1x1xf32>
    %broadcast_in_dim3A_1634 = vector.broadcast %reduce_sum3A_1625 : f32 to vector<80x128xf32>
    %select_n3A_1635 = arith.select %eq3A_1617, %broadcast_in_dim3A_1634, %select_n3A_1603 : vector<80x128xi1>, vector<80x128xf32>
    %broadcast_in_dim3A_1636 = vector.broadcast %reduce_sum3A_1633 : f32 to vector<80x128xf32>
    %select_n3A_1637 = arith.select %eq3A_1617, %broadcast_in_dim3A_1636, %select_n3A_1605 : vector<80x128xi1>, vector<80x128xf32>
    %get3A_1638 = arith.constant 0 : index
    %get3A_1639 = arith.constant 13 : index
    %get3A_1640 = vector.load %arg3[%get3A_1638, %get3A_1639] : memref<1x32xf32, #tpu.memory_space<vmem>>, vector<1x1xf32>
    %get3A_1641 = vector.extract %get3A_1640[0, 0] : f32 from vector<1x1xf32>
    %jit3A_1642 = arith.constant 0.000000e+00 : f32
    %broadcast_in_dim3A_1643 = vector.broadcast %get3A_1641 : f32 to vector<80x128xf32>
    %broadcast_in_dim3A_1644 = vector.broadcast %jit3A_1642 : f32 to vector<80x128xf32>
    %select_n3A_1645 = arith.select %eq3A_1617, %broadcast_in_dim3A_1643, %broadcast_in_dim3A_1644 : vector<80x128xi1>, vector<80x128xf32>
    %add3A_1646 = arith.addf %add3A_1614, %select_n3A_1645 : vector<80x128xf32>
    %eq3A_1647 = arith.constant 14 : i32
    %eq3A_1648 = vector.broadcast %eq3A_1647 : i32 to vector<80x128xi32>
    %eq3A_1649 = arith.cmpi eq, %get3A_9, %eq3A_1648 : vector<80x128xi32>
    %jit3A_1650 = arith.constant 0.000000e+00 : f32
    %broadcast_in_dim3A_1651 = vector.broadcast %jit3A_1650 : f32 to vector<80x128xf32>
    %select_n3A_1652 = arith.select %eq3A_1649, %exp3A, %broadcast_in_dim3A_1651 : vector<80x128xi1>, vector<80x128xf32>
    %reduce_sum3A_1653 = vector.shape_cast %select_n3A_1652 : vector<80x128xf32> to vector<1x80x128xf32>
    %reduce_sum3A_1654 = arith.constant dense<0.000000e+00> : vector<1xf32>
    %reduce_sum3A_1655 = vector.multi_reduction <add>, %reduce_sum3A_1653, %reduce_sum3A_1654 [1, 2] : vector<1x80x128xf32> to vector<1xf32>
    %reduce_sum3A_1656 = vector.shape_cast %reduce_sum3A_1655 : vector<1xf32> to vector<1x1x1xf32>
    %reduce_sum3A_1657 = vector.extract %reduce_sum3A_1656[0, 0, 0] : f32 from vector<1x1x1xf32>
    %jit3A_1658 = arith.constant 0.000000e+00 : f32
    %broadcast_in_dim3A_1659 = vector.broadcast %jit3A_1658 : f32 to vector<80x128xf32>
    %select_n3A_1660 = arith.select %eq3A_1649, %exp3A_1192, %broadcast_in_dim3A_1659 : vector<80x128xi1>, vector<80x128xf32>
    %reduce_sum3A_1661 = vector.shape_cast %select_n3A_1660 : vector<80x128xf32> to vector<1x80x128xf32>
    %reduce_sum3A_1662 = arith.constant dense<0.000000e+00> : vector<1xf32>
    %reduce_sum3A_1663 = vector.multi_reduction <add>, %reduce_sum3A_1661, %reduce_sum3A_1662 [1, 2] : vector<1x80x128xf32> to vector<1xf32>
    %reduce_sum3A_1664 = vector.shape_cast %reduce_sum3A_1663 : vector<1xf32> to vector<1x1x1xf32>
    %reduce_sum3A_1665 = vector.extract %reduce_sum3A_1664[0, 0, 0] : f32 from vector<1x1x1xf32>
    %broadcast_in_dim3A_1666 = vector.broadcast %reduce_sum3A_1657 : f32 to vector<80x128xf32>
    %select_n3A_1667 = arith.select %eq3A_1649, %broadcast_in_dim3A_1666, %select_n3A_1635 : vector<80x128xi1>, vector<80x128xf32>
    %broadcast_in_dim3A_1668 = vector.broadcast %reduce_sum3A_1665 : f32 to vector<80x128xf32>
    %select_n3A_1669 = arith.select %eq3A_1649, %broadcast_in_dim3A_1668, %select_n3A_1637 : vector<80x128xi1>, vector<80x128xf32>
    %get3A_1670 = arith.constant 0 : index
    %get3A_1671 = arith.constant 14 : index
    %get3A_1672 = vector.load %arg3[%get3A_1670, %get3A_1671] : memref<1x32xf32, #tpu.memory_space<vmem>>, vector<1x1xf32>
    %get3A_1673 = vector.extract %get3A_1672[0, 0] : f32 from vector<1x1xf32>
    %jit3A_1674 = arith.constant 0.000000e+00 : f32
    %broadcast_in_dim3A_1675 = vector.broadcast %get3A_1673 : f32 to vector<80x128xf32>
    %broadcast_in_dim3A_1676 = vector.broadcast %jit3A_1674 : f32 to vector<80x128xf32>
    %select_n3A_1677 = arith.select %eq3A_1649, %broadcast_in_dim3A_1675, %broadcast_in_dim3A_1676 : vector<80x128xi1>, vector<80x128xf32>
    %add3A_1678 = arith.addf %add3A_1646, %select_n3A_1677 : vector<80x128xf32>
    %eq3A_1679 = arith.constant 15 : i32
    %eq3A_1680 = vector.broadcast %eq3A_1679 : i32 to vector<80x128xi32>
    %eq3A_1681 = arith.cmpi eq, %get3A_9, %eq3A_1680 : vector<80x128xi32>
    %jit3A_1682 = arith.constant 0.000000e+00 : f32
    %broadcast_in_dim3A_1683 = vector.broadcast %jit3A_1682 : f32 to vector<80x128xf32>
    %select_n3A_1684 = arith.select %eq3A_1681, %exp3A, %broadcast_in_dim3A_1683 : vector<80x128xi1>, vector<80x128xf32>
    %reduce_sum3A_1685 = vector.shape_cast %select_n3A_1684 : vector<80x128xf32> to vector<1x80x128xf32>
    %reduce_sum3A_1686 = arith.constant dense<0.000000e+00> : vector<1xf32>
    %reduce_sum3A_1687 = vector.multi_reduction <add>, %reduce_sum3A_1685, %reduce_sum3A_1686 [1, 2] : vector<1x80x128xf32> to vector<1xf32>
    %reduce_sum3A_1688 = vector.shape_cast %reduce_sum3A_1687 : vector<1xf32> to vector<1x1x1xf32>
    %reduce_sum3A_1689 = vector.extract %reduce_sum3A_1688[0, 0, 0] : f32 from vector<1x1x1xf32>
    %jit3A_1690 = arith.constant 0.000000e+00 : f32
    %broadcast_in_dim3A_1691 = vector.broadcast %jit3A_1690 : f32 to vector<80x128xf32>
    %select_n3A_1692 = arith.select %eq3A_1681, %exp3A_1192, %broadcast_in_dim3A_1691 : vector<80x128xi1>, vector<80x128xf32>
    %reduce_sum3A_1693 = vector.shape_cast %select_n3A_1692 : vector<80x128xf32> to vector<1x80x128xf32>
    %reduce_sum3A_1694 = arith.constant dense<0.000000e+00> : vector<1xf32>
    %reduce_sum3A_1695 = vector.multi_reduction <add>, %reduce_sum3A_1693, %reduce_sum3A_1694 [1, 2] : vector<1x80x128xf32> to vector<1xf32>
    %reduce_sum3A_1696 = vector.shape_cast %reduce_sum3A_1695 : vector<1xf32> to vector<1x1x1xf32>
    %reduce_sum3A_1697 = vector.extract %reduce_sum3A_1696[0, 0, 0] : f32 from vector<1x1x1xf32>
    %broadcast_in_dim3A_1698 = vector.broadcast %reduce_sum3A_1689 : f32 to vector<80x128xf32>
    %select_n3A_1699 = arith.select %eq3A_1681, %broadcast_in_dim3A_1698, %select_n3A_1667 : vector<80x128xi1>, vector<80x128xf32>
    %broadcast_in_dim3A_1700 = vector.broadcast %reduce_sum3A_1697 : f32 to vector<80x128xf32>
    %select_n3A_1701 = arith.select %eq3A_1681, %broadcast_in_dim3A_1700, %select_n3A_1669 : vector<80x128xi1>, vector<80x128xf32>
    %get3A_1702 = arith.constant 0 : index
    %get3A_1703 = arith.constant 15 : index
    %get3A_1704 = vector.load %arg3[%get3A_1702, %get3A_1703] : memref<1x32xf32, #tpu.memory_space<vmem>>, vector<1x1xf32>
    %get3A_1705 = vector.extract %get3A_1704[0, 0] : f32 from vector<1x1xf32>
    %jit3A_1706 = arith.constant 0.000000e+00 : f32
    %broadcast_in_dim3A_1707 = vector.broadcast %get3A_1705 : f32 to vector<80x128xf32>
    %broadcast_in_dim3A_1708 = vector.broadcast %jit3A_1706 : f32 to vector<80x128xf32>
    %select_n3A_1709 = arith.select %eq3A_1681, %broadcast_in_dim3A_1707, %broadcast_in_dim3A_1708 : vector<80x128xi1>, vector<80x128xf32>
    %add3A_1710 = arith.addf %add3A_1678, %select_n3A_1709 : vector<80x128xf32>
    %eq3A_1711 = arith.constant 16 : i32
    %eq3A_1712 = vector.broadcast %eq3A_1711 : i32 to vector<80x128xi32>
    %eq3A_1713 = arith.cmpi eq, %get3A_9, %eq3A_1712 : vector<80x128xi32>
    %jit3A_1714 = arith.constant 0.000000e+00 : f32
    %broadcast_in_dim3A_1715 = vector.broadcast %jit3A_1714 : f32 to vector<80x128xf32>
    %select_n3A_1716 = arith.select %eq3A_1713, %exp3A, %broadcast_in_dim3A_1715 : vector<80x128xi1>, vector<80x128xf32>
    %reduce_sum3A_1717 = vector.shape_cast %select_n3A_1716 : vector<80x128xf32> to vector<1x80x128xf32>
    %reduce_sum3A_1718 = arith.constant dense<0.000000e+00> : vector<1xf32>
    %reduce_sum3A_1719 = vector.multi_reduction <add>, %reduce_sum3A_1717, %reduce_sum3A_1718 [1, 2] : vector<1x80x128xf32> to vector<1xf32>
    %reduce_sum3A_1720 = vector.shape_cast %reduce_sum3A_1719 : vector<1xf32> to vector<1x1x1xf32>
    %reduce_sum3A_1721 = vector.extract %reduce_sum3A_1720[0, 0, 0] : f32 from vector<1x1x1xf32>
    %jit3A_1722 = arith.constant 0.000000e+00 : f32
    %broadcast_in_dim3A_1723 = vector.broadcast %jit3A_1722 : f32 to vector<80x128xf32>
    %select_n3A_1724 = arith.select %eq3A_1713, %exp3A_1192, %broadcast_in_dim3A_1723 : vector<80x128xi1>, vector<80x128xf32>
    %reduce_sum3A_1725 = vector.shape_cast %select_n3A_1724 : vector<80x128xf32> to vector<1x80x128xf32>
    %reduce_sum3A_1726 = arith.constant dense<0.000000e+00> : vector<1xf32>
    %reduce_sum3A_1727 = vector.multi_reduction <add>, %reduce_sum3A_1725, %reduce_sum3A_1726 [1, 2] : vector<1x80x128xf32> to vector<1xf32>
    %reduce_sum3A_1728 = vector.shape_cast %reduce_sum3A_1727 : vector<1xf32> to vector<1x1x1xf32>
    %reduce_sum3A_1729 = vector.extract %reduce_sum3A_1728[0, 0, 0] : f32 from vector<1x1x1xf32>
    %broadcast_in_dim3A_1730 = vector.broadcast %reduce_sum3A_1721 : f32 to vector<80x128xf32>
    %select_n3A_1731 = arith.select %eq3A_1713, %broadcast_in_dim3A_1730, %select_n3A_1699 : vector<80x128xi1>, vector<80x128xf32>
    %broadcast_in_dim3A_1732 = vector.broadcast %reduce_sum3A_1729 : f32 to vector<80x128xf32>
    %select_n3A_1733 = arith.select %eq3A_1713, %broadcast_in_dim3A_1732, %select_n3A_1701 : vector<80x128xi1>, vector<80x128xf32>
    %get3A_1734 = arith.constant 0 : index
    %get3A_1735 = arith.constant 16 : index
    %get3A_1736 = vector.load %arg3[%get3A_1734, %get3A_1735] : memref<1x32xf32, #tpu.memory_space<vmem>>, vector<1x1xf32>
    %get3A_1737 = vector.extract %get3A_1736[0, 0] : f32 from vector<1x1xf32>
    %jit3A_1738 = arith.constant 0.000000e+00 : f32
    %broadcast_in_dim3A_1739 = vector.broadcast %get3A_1737 : f32 to vector<80x128xf32>
    %broadcast_in_dim3A_1740 = vector.broadcast %jit3A_1738 : f32 to vector<80x128xf32>
    %select_n3A_1741 = arith.select %eq3A_1713, %broadcast_in_dim3A_1739, %broadcast_in_dim3A_1740 : vector<80x128xi1>, vector<80x128xf32>
    %add3A_1742 = arith.addf %add3A_1710, %select_n3A_1741 : vector<80x128xf32>
    %eq3A_1743 = arith.constant 17 : i32
    %eq3A_1744 = vector.broadcast %eq3A_1743 : i32 to vector<80x128xi32>
    %eq3A_1745 = arith.cmpi eq, %get3A_9, %eq3A_1744 : vector<80x128xi32>
    %jit3A_1746 = arith.constant 0.000000e+00 : f32
    %broadcast_in_dim3A_1747 = vector.broadcast %jit3A_1746 : f32 to vector<80x128xf32>
    %select_n3A_1748 = arith.select %eq3A_1745, %exp3A, %broadcast_in_dim3A_1747 : vector<80x128xi1>, vector<80x128xf32>
    %reduce_sum3A_1749 = vector.shape_cast %select_n3A_1748 : vector<80x128xf32> to vector<1x80x128xf32>
    %reduce_sum3A_1750 = arith.constant dense<0.000000e+00> : vector<1xf32>
    %reduce_sum3A_1751 = vector.multi_reduction <add>, %reduce_sum3A_1749, %reduce_sum3A_1750 [1, 2] : vector<1x80x128xf32> to vector<1xf32>
    %reduce_sum3A_1752 = vector.shape_cast %reduce_sum3A_1751 : vector<1xf32> to vector<1x1x1xf32>
    %reduce_sum3A_1753 = vector.extract %reduce_sum3A_1752[0, 0, 0] : f32 from vector<1x1x1xf32>
    %jit3A_1754 = arith.constant 0.000000e+00 : f32
    %broadcast_in_dim3A_1755 = vector.broadcast %jit3A_1754 : f32 to vector<80x128xf32>
    %select_n3A_1756 = arith.select %eq3A_1745, %exp3A_1192, %broadcast_in_dim3A_1755 : vector<80x128xi1>, vector<80x128xf32>
    %reduce_sum3A_1757 = vector.shape_cast %select_n3A_1756 : vector<80x128xf32> to vector<1x80x128xf32>
    %reduce_sum3A_1758 = arith.constant dense<0.000000e+00> : vector<1xf32>
    %reduce_sum3A_1759 = vector.multi_reduction <add>, %reduce_sum3A_1757, %reduce_sum3A_1758 [1, 2] : vector<1x80x128xf32> to vector<1xf32>
    %reduce_sum3A_1760 = vector.shape_cast %reduce_sum3A_1759 : vector<1xf32> to vector<1x1x1xf32>
    %reduce_sum3A_1761 = vector.extract %reduce_sum3A_1760[0, 0, 0] : f32 from vector<1x1x1xf32>
    %broadcast_in_dim3A_1762 = vector.broadcast %reduce_sum3A_1753 : f32 to vector<80x128xf32>
    %select_n3A_1763 = arith.select %eq3A_1745, %broadcast_in_dim3A_1762, %select_n3A_1731 : vector<80x128xi1>, vector<80x128xf32>
    %broadcast_in_dim3A_1764 = vector.broadcast %reduce_sum3A_1761 : f32 to vector<80x128xf32>
    %select_n3A_1765 = arith.select %eq3A_1745, %broadcast_in_dim3A_1764, %select_n3A_1733 : vector<80x128xi1>, vector<80x128xf32>
    %get3A_1766 = arith.constant 0 : index
    %get3A_1767 = arith.constant 17 : index
    %get3A_1768 = vector.load %arg3[%get3A_1766, %get3A_1767] : memref<1x32xf32, #tpu.memory_space<vmem>>, vector<1x1xf32>
    %get3A_1769 = vector.extract %get3A_1768[0, 0] : f32 from vector<1x1xf32>
    %jit3A_1770 = arith.constant 0.000000e+00 : f32
    %broadcast_in_dim3A_1771 = vector.broadcast %get3A_1769 : f32 to vector<80x128xf32>
    %broadcast_in_dim3A_1772 = vector.broadcast %jit3A_1770 : f32 to vector<80x128xf32>
    %select_n3A_1773 = arith.select %eq3A_1745, %broadcast_in_dim3A_1771, %broadcast_in_dim3A_1772 : vector<80x128xi1>, vector<80x128xf32>
    %add3A_1774 = arith.addf %add3A_1742, %select_n3A_1773 : vector<80x128xf32>
    %eq3A_1775 = arith.constant 18 : i32
    %eq3A_1776 = vector.broadcast %eq3A_1775 : i32 to vector<80x128xi32>
    %eq3A_1777 = arith.cmpi eq, %get3A_9, %eq3A_1776 : vector<80x128xi32>
    %jit3A_1778 = arith.constant 0.000000e+00 : f32
    %broadcast_in_dim3A_1779 = vector.broadcast %jit3A_1778 : f32 to vector<80x128xf32>
    %select_n3A_1780 = arith.select %eq3A_1777, %exp3A, %broadcast_in_dim3A_1779 : vector<80x128xi1>, vector<80x128xf32>
    %reduce_sum3A_1781 = vector.shape_cast %select_n3A_1780 : vector<80x128xf32> to vector<1x80x128xf32>
    %reduce_sum3A_1782 = arith.constant dense<0.000000e+00> : vector<1xf32>
    %reduce_sum3A_1783 = vector.multi_reduction <add>, %reduce_sum3A_1781, %reduce_sum3A_1782 [1, 2] : vector<1x80x128xf32> to vector<1xf32>
    %reduce_sum3A_1784 = vector.shape_cast %reduce_sum3A_1783 : vector<1xf32> to vector<1x1x1xf32>
    %reduce_sum3A_1785 = vector.extract %reduce_sum3A_1784[0, 0, 0] : f32 from vector<1x1x1xf32>
    %jit3A_1786 = arith.constant 0.000000e+00 : f32
    %broadcast_in_dim3A_1787 = vector.broadcast %jit3A_1786 : f32 to vector<80x128xf32>
    %select_n3A_1788 = arith.select %eq3A_1777, %exp3A_1192, %broadcast_in_dim3A_1787 : vector<80x128xi1>, vector<80x128xf32>
    %reduce_sum3A_1789 = vector.shape_cast %select_n3A_1788 : vector<80x128xf32> to vector<1x80x128xf32>
    %reduce_sum3A_1790 = arith.constant dense<0.000000e+00> : vector<1xf32>
    %reduce_sum3A_1791 = vector.multi_reduction <add>, %reduce_sum3A_1789, %reduce_sum3A_1790 [1, 2] : vector<1x80x128xf32> to vector<1xf32>
    %reduce_sum3A_1792 = vector.shape_cast %reduce_sum3A_1791 : vector<1xf32> to vector<1x1x1xf32>
    %reduce_sum3A_1793 = vector.extract %reduce_sum3A_1792[0, 0, 0] : f32 from vector<1x1x1xf32>
    %broadcast_in_dim3A_1794 = vector.broadcast %reduce_sum3A_1785 : f32 to vector<80x128xf32>
    %select_n3A_1795 = arith.select %eq3A_1777, %broadcast_in_dim3A_1794, %select_n3A_1763 : vector<80x128xi1>, vector<80x128xf32>
    %broadcast_in_dim3A_1796 = vector.broadcast %reduce_sum3A_1793 : f32 to vector<80x128xf32>
    %select_n3A_1797 = arith.select %eq3A_1777, %broadcast_in_dim3A_1796, %select_n3A_1765 : vector<80x128xi1>, vector<80x128xf32>
    %get3A_1798 = arith.constant 0 : index
    %get3A_1799 = arith.constant 18 : index
    %get3A_1800 = vector.load %arg3[%get3A_1798, %get3A_1799] : memref<1x32xf32, #tpu.memory_space<vmem>>, vector<1x1xf32>
    %get3A_1801 = vector.extract %get3A_1800[0, 0] : f32 from vector<1x1xf32>
    %jit3A_1802 = arith.constant 0.000000e+00 : f32
    %broadcast_in_dim3A_1803 = vector.broadcast %get3A_1801 : f32 to vector<80x128xf32>
    %broadcast_in_dim3A_1804 = vector.broadcast %jit3A_1802 : f32 to vector<80x128xf32>
    %select_n3A_1805 = arith.select %eq3A_1777, %broadcast_in_dim3A_1803, %broadcast_in_dim3A_1804 : vector<80x128xi1>, vector<80x128xf32>
    %add3A_1806 = arith.addf %add3A_1774, %select_n3A_1805 : vector<80x128xf32>
    %eq3A_1807 = arith.constant 19 : i32
    %eq3A_1808 = vector.broadcast %eq3A_1807 : i32 to vector<80x128xi32>
    %eq3A_1809 = arith.cmpi eq, %get3A_9, %eq3A_1808 : vector<80x128xi32>
    %jit3A_1810 = arith.constant 0.000000e+00 : f32
    %broadcast_in_dim3A_1811 = vector.broadcast %jit3A_1810 : f32 to vector<80x128xf32>
    %select_n3A_1812 = arith.select %eq3A_1809, %exp3A, %broadcast_in_dim3A_1811 : vector<80x128xi1>, vector<80x128xf32>
    %reduce_sum3A_1813 = vector.shape_cast %select_n3A_1812 : vector<80x128xf32> to vector<1x80x128xf32>
    %reduce_sum3A_1814 = arith.constant dense<0.000000e+00> : vector<1xf32>
    %reduce_sum3A_1815 = vector.multi_reduction <add>, %reduce_sum3A_1813, %reduce_sum3A_1814 [1, 2] : vector<1x80x128xf32> to vector<1xf32>
    %reduce_sum3A_1816 = vector.shape_cast %reduce_sum3A_1815 : vector<1xf32> to vector<1x1x1xf32>
    %reduce_sum3A_1817 = vector.extract %reduce_sum3A_1816[0, 0, 0] : f32 from vector<1x1x1xf32>
    %jit3A_1818 = arith.constant 0.000000e+00 : f32
    %broadcast_in_dim3A_1819 = vector.broadcast %jit3A_1818 : f32 to vector<80x128xf32>
    %select_n3A_1820 = arith.select %eq3A_1809, %exp3A_1192, %broadcast_in_dim3A_1819 : vector<80x128xi1>, vector<80x128xf32>
    %reduce_sum3A_1821 = vector.shape_cast %select_n3A_1820 : vector<80x128xf32> to vector<1x80x128xf32>
    %reduce_sum3A_1822 = arith.constant dense<0.000000e+00> : vector<1xf32>
    %reduce_sum3A_1823 = vector.multi_reduction <add>, %reduce_sum3A_1821, %reduce_sum3A_1822 [1, 2] : vector<1x80x128xf32> to vector<1xf32>
    %reduce_sum3A_1824 = vector.shape_cast %reduce_sum3A_1823 : vector<1xf32> to vector<1x1x1xf32>
    %reduce_sum3A_1825 = vector.extract %reduce_sum3A_1824[0, 0, 0] : f32 from vector<1x1x1xf32>
    %broadcast_in_dim3A_1826 = vector.broadcast %reduce_sum3A_1817 : f32 to vector<80x128xf32>
    %select_n3A_1827 = arith.select %eq3A_1809, %broadcast_in_dim3A_1826, %select_n3A_1795 : vector<80x128xi1>, vector<80x128xf32>
    %broadcast_in_dim3A_1828 = vector.broadcast %reduce_sum3A_1825 : f32 to vector<80x128xf32>
    %select_n3A_1829 = arith.select %eq3A_1809, %broadcast_in_dim3A_1828, %select_n3A_1797 : vector<80x128xi1>, vector<80x128xf32>
    %get3A_1830 = arith.constant 0 : index
    %get3A_1831 = arith.constant 19 : index
    %get3A_1832 = vector.load %arg3[%get3A_1830, %get3A_1831] : memref<1x32xf32, #tpu.memory_space<vmem>>, vector<1x1xf32>
    %get3A_1833 = vector.extract %get3A_1832[0, 0] : f32 from vector<1x1xf32>
    %jit3A_1834 = arith.constant 0.000000e+00 : f32
    %broadcast_in_dim3A_1835 = vector.broadcast %get3A_1833 : f32 to vector<80x128xf32>
    %broadcast_in_dim3A_1836 = vector.broadcast %jit3A_1834 : f32 to vector<80x128xf32>
    %select_n3A_1837 = arith.select %eq3A_1809, %broadcast_in_dim3A_1835, %broadcast_in_dim3A_1836 : vector<80x128xi1>, vector<80x128xf32>
    %add3A_1838 = arith.addf %add3A_1806, %select_n3A_1837 : vector<80x128xf32>
    %eq3A_1839 = arith.constant 20 : i32
    %eq3A_1840 = vector.broadcast %eq3A_1839 : i32 to vector<80x128xi32>
    %eq3A_1841 = arith.cmpi eq, %get3A_9, %eq3A_1840 : vector<80x128xi32>
    %jit3A_1842 = arith.constant 0.000000e+00 : f32
    %broadcast_in_dim3A_1843 = vector.broadcast %jit3A_1842 : f32 to vector<80x128xf32>
    %select_n3A_1844 = arith.select %eq3A_1841, %exp3A, %broadcast_in_dim3A_1843 : vector<80x128xi1>, vector<80x128xf32>
    %reduce_sum3A_1845 = vector.shape_cast %select_n3A_1844 : vector<80x128xf32> to vector<1x80x128xf32>
    %reduce_sum3A_1846 = arith.constant dense<0.000000e+00> : vector<1xf32>
    %reduce_sum3A_1847 = vector.multi_reduction <add>, %reduce_sum3A_1845, %reduce_sum3A_1846 [1, 2] : vector<1x80x128xf32> to vector<1xf32>
    %reduce_sum3A_1848 = vector.shape_cast %reduce_sum3A_1847 : vector<1xf32> to vector<1x1x1xf32>
    %reduce_sum3A_1849 = vector.extract %reduce_sum3A_1848[0, 0, 0] : f32 from vector<1x1x1xf32>
    %jit3A_1850 = arith.constant 0.000000e+00 : f32
    %broadcast_in_dim3A_1851 = vector.broadcast %jit3A_1850 : f32 to vector<80x128xf32>
    %select_n3A_1852 = arith.select %eq3A_1841, %exp3A_1192, %broadcast_in_dim3A_1851 : vector<80x128xi1>, vector<80x128xf32>
    %reduce_sum3A_1853 = vector.shape_cast %select_n3A_1852 : vector<80x128xf32> to vector<1x80x128xf32>
    %reduce_sum3A_1854 = arith.constant dense<0.000000e+00> : vector<1xf32>
    %reduce_sum3A_1855 = vector.multi_reduction <add>, %reduce_sum3A_1853, %reduce_sum3A_1854 [1, 2] : vector<1x80x128xf32> to vector<1xf32>
    %reduce_sum3A_1856 = vector.shape_cast %reduce_sum3A_1855 : vector<1xf32> to vector<1x1x1xf32>
    %reduce_sum3A_1857 = vector.extract %reduce_sum3A_1856[0, 0, 0] : f32 from vector<1x1x1xf32>
    %broadcast_in_dim3A_1858 = vector.broadcast %reduce_sum3A_1849 : f32 to vector<80x128xf32>
    %select_n3A_1859 = arith.select %eq3A_1841, %broadcast_in_dim3A_1858, %select_n3A_1827 : vector<80x128xi1>, vector<80x128xf32>
    %broadcast_in_dim3A_1860 = vector.broadcast %reduce_sum3A_1857 : f32 to vector<80x128xf32>
    %select_n3A_1861 = arith.select %eq3A_1841, %broadcast_in_dim3A_1860, %select_n3A_1829 : vector<80x128xi1>, vector<80x128xf32>
    %get3A_1862 = arith.constant 0 : index
    %get3A_1863 = arith.constant 20 : index
    %get3A_1864 = vector.load %arg3[%get3A_1862, %get3A_1863] : memref<1x32xf32, #tpu.memory_space<vmem>>, vector<1x1xf32>
    %get3A_1865 = vector.extract %get3A_1864[0, 0] : f32 from vector<1x1xf32>
    %jit3A_1866 = arith.constant 0.000000e+00 : f32
    %broadcast_in_dim3A_1867 = vector.broadcast %get3A_1865 : f32 to vector<80x128xf32>
    %broadcast_in_dim3A_1868 = vector.broadcast %jit3A_1866 : f32 to vector<80x128xf32>
    %select_n3A_1869 = arith.select %eq3A_1841, %broadcast_in_dim3A_1867, %broadcast_in_dim3A_1868 : vector<80x128xi1>, vector<80x128xf32>
    %add3A_1870 = arith.addf %add3A_1838, %select_n3A_1869 : vector<80x128xf32>
    %eq3A_1871 = arith.constant 21 : i32
    %eq3A_1872 = vector.broadcast %eq3A_1871 : i32 to vector<80x128xi32>
    %eq3A_1873 = arith.cmpi eq, %get3A_9, %eq3A_1872 : vector<80x128xi32>
    %jit3A_1874 = arith.constant 0.000000e+00 : f32
    %broadcast_in_dim3A_1875 = vector.broadcast %jit3A_1874 : f32 to vector<80x128xf32>
    %select_n3A_1876 = arith.select %eq3A_1873, %exp3A, %broadcast_in_dim3A_1875 : vector<80x128xi1>, vector<80x128xf32>
    %reduce_sum3A_1877 = vector.shape_cast %select_n3A_1876 : vector<80x128xf32> to vector<1x80x128xf32>
    %reduce_sum3A_1878 = arith.constant dense<0.000000e+00> : vector<1xf32>
    %reduce_sum3A_1879 = vector.multi_reduction <add>, %reduce_sum3A_1877, %reduce_sum3A_1878 [1, 2] : vector<1x80x128xf32> to vector<1xf32>
    %reduce_sum3A_1880 = vector.shape_cast %reduce_sum3A_1879 : vector<1xf32> to vector<1x1x1xf32>
    %reduce_sum3A_1881 = vector.extract %reduce_sum3A_1880[0, 0, 0] : f32 from vector<1x1x1xf32>
    %jit3A_1882 = arith.constant 0.000000e+00 : f32
    %broadcast_in_dim3A_1883 = vector.broadcast %jit3A_1882 : f32 to vector<80x128xf32>
    %select_n3A_1884 = arith.select %eq3A_1873, %exp3A_1192, %broadcast_in_dim3A_1883 : vector<80x128xi1>, vector<80x128xf32>
    %reduce_sum3A_1885 = vector.shape_cast %select_n3A_1884 : vector<80x128xf32> to vector<1x80x128xf32>
    %reduce_sum3A_1886 = arith.constant dense<0.000000e+00> : vector<1xf32>
    %reduce_sum3A_1887 = vector.multi_reduction <add>, %reduce_sum3A_1885, %reduce_sum3A_1886 [1, 2] : vector<1x80x128xf32> to vector<1xf32>
    %reduce_sum3A_1888 = vector.shape_cast %reduce_sum3A_1887 : vector<1xf32> to vector<1x1x1xf32>
    %reduce_sum3A_1889 = vector.extract %reduce_sum3A_1888[0, 0, 0] : f32 from vector<1x1x1xf32>
    %broadcast_in_dim3A_1890 = vector.broadcast %reduce_sum3A_1881 : f32 to vector<80x128xf32>
    %select_n3A_1891 = arith.select %eq3A_1873, %broadcast_in_dim3A_1890, %select_n3A_1859 : vector<80x128xi1>, vector<80x128xf32>
    %broadcast_in_dim3A_1892 = vector.broadcast %reduce_sum3A_1889 : f32 to vector<80x128xf32>
    %select_n3A_1893 = arith.select %eq3A_1873, %broadcast_in_dim3A_1892, %select_n3A_1861 : vector<80x128xi1>, vector<80x128xf32>
    %get3A_1894 = arith.constant 0 : index
    %get3A_1895 = arith.constant 21 : index
    %get3A_1896 = vector.load %arg3[%get3A_1894, %get3A_1895] : memref<1x32xf32, #tpu.memory_space<vmem>>, vector<1x1xf32>
    %get3A_1897 = vector.extract %get3A_1896[0, 0] : f32 from vector<1x1xf32>
    %jit3A_1898 = arith.constant 0.000000e+00 : f32
    %broadcast_in_dim3A_1899 = vector.broadcast %get3A_1897 : f32 to vector<80x128xf32>
    %broadcast_in_dim3A_1900 = vector.broadcast %jit3A_1898 : f32 to vector<80x128xf32>
    %select_n3A_1901 = arith.select %eq3A_1873, %broadcast_in_dim3A_1899, %broadcast_in_dim3A_1900 : vector<80x128xi1>, vector<80x128xf32>
    %add3A_1902 = arith.addf %add3A_1870, %select_n3A_1901 : vector<80x128xf32>
    %eq3A_1903 = arith.constant 22 : i32
    %eq3A_1904 = vector.broadcast %eq3A_1903 : i32 to vector<80x128xi32>
    %eq3A_1905 = arith.cmpi eq, %get3A_9, %eq3A_1904 : vector<80x128xi32>
    %jit3A_1906 = arith.constant 0.000000e+00 : f32
    %broadcast_in_dim3A_1907 = vector.broadcast %jit3A_1906 : f32 to vector<80x128xf32>
    %select_n3A_1908 = arith.select %eq3A_1905, %exp3A, %broadcast_in_dim3A_1907 : vector<80x128xi1>, vector<80x128xf32>
    %reduce_sum3A_1909 = vector.shape_cast %select_n3A_1908 : vector<80x128xf32> to vector<1x80x128xf32>
    %reduce_sum3A_1910 = arith.constant dense<0.000000e+00> : vector<1xf32>
    %reduce_sum3A_1911 = vector.multi_reduction <add>, %reduce_sum3A_1909, %reduce_sum3A_1910 [1, 2] : vector<1x80x128xf32> to vector<1xf32>
    %reduce_sum3A_1912 = vector.shape_cast %reduce_sum3A_1911 : vector<1xf32> to vector<1x1x1xf32>
    %reduce_sum3A_1913 = vector.extract %reduce_sum3A_1912[0, 0, 0] : f32 from vector<1x1x1xf32>
    %jit3A_1914 = arith.constant 0.000000e+00 : f32
    %broadcast_in_dim3A_1915 = vector.broadcast %jit3A_1914 : f32 to vector<80x128xf32>
    %select_n3A_1916 = arith.select %eq3A_1905, %exp3A_1192, %broadcast_in_dim3A_1915 : vector<80x128xi1>, vector<80x128xf32>
    %reduce_sum3A_1917 = vector.shape_cast %select_n3A_1916 : vector<80x128xf32> to vector<1x80x128xf32>
    %reduce_sum3A_1918 = arith.constant dense<0.000000e+00> : vector<1xf32>
    %reduce_sum3A_1919 = vector.multi_reduction <add>, %reduce_sum3A_1917, %reduce_sum3A_1918 [1, 2] : vector<1x80x128xf32> to vector<1xf32>
    %reduce_sum3A_1920 = vector.shape_cast %reduce_sum3A_1919 : vector<1xf32> to vector<1x1x1xf32>
    %reduce_sum3A_1921 = vector.extract %reduce_sum3A_1920[0, 0, 0] : f32 from vector<1x1x1xf32>
    %broadcast_in_dim3A_1922 = vector.broadcast %reduce_sum3A_1913 : f32 to vector<80x128xf32>
    %select_n3A_1923 = arith.select %eq3A_1905, %broadcast_in_dim3A_1922, %select_n3A_1891 : vector<80x128xi1>, vector<80x128xf32>
    %broadcast_in_dim3A_1924 = vector.broadcast %reduce_sum3A_1921 : f32 to vector<80x128xf32>
    %select_n3A_1925 = arith.select %eq3A_1905, %broadcast_in_dim3A_1924, %select_n3A_1893 : vector<80x128xi1>, vector<80x128xf32>
    %get3A_1926 = arith.constant 0 : index
    %get3A_1927 = arith.constant 22 : index
    %get3A_1928 = vector.load %arg3[%get3A_1926, %get3A_1927] : memref<1x32xf32, #tpu.memory_space<vmem>>, vector<1x1xf32>
    %get3A_1929 = vector.extract %get3A_1928[0, 0] : f32 from vector<1x1xf32>
    %jit3A_1930 = arith.constant 0.000000e+00 : f32
    %broadcast_in_dim3A_1931 = vector.broadcast %get3A_1929 : f32 to vector<80x128xf32>
    %broadcast_in_dim3A_1932 = vector.broadcast %jit3A_1930 : f32 to vector<80x128xf32>
    %select_n3A_1933 = arith.select %eq3A_1905, %broadcast_in_dim3A_1931, %broadcast_in_dim3A_1932 : vector<80x128xi1>, vector<80x128xf32>
    %add3A_1934 = arith.addf %add3A_1902, %select_n3A_1933 : vector<80x128xf32>
    %eq3A_1935 = arith.constant 23 : i32
    %eq3A_1936 = vector.broadcast %eq3A_1935 : i32 to vector<80x128xi32>
    %eq3A_1937 = arith.cmpi eq, %get3A_9, %eq3A_1936 : vector<80x128xi32>
    %jit3A_1938 = arith.constant 0.000000e+00 : f32
    %broadcast_in_dim3A_1939 = vector.broadcast %jit3A_1938 : f32 to vector<80x128xf32>
    %select_n3A_1940 = arith.select %eq3A_1937, %exp3A, %broadcast_in_dim3A_1939 : vector<80x128xi1>, vector<80x128xf32>
    %reduce_sum3A_1941 = vector.shape_cast %select_n3A_1940 : vector<80x128xf32> to vector<1x80x128xf32>
    %reduce_sum3A_1942 = arith.constant dense<0.000000e+00> : vector<1xf32>
    %reduce_sum3A_1943 = vector.multi_reduction <add>, %reduce_sum3A_1941, %reduce_sum3A_1942 [1, 2] : vector<1x80x128xf32> to vector<1xf32>
    %reduce_sum3A_1944 = vector.shape_cast %reduce_sum3A_1943 : vector<1xf32> to vector<1x1x1xf32>
    %reduce_sum3A_1945 = vector.extract %reduce_sum3A_1944[0, 0, 0] : f32 from vector<1x1x1xf32>
    %jit3A_1946 = arith.constant 0.000000e+00 : f32
    %broadcast_in_dim3A_1947 = vector.broadcast %jit3A_1946 : f32 to vector<80x128xf32>
    %select_n3A_1948 = arith.select %eq3A_1937, %exp3A_1192, %broadcast_in_dim3A_1947 : vector<80x128xi1>, vector<80x128xf32>
    %reduce_sum3A_1949 = vector.shape_cast %select_n3A_1948 : vector<80x128xf32> to vector<1x80x128xf32>
    %reduce_sum3A_1950 = arith.constant dense<0.000000e+00> : vector<1xf32>
    %reduce_sum3A_1951 = vector.multi_reduction <add>, %reduce_sum3A_1949, %reduce_sum3A_1950 [1, 2] : vector<1x80x128xf32> to vector<1xf32>
    %reduce_sum3A_1952 = vector.shape_cast %reduce_sum3A_1951 : vector<1xf32> to vector<1x1x1xf32>
    %reduce_sum3A_1953 = vector.extract %reduce_sum3A_1952[0, 0, 0] : f32 from vector<1x1x1xf32>
    %broadcast_in_dim3A_1954 = vector.broadcast %reduce_sum3A_1945 : f32 to vector<80x128xf32>
    %select_n3A_1955 = arith.select %eq3A_1937, %broadcast_in_dim3A_1954, %select_n3A_1923 : vector<80x128xi1>, vector<80x128xf32>
    %broadcast_in_dim3A_1956 = vector.broadcast %reduce_sum3A_1953 : f32 to vector<80x128xf32>
    %select_n3A_1957 = arith.select %eq3A_1937, %broadcast_in_dim3A_1956, %select_n3A_1925 : vector<80x128xi1>, vector<80x128xf32>
    %get3A_1958 = arith.constant 0 : index
    %get3A_1959 = arith.constant 23 : index
    %get3A_1960 = vector.load %arg3[%get3A_1958, %get3A_1959] : memref<1x32xf32, #tpu.memory_space<vmem>>, vector<1x1xf32>
    %get3A_1961 = vector.extract %get3A_1960[0, 0] : f32 from vector<1x1xf32>
    %jit3A_1962 = arith.constant 0.000000e+00 : f32
    %broadcast_in_dim3A_1963 = vector.broadcast %get3A_1961 : f32 to vector<80x128xf32>
    %broadcast_in_dim3A_1964 = vector.broadcast %jit3A_1962 : f32 to vector<80x128xf32>
    %select_n3A_1965 = arith.select %eq3A_1937, %broadcast_in_dim3A_1963, %broadcast_in_dim3A_1964 : vector<80x128xi1>, vector<80x128xf32>
    %add3A_1966 = arith.addf %add3A_1934, %select_n3A_1965 : vector<80x128xf32>
    %eq3A_1967 = arith.constant 24 : i32
    %eq3A_1968 = vector.broadcast %eq3A_1967 : i32 to vector<80x128xi32>
    %eq3A_1969 = arith.cmpi eq, %get3A_9, %eq3A_1968 : vector<80x128xi32>
    %jit3A_1970 = arith.constant 0.000000e+00 : f32
    %broadcast_in_dim3A_1971 = vector.broadcast %jit3A_1970 : f32 to vector<80x128xf32>
    %select_n3A_1972 = arith.select %eq3A_1969, %exp3A, %broadcast_in_dim3A_1971 : vector<80x128xi1>, vector<80x128xf32>
    %reduce_sum3A_1973 = vector.shape_cast %select_n3A_1972 : vector<80x128xf32> to vector<1x80x128xf32>
    %reduce_sum3A_1974 = arith.constant dense<0.000000e+00> : vector<1xf32>
    %reduce_sum3A_1975 = vector.multi_reduction <add>, %reduce_sum3A_1973, %reduce_sum3A_1974 [1, 2] : vector<1x80x128xf32> to vector<1xf32>
    %reduce_sum3A_1976 = vector.shape_cast %reduce_sum3A_1975 : vector<1xf32> to vector<1x1x1xf32>
    %reduce_sum3A_1977 = vector.extract %reduce_sum3A_1976[0, 0, 0] : f32 from vector<1x1x1xf32>
    %jit3A_1978 = arith.constant 0.000000e+00 : f32
    %broadcast_in_dim3A_1979 = vector.broadcast %jit3A_1978 : f32 to vector<80x128xf32>
    %select_n3A_1980 = arith.select %eq3A_1969, %exp3A_1192, %broadcast_in_dim3A_1979 : vector<80x128xi1>, vector<80x128xf32>
    %reduce_sum3A_1981 = vector.shape_cast %select_n3A_1980 : vector<80x128xf32> to vector<1x80x128xf32>
    %reduce_sum3A_1982 = arith.constant dense<0.000000e+00> : vector<1xf32>
    %reduce_sum3A_1983 = vector.multi_reduction <add>, %reduce_sum3A_1981, %reduce_sum3A_1982 [1, 2] : vector<1x80x128xf32> to vector<1xf32>
    %reduce_sum3A_1984 = vector.shape_cast %reduce_sum3A_1983 : vector<1xf32> to vector<1x1x1xf32>
    %reduce_sum3A_1985 = vector.extract %reduce_sum3A_1984[0, 0, 0] : f32 from vector<1x1x1xf32>
    %broadcast_in_dim3A_1986 = vector.broadcast %reduce_sum3A_1977 : f32 to vector<80x128xf32>
    %select_n3A_1987 = arith.select %eq3A_1969, %broadcast_in_dim3A_1986, %select_n3A_1955 : vector<80x128xi1>, vector<80x128xf32>
    %broadcast_in_dim3A_1988 = vector.broadcast %reduce_sum3A_1985 : f32 to vector<80x128xf32>
    %select_n3A_1989 = arith.select %eq3A_1969, %broadcast_in_dim3A_1988, %select_n3A_1957 : vector<80x128xi1>, vector<80x128xf32>
    %get3A_1990 = arith.constant 0 : index
    %get3A_1991 = arith.constant 24 : index
    %get3A_1992 = vector.load %arg3[%get3A_1990, %get3A_1991] : memref<1x32xf32, #tpu.memory_space<vmem>>, vector<1x1xf32>
    %get3A_1993 = vector.extract %get3A_1992[0, 0] : f32 from vector<1x1xf32>
    %jit3A_1994 = arith.constant 0.000000e+00 : f32
    %broadcast_in_dim3A_1995 = vector.broadcast %get3A_1993 : f32 to vector<80x128xf32>
    %broadcast_in_dim3A_1996 = vector.broadcast %jit3A_1994 : f32 to vector<80x128xf32>
    %select_n3A_1997 = arith.select %eq3A_1969, %broadcast_in_dim3A_1995, %broadcast_in_dim3A_1996 : vector<80x128xi1>, vector<80x128xf32>
    %add3A_1998 = arith.addf %add3A_1966, %select_n3A_1997 : vector<80x128xf32>
    %eq3A_1999 = arith.constant 25 : i32
    %eq3A_2000 = vector.broadcast %eq3A_1999 : i32 to vector<80x128xi32>
    %eq3A_2001 = arith.cmpi eq, %get3A_9, %eq3A_2000 : vector<80x128xi32>
    %jit3A_2002 = arith.constant 0.000000e+00 : f32
    %broadcast_in_dim3A_2003 = vector.broadcast %jit3A_2002 : f32 to vector<80x128xf32>
    %select_n3A_2004 = arith.select %eq3A_2001, %exp3A, %broadcast_in_dim3A_2003 : vector<80x128xi1>, vector<80x128xf32>
    %reduce_sum3A_2005 = vector.shape_cast %select_n3A_2004 : vector<80x128xf32> to vector<1x80x128xf32>
    %reduce_sum3A_2006 = arith.constant dense<0.000000e+00> : vector<1xf32>
    %reduce_sum3A_2007 = vector.multi_reduction <add>, %reduce_sum3A_2005, %reduce_sum3A_2006 [1, 2] : vector<1x80x128xf32> to vector<1xf32>
    %reduce_sum3A_2008 = vector.shape_cast %reduce_sum3A_2007 : vector<1xf32> to vector<1x1x1xf32>
    %reduce_sum3A_2009 = vector.extract %reduce_sum3A_2008[0, 0, 0] : f32 from vector<1x1x1xf32>
    %jit3A_2010 = arith.constant 0.000000e+00 : f32
    %broadcast_in_dim3A_2011 = vector.broadcast %jit3A_2010 : f32 to vector<80x128xf32>
    %select_n3A_2012 = arith.select %eq3A_2001, %exp3A_1192, %broadcast_in_dim3A_2011 : vector<80x128xi1>, vector<80x128xf32>
    %reduce_sum3A_2013 = vector.shape_cast %select_n3A_2012 : vector<80x128xf32> to vector<1x80x128xf32>
    %reduce_sum3A_2014 = arith.constant dense<0.000000e+00> : vector<1xf32>
    %reduce_sum3A_2015 = vector.multi_reduction <add>, %reduce_sum3A_2013, %reduce_sum3A_2014 [1, 2] : vector<1x80x128xf32> to vector<1xf32>
    %reduce_sum3A_2016 = vector.shape_cast %reduce_sum3A_2015 : vector<1xf32> to vector<1x1x1xf32>
    %reduce_sum3A_2017 = vector.extract %reduce_sum3A_2016[0, 0, 0] : f32 from vector<1x1x1xf32>
    %broadcast_in_dim3A_2018 = vector.broadcast %reduce_sum3A_2009 : f32 to vector<80x128xf32>
    %select_n3A_2019 = arith.select %eq3A_2001, %broadcast_in_dim3A_2018, %select_n3A_1987 : vector<80x128xi1>, vector<80x128xf32>
    %broadcast_in_dim3A_2020 = vector.broadcast %reduce_sum3A_2017 : f32 to vector<80x128xf32>
    %select_n3A_2021 = arith.select %eq3A_2001, %broadcast_in_dim3A_2020, %select_n3A_1989 : vector<80x128xi1>, vector<80x128xf32>
    %get3A_2022 = arith.constant 0 : index
    %get3A_2023 = arith.constant 25 : index
    %get3A_2024 = vector.load %arg3[%get3A_2022, %get3A_2023] : memref<1x32xf32, #tpu.memory_space<vmem>>, vector<1x1xf32>
    %get3A_2025 = vector.extract %get3A_2024[0, 0] : f32 from vector<1x1xf32>
    %jit3A_2026 = arith.constant 0.000000e+00 : f32
    %broadcast_in_dim3A_2027 = vector.broadcast %get3A_2025 : f32 to vector<80x128xf32>
    %broadcast_in_dim3A_2028 = vector.broadcast %jit3A_2026 : f32 to vector<80x128xf32>
    %select_n3A_2029 = arith.select %eq3A_2001, %broadcast_in_dim3A_2027, %broadcast_in_dim3A_2028 : vector<80x128xi1>, vector<80x128xf32>
    %add3A_2030 = arith.addf %add3A_1998, %select_n3A_2029 : vector<80x128xf32>
    %eq3A_2031 = arith.constant 26 : i32
    %eq3A_2032 = vector.broadcast %eq3A_2031 : i32 to vector<80x128xi32>
    %eq3A_2033 = arith.cmpi eq, %get3A_9, %eq3A_2032 : vector<80x128xi32>
    %jit3A_2034 = arith.constant 0.000000e+00 : f32
    %broadcast_in_dim3A_2035 = vector.broadcast %jit3A_2034 : f32 to vector<80x128xf32>
    %select_n3A_2036 = arith.select %eq3A_2033, %exp3A, %broadcast_in_dim3A_2035 : vector<80x128xi1>, vector<80x128xf32>
    %reduce_sum3A_2037 = vector.shape_cast %select_n3A_2036 : vector<80x128xf32> to vector<1x80x128xf32>
    %reduce_sum3A_2038 = arith.constant dense<0.000000e+00> : vector<1xf32>
    %reduce_sum3A_2039 = vector.multi_reduction <add>, %reduce_sum3A_2037, %reduce_sum3A_2038 [1, 2] : vector<1x80x128xf32> to vector<1xf32>
    %reduce_sum3A_2040 = vector.shape_cast %reduce_sum3A_2039 : vector<1xf32> to vector<1x1x1xf32>
    %reduce_sum3A_2041 = vector.extract %reduce_sum3A_2040[0, 0, 0] : f32 from vector<1x1x1xf32>
    %jit3A_2042 = arith.constant 0.000000e+00 : f32
    %broadcast_in_dim3A_2043 = vector.broadcast %jit3A_2042 : f32 to vector<80x128xf32>
    %select_n3A_2044 = arith.select %eq3A_2033, %exp3A_1192, %broadcast_in_dim3A_2043 : vector<80x128xi1>, vector<80x128xf32>
    %reduce_sum3A_2045 = vector.shape_cast %select_n3A_2044 : vector<80x128xf32> to vector<1x80x128xf32>
    %reduce_sum3A_2046 = arith.constant dense<0.000000e+00> : vector<1xf32>
    %reduce_sum3A_2047 = vector.multi_reduction <add>, %reduce_sum3A_2045, %reduce_sum3A_2046 [1, 2] : vector<1x80x128xf32> to vector<1xf32>
    %reduce_sum3A_2048 = vector.shape_cast %reduce_sum3A_2047 : vector<1xf32> to vector<1x1x1xf32>
    %reduce_sum3A_2049 = vector.extract %reduce_sum3A_2048[0, 0, 0] : f32 from vector<1x1x1xf32>
    %broadcast_in_dim3A_2050 = vector.broadcast %reduce_sum3A_2041 : f32 to vector<80x128xf32>
    %select_n3A_2051 = arith.select %eq3A_2033, %broadcast_in_dim3A_2050, %select_n3A_2019 : vector<80x128xi1>, vector<80x128xf32>
    %broadcast_in_dim3A_2052 = vector.broadcast %reduce_sum3A_2049 : f32 to vector<80x128xf32>
    %select_n3A_2053 = arith.select %eq3A_2033, %broadcast_in_dim3A_2052, %select_n3A_2021 : vector<80x128xi1>, vector<80x128xf32>
    %get3A_2054 = arith.constant 0 : index
    %get3A_2055 = arith.constant 26 : index
    %get3A_2056 = vector.load %arg3[%get3A_2054, %get3A_2055] : memref<1x32xf32, #tpu.memory_space<vmem>>, vector<1x1xf32>
    %get3A_2057 = vector.extract %get3A_2056[0, 0] : f32 from vector<1x1xf32>
    %jit3A_2058 = arith.constant 0.000000e+00 : f32
    %broadcast_in_dim3A_2059 = vector.broadcast %get3A_2057 : f32 to vector<80x128xf32>
    %broadcast_in_dim3A_2060 = vector.broadcast %jit3A_2058 : f32 to vector<80x128xf32>
    %select_n3A_2061 = arith.select %eq3A_2033, %broadcast_in_dim3A_2059, %broadcast_in_dim3A_2060 : vector<80x128xi1>, vector<80x128xf32>
    %add3A_2062 = arith.addf %add3A_2030, %select_n3A_2061 : vector<80x128xf32>
    %eq3A_2063 = arith.constant 27 : i32
    %eq3A_2064 = vector.broadcast %eq3A_2063 : i32 to vector<80x128xi32>
    %eq3A_2065 = arith.cmpi eq, %get3A_9, %eq3A_2064 : vector<80x128xi32>
    %jit3A_2066 = arith.constant 0.000000e+00 : f32
    %broadcast_in_dim3A_2067 = vector.broadcast %jit3A_2066 : f32 to vector<80x128xf32>
    %select_n3A_2068 = arith.select %eq3A_2065, %exp3A, %broadcast_in_dim3A_2067 : vector<80x128xi1>, vector<80x128xf32>
    %reduce_sum3A_2069 = vector.shape_cast %select_n3A_2068 : vector<80x128xf32> to vector<1x80x128xf32>
    %reduce_sum3A_2070 = arith.constant dense<0.000000e+00> : vector<1xf32>
    %reduce_sum3A_2071 = vector.multi_reduction <add>, %reduce_sum3A_2069, %reduce_sum3A_2070 [1, 2] : vector<1x80x128xf32> to vector<1xf32>
    %reduce_sum3A_2072 = vector.shape_cast %reduce_sum3A_2071 : vector<1xf32> to vector<1x1x1xf32>
    %reduce_sum3A_2073 = vector.extract %reduce_sum3A_2072[0, 0, 0] : f32 from vector<1x1x1xf32>
    %jit3A_2074 = arith.constant 0.000000e+00 : f32
    %broadcast_in_dim3A_2075 = vector.broadcast %jit3A_2074 : f32 to vector<80x128xf32>
    %select_n3A_2076 = arith.select %eq3A_2065, %exp3A_1192, %broadcast_in_dim3A_2075 : vector<80x128xi1>, vector<80x128xf32>
    %reduce_sum3A_2077 = vector.shape_cast %select_n3A_2076 : vector<80x128xf32> to vector<1x80x128xf32>
    %reduce_sum3A_2078 = arith.constant dense<0.000000e+00> : vector<1xf32>
    %reduce_sum3A_2079 = vector.multi_reduction <add>, %reduce_sum3A_2077, %reduce_sum3A_2078 [1, 2] : vector<1x80x128xf32> to vector<1xf32>
    %reduce_sum3A_2080 = vector.shape_cast %reduce_sum3A_2079 : vector<1xf32> to vector<1x1x1xf32>
    %reduce_sum3A_2081 = vector.extract %reduce_sum3A_2080[0, 0, 0] : f32 from vector<1x1x1xf32>
    %broadcast_in_dim3A_2082 = vector.broadcast %reduce_sum3A_2073 : f32 to vector<80x128xf32>
    %select_n3A_2083 = arith.select %eq3A_2065, %broadcast_in_dim3A_2082, %select_n3A_2051 : vector<80x128xi1>, vector<80x128xf32>
    %broadcast_in_dim3A_2084 = vector.broadcast %reduce_sum3A_2081 : f32 to vector<80x128xf32>
    %select_n3A_2085 = arith.select %eq3A_2065, %broadcast_in_dim3A_2084, %select_n3A_2053 : vector<80x128xi1>, vector<80x128xf32>
    %get3A_2086 = arith.constant 0 : index
    %get3A_2087 = arith.constant 27 : index
    %get3A_2088 = vector.load %arg3[%get3A_2086, %get3A_2087] : memref<1x32xf32, #tpu.memory_space<vmem>>, vector<1x1xf32>
    %get3A_2089 = vector.extract %get3A_2088[0, 0] : f32 from vector<1x1xf32>
    %jit3A_2090 = arith.constant 0.000000e+00 : f32
    %broadcast_in_dim3A_2091 = vector.broadcast %get3A_2089 : f32 to vector<80x128xf32>
    %broadcast_in_dim3A_2092 = vector.broadcast %jit3A_2090 : f32 to vector<80x128xf32>
    %select_n3A_2093 = arith.select %eq3A_2065, %broadcast_in_dim3A_2091, %broadcast_in_dim3A_2092 : vector<80x128xi1>, vector<80x128xf32>
    %add3A_2094 = arith.addf %add3A_2062, %select_n3A_2093 : vector<80x128xf32>
    %eq3A_2095 = arith.constant 28 : i32
    %eq3A_2096 = vector.broadcast %eq3A_2095 : i32 to vector<80x128xi32>
    %eq3A_2097 = arith.cmpi eq, %get3A_9, %eq3A_2096 : vector<80x128xi32>
    %jit3A_2098 = arith.constant 0.000000e+00 : f32
    %broadcast_in_dim3A_2099 = vector.broadcast %jit3A_2098 : f32 to vector<80x128xf32>
    %select_n3A_2100 = arith.select %eq3A_2097, %exp3A, %broadcast_in_dim3A_2099 : vector<80x128xi1>, vector<80x128xf32>
    %reduce_sum3A_2101 = vector.shape_cast %select_n3A_2100 : vector<80x128xf32> to vector<1x80x128xf32>
    %reduce_sum3A_2102 = arith.constant dense<0.000000e+00> : vector<1xf32>
    %reduce_sum3A_2103 = vector.multi_reduction <add>, %reduce_sum3A_2101, %reduce_sum3A_2102 [1, 2] : vector<1x80x128xf32> to vector<1xf32>
    %reduce_sum3A_2104 = vector.shape_cast %reduce_sum3A_2103 : vector<1xf32> to vector<1x1x1xf32>
    %reduce_sum3A_2105 = vector.extract %reduce_sum3A_2104[0, 0, 0] : f32 from vector<1x1x1xf32>
    %jit3A_2106 = arith.constant 0.000000e+00 : f32
    %broadcast_in_dim3A_2107 = vector.broadcast %jit3A_2106 : f32 to vector<80x128xf32>
    %select_n3A_2108 = arith.select %eq3A_2097, %exp3A_1192, %broadcast_in_dim3A_2107 : vector<80x128xi1>, vector<80x128xf32>
    %reduce_sum3A_2109 = vector.shape_cast %select_n3A_2108 : vector<80x128xf32> to vector<1x80x128xf32>
    %reduce_sum3A_2110 = arith.constant dense<0.000000e+00> : vector<1xf32>
    %reduce_sum3A_2111 = vector.multi_reduction <add>, %reduce_sum3A_2109, %reduce_sum3A_2110 [1, 2] : vector<1x80x128xf32> to vector<1xf32>
    %reduce_sum3A_2112 = vector.shape_cast %reduce_sum3A_2111 : vector<1xf32> to vector<1x1x1xf32>
    %reduce_sum3A_2113 = vector.extract %reduce_sum3A_2112[0, 0, 0] : f32 from vector<1x1x1xf32>
    %broadcast_in_dim3A_2114 = vector.broadcast %reduce_sum3A_2105 : f32 to vector<80x128xf32>
    %select_n3A_2115 = arith.select %eq3A_2097, %broadcast_in_dim3A_2114, %select_n3A_2083 : vector<80x128xi1>, vector<80x128xf32>
    %broadcast_in_dim3A_2116 = vector.broadcast %reduce_sum3A_2113 : f32 to vector<80x128xf32>
    %select_n3A_2117 = arith.select %eq3A_2097, %broadcast_in_dim3A_2116, %select_n3A_2085 : vector<80x128xi1>, vector<80x128xf32>
    %get3A_2118 = arith.constant 0 : index
    %get3A_2119 = arith.constant 28 : index
    %get3A_2120 = vector.load %arg3[%get3A_2118, %get3A_2119] : memref<1x32xf32, #tpu.memory_space<vmem>>, vector<1x1xf32>
    %get3A_2121 = vector.extract %get3A_2120[0, 0] : f32 from vector<1x1xf32>
    %jit3A_2122 = arith.constant 0.000000e+00 : f32
    %broadcast_in_dim3A_2123 = vector.broadcast %get3A_2121 : f32 to vector<80x128xf32>
    %broadcast_in_dim3A_2124 = vector.broadcast %jit3A_2122 : f32 to vector<80x128xf32>
    %select_n3A_2125 = arith.select %eq3A_2097, %broadcast_in_dim3A_2123, %broadcast_in_dim3A_2124 : vector<80x128xi1>, vector<80x128xf32>
    %add3A_2126 = arith.addf %add3A_2094, %select_n3A_2125 : vector<80x128xf32>
    %eq3A_2127 = arith.constant 29 : i32
    %eq3A_2128 = vector.broadcast %eq3A_2127 : i32 to vector<80x128xi32>
    %eq3A_2129 = arith.cmpi eq, %get3A_9, %eq3A_2128 : vector<80x128xi32>
    %jit3A_2130 = arith.constant 0.000000e+00 : f32
    %broadcast_in_dim3A_2131 = vector.broadcast %jit3A_2130 : f32 to vector<80x128xf32>
    %select_n3A_2132 = arith.select %eq3A_2129, %exp3A, %broadcast_in_dim3A_2131 : vector<80x128xi1>, vector<80x128xf32>
    %reduce_sum3A_2133 = vector.shape_cast %select_n3A_2132 : vector<80x128xf32> to vector<1x80x128xf32>
    %reduce_sum3A_2134 = arith.constant dense<0.000000e+00> : vector<1xf32>
    %reduce_sum3A_2135 = vector.multi_reduction <add>, %reduce_sum3A_2133, %reduce_sum3A_2134 [1, 2] : vector<1x80x128xf32> to vector<1xf32>
    %reduce_sum3A_2136 = vector.shape_cast %reduce_sum3A_2135 : vector<1xf32> to vector<1x1x1xf32>
    %reduce_sum3A_2137 = vector.extract %reduce_sum3A_2136[0, 0, 0] : f32 from vector<1x1x1xf32>
    %jit3A_2138 = arith.constant 0.000000e+00 : f32
    %broadcast_in_dim3A_2139 = vector.broadcast %jit3A_2138 : f32 to vector<80x128xf32>
    %select_n3A_2140 = arith.select %eq3A_2129, %exp3A_1192, %broadcast_in_dim3A_2139 : vector<80x128xi1>, vector<80x128xf32>
    %reduce_sum3A_2141 = vector.shape_cast %select_n3A_2140 : vector<80x128xf32> to vector<1x80x128xf32>
    %reduce_sum3A_2142 = arith.constant dense<0.000000e+00> : vector<1xf32>
    %reduce_sum3A_2143 = vector.multi_reduction <add>, %reduce_sum3A_2141, %reduce_sum3A_2142 [1, 2] : vector<1x80x128xf32> to vector<1xf32>
    %reduce_sum3A_2144 = vector.shape_cast %reduce_sum3A_2143 : vector<1xf32> to vector<1x1x1xf32>
    %reduce_sum3A_2145 = vector.extract %reduce_sum3A_2144[0, 0, 0] : f32 from vector<1x1x1xf32>
    %broadcast_in_dim3A_2146 = vector.broadcast %reduce_sum3A_2137 : f32 to vector<80x128xf32>
    %select_n3A_2147 = arith.select %eq3A_2129, %broadcast_in_dim3A_2146, %select_n3A_2115 : vector<80x128xi1>, vector<80x128xf32>
    %broadcast_in_dim3A_2148 = vector.broadcast %reduce_sum3A_2145 : f32 to vector<80x128xf32>
    %select_n3A_2149 = arith.select %eq3A_2129, %broadcast_in_dim3A_2148, %select_n3A_2117 : vector<80x128xi1>, vector<80x128xf32>
    %get3A_2150 = arith.constant 0 : index
    %get3A_2151 = arith.constant 29 : index
    %get3A_2152 = vector.load %arg3[%get3A_2150, %get3A_2151] : memref<1x32xf32, #tpu.memory_space<vmem>>, vector<1x1xf32>
    %get3A_2153 = vector.extract %get3A_2152[0, 0] : f32 from vector<1x1xf32>
    %jit3A_2154 = arith.constant 0.000000e+00 : f32
    %broadcast_in_dim3A_2155 = vector.broadcast %get3A_2153 : f32 to vector<80x128xf32>
    %broadcast_in_dim3A_2156 = vector.broadcast %jit3A_2154 : f32 to vector<80x128xf32>
    %select_n3A_2157 = arith.select %eq3A_2129, %broadcast_in_dim3A_2155, %broadcast_in_dim3A_2156 : vector<80x128xi1>, vector<80x128xf32>
    %add3A_2158 = arith.addf %add3A_2126, %select_n3A_2157 : vector<80x128xf32>
    %eq3A_2159 = arith.constant 30 : i32
    %eq3A_2160 = vector.broadcast %eq3A_2159 : i32 to vector<80x128xi32>
    %eq3A_2161 = arith.cmpi eq, %get3A_9, %eq3A_2160 : vector<80x128xi32>
    %jit3A_2162 = arith.constant 0.000000e+00 : f32
    %broadcast_in_dim3A_2163 = vector.broadcast %jit3A_2162 : f32 to vector<80x128xf32>
    %select_n3A_2164 = arith.select %eq3A_2161, %exp3A, %broadcast_in_dim3A_2163 : vector<80x128xi1>, vector<80x128xf32>
    %reduce_sum3A_2165 = vector.shape_cast %select_n3A_2164 : vector<80x128xf32> to vector<1x80x128xf32>
    %reduce_sum3A_2166 = arith.constant dense<0.000000e+00> : vector<1xf32>
    %reduce_sum3A_2167 = vector.multi_reduction <add>, %reduce_sum3A_2165, %reduce_sum3A_2166 [1, 2] : vector<1x80x128xf32> to vector<1xf32>
    %reduce_sum3A_2168 = vector.shape_cast %reduce_sum3A_2167 : vector<1xf32> to vector<1x1x1xf32>
    %reduce_sum3A_2169 = vector.extract %reduce_sum3A_2168[0, 0, 0] : f32 from vector<1x1x1xf32>
    %jit3A_2170 = arith.constant 0.000000e+00 : f32
    %broadcast_in_dim3A_2171 = vector.broadcast %jit3A_2170 : f32 to vector<80x128xf32>
    %select_n3A_2172 = arith.select %eq3A_2161, %exp3A_1192, %broadcast_in_dim3A_2171 : vector<80x128xi1>, vector<80x128xf32>
    %reduce_sum3A_2173 = vector.shape_cast %select_n3A_2172 : vector<80x128xf32> to vector<1x80x128xf32>
    %reduce_sum3A_2174 = arith.constant dense<0.000000e+00> : vector<1xf32>
    %reduce_sum3A_2175 = vector.multi_reduction <add>, %reduce_sum3A_2173, %reduce_sum3A_2174 [1, 2] : vector<1x80x128xf32> to vector<1xf32>
    %reduce_sum3A_2176 = vector.shape_cast %reduce_sum3A_2175 : vector<1xf32> to vector<1x1x1xf32>
    %reduce_sum3A_2177 = vector.extract %reduce_sum3A_2176[0, 0, 0] : f32 from vector<1x1x1xf32>
    %broadcast_in_dim3A_2178 = vector.broadcast %reduce_sum3A_2169 : f32 to vector<80x128xf32>
    %select_n3A_2179 = arith.select %eq3A_2161, %broadcast_in_dim3A_2178, %select_n3A_2147 : vector<80x128xi1>, vector<80x128xf32>
    %broadcast_in_dim3A_2180 = vector.broadcast %reduce_sum3A_2177 : f32 to vector<80x128xf32>
    %select_n3A_2181 = arith.select %eq3A_2161, %broadcast_in_dim3A_2180, %select_n3A_2149 : vector<80x128xi1>, vector<80x128xf32>
    %get3A_2182 = arith.constant 0 : index
    %get3A_2183 = arith.constant 30 : index
    %get3A_2184 = vector.load %arg3[%get3A_2182, %get3A_2183] : memref<1x32xf32, #tpu.memory_space<vmem>>, vector<1x1xf32>
    %get3A_2185 = vector.extract %get3A_2184[0, 0] : f32 from vector<1x1xf32>
    %jit3A_2186 = arith.constant 0.000000e+00 : f32
    %broadcast_in_dim3A_2187 = vector.broadcast %get3A_2185 : f32 to vector<80x128xf32>
    %broadcast_in_dim3A_2188 = vector.broadcast %jit3A_2186 : f32 to vector<80x128xf32>
    %select_n3A_2189 = arith.select %eq3A_2161, %broadcast_in_dim3A_2187, %broadcast_in_dim3A_2188 : vector<80x128xi1>, vector<80x128xf32>
    %add3A_2190 = arith.addf %add3A_2158, %select_n3A_2189 : vector<80x128xf32>
    %eq3A_2191 = arith.constant 31 : i32
    %eq3A_2192 = vector.broadcast %eq3A_2191 : i32 to vector<80x128xi32>
    %eq3A_2193 = arith.cmpi eq, %get3A_9, %eq3A_2192 : vector<80x128xi32>
    %jit3A_2194 = arith.constant 0.000000e+00 : f32
    %broadcast_in_dim3A_2195 = vector.broadcast %jit3A_2194 : f32 to vector<80x128xf32>
    %select_n3A_2196 = arith.select %eq3A_2193, %exp3A, %broadcast_in_dim3A_2195 : vector<80x128xi1>, vector<80x128xf32>
    %reduce_sum3A_2197 = vector.shape_cast %select_n3A_2196 : vector<80x128xf32> to vector<1x80x128xf32>
    %reduce_sum3A_2198 = arith.constant dense<0.000000e+00> : vector<1xf32>
    %reduce_sum3A_2199 = vector.multi_reduction <add>, %reduce_sum3A_2197, %reduce_sum3A_2198 [1, 2] : vector<1x80x128xf32> to vector<1xf32>
    %reduce_sum3A_2200 = vector.shape_cast %reduce_sum3A_2199 : vector<1xf32> to vector<1x1x1xf32>
    %reduce_sum3A_2201 = vector.extract %reduce_sum3A_2200[0, 0, 0] : f32 from vector<1x1x1xf32>
    %jit3A_2202 = arith.constant 0.000000e+00 : f32
    %broadcast_in_dim3A_2203 = vector.broadcast %jit3A_2202 : f32 to vector<80x128xf32>
    %select_n3A_2204 = arith.select %eq3A_2193, %exp3A_1192, %broadcast_in_dim3A_2203 : vector<80x128xi1>, vector<80x128xf32>
    %reduce_sum3A_2205 = vector.shape_cast %select_n3A_2204 : vector<80x128xf32> to vector<1x80x128xf32>
    %reduce_sum3A_2206 = arith.constant dense<0.000000e+00> : vector<1xf32>
    %reduce_sum3A_2207 = vector.multi_reduction <add>, %reduce_sum3A_2205, %reduce_sum3A_2206 [1, 2] : vector<1x80x128xf32> to vector<1xf32>
    %reduce_sum3A_2208 = vector.shape_cast %reduce_sum3A_2207 : vector<1xf32> to vector<1x1x1xf32>
    %reduce_sum3A_2209 = vector.extract %reduce_sum3A_2208[0, 0, 0] : f32 from vector<1x1x1xf32>
    %broadcast_in_dim3A_2210 = vector.broadcast %reduce_sum3A_2201 : f32 to vector<80x128xf32>
    %select_n3A_2211 = arith.select %eq3A_2193, %broadcast_in_dim3A_2210, %select_n3A_2179 : vector<80x128xi1>, vector<80x128xf32>
    %broadcast_in_dim3A_2212 = vector.broadcast %reduce_sum3A_2209 : f32 to vector<80x128xf32>
    %select_n3A_2213 = arith.select %eq3A_2193, %broadcast_in_dim3A_2212, %select_n3A_2181 : vector<80x128xi1>, vector<80x128xf32>
    %get3A_2214 = arith.constant 0 : index
    %get3A_2215 = arith.constant 31 : index
    %get3A_2216 = vector.load %arg3[%get3A_2214, %get3A_2215] : memref<1x32xf32, #tpu.memory_space<vmem>>, vector<1x1xf32>
    %get3A_2217 = vector.extract %get3A_2216[0, 0] : f32 from vector<1x1xf32>
    %jit3A_2218 = arith.constant 0.000000e+00 : f32
    %broadcast_in_dim3A_2219 = vector.broadcast %get3A_2217 : f32 to vector<80x128xf32>
    %broadcast_in_dim3A_2220 = vector.broadcast %jit3A_2218 : f32 to vector<80x128xf32>
    %select_n3A_2221 = arith.select %eq3A_2193, %broadcast_in_dim3A_2219, %broadcast_in_dim3A_2220 : vector<80x128xi1>, vector<80x128xf32>
    %add3A_2222 = arith.addf %add3A_2190, %select_n3A_2221 : vector<80x128xf32>
    %div3A = arith.divf %exp3A, %select_n3A_2211 : vector<80x128xf32>
    %mul3A = arith.mulf %add3A_2222, %div3A : vector<80x128xf32>
    %sub3A_2223 = arith.constant 1.000000e+00 : f32
    %sub3A_2224 = vector.broadcast %sub3A_2223 : f32 to vector<80x128xf32>
    %sub3A_2225 = arith.subf %sub3A_2224, %add3A_2222 : vector<80x128xf32>
    %div3A_2226 = arith.divf %exp3A_1192, %select_n3A_2213 : vector<80x128xf32>
    %mul3A_2227 = arith.mulf %sub3A_2225, %div3A_2226 : vector<80x128xf32>
    %add3A_2228 = arith.addf %mul3A, %mul3A_2227 : vector<80x128xf32>
    %swap3A = arith.constant 0 : index
    %swap3A_2229 = arith.constant 0 : index
    %swap3A_2230 = vector.load %arg4[%swap3A, %swap3A_2229] : memref<80x128xf32, #tpu.memory_space<vmem>>, vector<80x128xf32>
    tpu.vector_store %arg4[%swap3A, %swap3A_2229], %add3A_2228 {strides = array<i32>} : memref<80x128xf32, #tpu.memory_space<vmem>>, vector<80x128xf32>,
    return
  }
}

</mosaic_0001>

<sc_bundles>
// kernel: kernel.6.cloned.1.call-start
scs
__scs_entry_jumppad:
0x0: {  	(pc) =	sbr.rel $0x88, $3  }
0x1: {  	(tag) =	ssettag $0x0;
	lr =	simm.s32 $0x1  }
0x2: {  	[smem:$0x3F94] =	sst lr;
	_ =	strace $0xD0000000  }
0x3: {  	_ = 	snop  }
0x4: {  	_ = 	snop  }
0x5: {  	_ = 	snop  }
0x6: {  	_ = 	snop  }
0x7: {  	_ = 	snop  }
__scs_overlays_trampoline_lowered:
0x8: {  	[smem:$0x3FA3] =	sst s0  }
0x9: {  	[smem:$0x3FA4] =	sst s1  }
0xa: {  	[smem:$0x3FA5] =	sst s2  }
0xb: {  	[smem:$0x3FA6] =	sst s3  }
0xc: {  	[smem:$0x3FA7] =	sst s4  }
0xd: {  	[smem:$0x3FA8] =	sst s5  }
0xe: {  	[smem:$0x3FA9] =	sst s6  }
0xf: {  	[smem:$0x3FAA] =	sst s7  }
0x10: {  	[smem:$0x3FAB] =	sst s8  }
0x11: {  	[smem:$0x3FAC] =	sst s9;
	s0 =	simm.s32 @!p0 $0x0  }
0x12: {  	s1 =	sld [smem:$0x3F92];
	s0 =	simm.s32 @p0 $0x1  }
0x13: {  	[smem:$0x3FAD] =	sst s0;
	s0 =	simm.s32 @!p1 $0x0  }
0x14: {  	s2 =	sld [smem:$0x3F91];
	s0 =	simm.s32 @p1 $0x1  }
0x15: {  	[smem:$0x3FAE] =	sst s0;
	s0 =	simm.s32 @!p2 $0x0  }
0x16: {  	s3 =	sld [smem:$0x3FDB];
	s0 =	simm.s32 @p2 $0x1  }
0x17: {  	s4 =	simm.s32 $0x1BF5;
	[smem:$0x3FB0] =	sst s0  }
0x18: {  	s0 =	sld [smem:$0x3F93];
	_ =	swait.ge [sflag:s4], $0x0  }
0x19: {  	s7 =	sld [smem:$0x3F94]  }
0x1a: {  	s8 =	sadd.s32 $0xFFFFE003, lr  }
0x1b: {  	s9 =	sadd.s32 $0xFFFFFEF7, lr;
	s5 =	simm.s32 $0xFFFFFFFF;
	p2 =	slt.u32 s8, $0xFFFFF086  }
0x1c: {  	p1 =	slt.u32 s9, $0xF7A;
	s5 =	simm.s32 @!p2 $0x0  }
0x1d: {  	s5 =	simm.s32 @p1 $0x1;
	p0 =	seq.s32 s7, s2  }
0x1e: {  	s7 =	smul.u32 @!p0 $0xF7A, s2;
	p2 =	seq.s32 @!p0 s5, $0x0  }
0x1f: {  	s9 =	smul.u32 $0xF7A, s1;
	s8 =	simm.s32 @!p0 $0x1BF5;
	p2 =	por !p2, p0  }
0x20: {  	[sflag:s8] =	ssyncset.s32 @!p0 $0xFFFFF086;
	s6 =	sadd.s32 @!p0 s3, s7;
	s7 =	simm.s32 @!p0 $0x108  }
0x21: {  	s3 =	sadd.s32 s3, s9;
	s6 =	sadd.s32 @!p0 $0x88, s6;
	s7 =	simm.s32 @p2 $0x1082  }
0x22: {  	[simem:s7], [sflag:s8] =	dma.local @!p0 [hbm:s6], $0xF7A  }
0x23: {  	s9 =	sor.u32 $0xD0000000, s2;
	s6 =	simm.s32 $0x108;
	_ =	swait.ge @!p0 [sflag:s8], $0x0  }
0x24: {  	s3 =	sadd.s32 $0x88, s3;
	s6 =	simm.s32 @!p1 $0x1082;
	[sflag:s4] =	ssyncset.s32 $0xFFFFF086  }
0x25: {  	[simem:s6], [sflag:s4] =	dma.local [hbm:s3], $0xF7A  }
0x26: {  	[smem:$0x3F94] =	sst s1;
	(tag) =	ssettag s2;
	_ =	strace s9  }
0x27: {  	s1 =	sld [smem:$0x3FA4]  }
0x28: {  	s2 =	sld [smem:$0x3FA5]  }
0x29: {  	s4 =	sld [smem:$0x3FA7]  }
0x2a: {  	p0 =	seq.s32 s5, $0x0;
	s5 =	sld [smem:$0x3FA8]  }
0x2b: {  	s6 =	sld [smem:$0x3FA9]  }
0x2c: {  	s7 =	sld [smem:$0x3FAA]  }
0x2d: {  	s3 =	simm.s32 $0x108;
	s8 =	sld [smem:$0x3FAB]  }
0x2e: {  	s3 =	simm.s32 @!p0 $0x1082;
	s9 =	sld [smem:$0x3FAC]  }
0x2f: {  	lr =	sadd.s32 s0, s3;
	s0 =	sld [smem:$0x3FA3]  }
0x30: {  	s3 =	sld [smem:$0x3FA6]  }
0x31: {  	[smem:$0x3FAF] =	sst s10  }
0x32: {  	s10 =	sld [smem:$0x3FAD];
	_ =	sdelay $0x3  }
0x33: {  	p0 =	seq.s32 s10, $0x1;
	s10 =	sld [smem:$0x3FAF];
	_ =	sdelay $0x3  }
0x34: {  	[smem:$0x3FAF] =	sst s10  }
0x35: {  	s10 =	sld [smem:$0x3FAE];
	_ =	sdelay $0x3  }
0x36: {  	p1 =	seq.s32 s10, $0x1;
	s10 =	sld [smem:$0x3FAF];
	_ =	sdelay $0x3  }
0x37: {  	[smem:$0x3FAF] =	sst s10  }
0x38: {  	s10 =	sld [smem:$0x3FB0]  }
0x39: {  	_ = 	snop;
	(pc) =	sbr.ind lr, $3  }
0x3a: {  	_ = 	snop  }
0x3b: {  	_ = 	snop  }
0x3c: {  	p2 =	seq.s32 s10, $0x1;
	s10 =	sld [smem:$0x3FAF]  }
0x3d: {  	_ =	shalt  }
0x3e: {  	_ =	shalt  }
0x3f: {  	_ =	shalt  }
0x40: {  	_ =	shalt  }
0x41: {  	_ =	shalt  }
0x42: {  	_ =	shalt  }
0x43: {  	_ =	shalt  }
0x44: {  	_ =	shalt  }
0x45: {  	_ =	shalt  }
0x46: {  	_ =	shalt  }
0x47: {  	_ =	shalt  }
0x48: {  	_ =	shalt  }
0x49: {  	_ =	shalt  }
0x4a: {  	_ =	shalt  }
0x4b: {  	_ =	shalt  }
0x4c: {  	_ =	shalt  }
0x4d: {  	_ =	shalt  }
0x4e: {  	_ =	shalt  }
0x4f: {  	_ =	shalt  }
0x50: {  	_ =	shalt  }
0x51: {  	_ =	shalt  }
0x52: {  	_ =	shalt  }
0x53: {  	_ =	shalt  }
0x54: {  	_ =	shalt  }
0x55: {  	_ =	shalt  }
0x56: {  	_ =	shalt  }
0x57: {  	_ =	shalt  }
0x58: {  	_ =	shalt  }
0x59: {  	_ =	shalt  }
0x5a: {  	_ =	shalt  }
0x5b: {  	_ =	shalt  }
0x5c: {  	_ =	shalt  }
0x5d: {  	_ =	shalt  }
0x5e: {  	_ =	shalt  }
0x5f: {  	_ =	shalt  }
0x60: {  	_ =	shalt  }
0x61: {  	_ =	shalt  }
0x62: {  	_ =	shalt  }
0x63: {  	_ =	shalt  }
0x64: {  	_ =	shalt  }
0x65: {  	_ =	shalt  }
0x66: {  	_ =	shalt  }
0x67: {  	_ =	shalt  }
0x68: {  	_ =	shalt  }
0x69: {  	_ =	shalt  }
0x6a: {  	_ =	shalt  }
0x6b: {  	_ =	shalt  }
0x6c: {  	_ =	shalt  }
0x6d: {  	_ =	shalt  }
0x6e: {  	_ =	shalt  }
0x6f: {  	_ =	shalt  }
0x70: {  	_ =	shalt  }
0x71: {  	_ =	shalt  }
0x72: {  	_ =	shalt  }
0x73: {  	_ =	shalt  }
0x74: {  	_ =	shalt  }
0x75: {  	_ =	shalt  }
0x76: {  	_ =	shalt  }
0x77: {  	_ =	shalt  }
0x78: {  	_ =	shalt  }
0x79: {  	_ =	shalt  }
0x7a: {  	_ =	shalt  }
0x7b: {  	_ =	shalt  }
0x7c: {  	_ =	shalt  }
0x7d: {  	_ =	shalt  }
0x7e: {  	_ =	shalt  }
0x7f: {  	_ =	shalt  }
0x80: {  	_ =	shalt  }
0x81: {  	_ =	shalt  }
0x82: {  	_ =	shalt  }
0x83: {  	_ =	shalt  }
0x84: {  	_ =	shalt  }
0x85: {  	_ =	shalt  }
0x86: {  	_ =	shalt  }
0x87: {  	_ =	shalt  }
.Lfunc_end0:
.L_simem_size_0:
called_computation_lowered:
.L_overlay_start_0:
0x88: {  	s2 =	sld [smem:$0x3FD9]  }
0x89: {  	s3 =	sld [smem:$0x3FFE];
	_ =	sdelay $0x1  }
0x8a: {  	s1 =	srdreg.scid  }
0x8b: {  	s0 =	sand.u32 $0x1, s1  }
0x8c: {  	s17 =	sshll.u32 s0, $0xA;
	s2 =	sadd.s32 s3, s2  }
0x8d: {  	s2 =	sadd.s32 s2, s17  }
0x8e: {  	[smem:$0x3FBB] =	sst s2  }
0x8f: {  	_ = 	snop  }
0x90: {  	s2 =	sld [smem:$0x3FD0];
	(tm) =	ssettm $0x1  }
0x91: {  	s18 =	sld [smem:$0x3FFB];
	_ =	sdelay $0x3  }
0x92: {  	_ =	strace s18  }
0x93: {  	s3 =	sld [smem:$0x3FFC];
	_ =	sdelay $0x3  }
0x94: {  	_ =	strace s3  }
0x95: {  	s3 =	sld [smem:$0x3FFD];
	_ =	sdelay $0x3  }
0x96: {  	_ =	strace s3  }
0x97: {  	_ =	strace $0x8FFFFFFF  }
0x98: {  	s19 =	sld [smem:$0x3FDB];
	_ =	sdelay $0x1  }
0x99: {  	s4 =	simm.s32 $_scs_section_size  }
0x9a: {  	s5 =	simm.s32 $_size__tile_overlayer_lowered;
	s6 =	simm.s32 $_tile_overlayer_lowered  }
0x9b: {  	s22 =	simm.s32 $0x1BFF;
	s21 =	sshll.u32 s6, $0x1;
	s3 =	sadd.s32 s4, s19  }
0x9c: {  	s7 =	simm.s32 $0x0;
	s20 =	sshll.u32 s5, $0x1;
	s5 =	sadd.s32 s21, s3  }
0x9d: {  	[timem:s7], [sflag:s22] =	dma.local [hbm:s5], s20  }
0x9e: {  	_ =	swait.ge [sflag:s22], s20  }
0x9f: {  	s4 =	ssub.s32 $0x0, s20;
	[sflag:s22] =	ssyncset.done $0x0  }
0xa0: {  	[sflag:s22] =	ssyncadd.s32 s4;
	_ =	sdelay $0x1  }
0xa1: {  	s23 =	simm.s32 $0x1B8B  }
0xa2: {  	_ =	swait.ge [sflag:s23], $0x1  }
0xa3: {  	[sflag:s23] =	ssyncset.done $0x0  }
0xa4: {  	s25 =	simm.s32 $0x1B8E;
	s24 =	sld [smem:$0x3FFE];
	[sflag:s23] =	ssyncadd.s32 $0xFFFFFFFF  }
0xa5: {  	s26 =	simm.s32 $execute0_lowered;
	[smem:$0x3FD2] =	sst s25  }
0xa6: {  	s5 =	sshll.u32 s26, $0x1;
	_ =	strace $0x80000046;
	[dreg:$0x1] =	wrdreg $0xFFFFFFFF  }
0xa7: {  	s28 =	simm.s32 $_size_execute0_lowered;
	s3 =	sadd.s32 s3, s5;
	[dreg:$0x0] =	wrdreg $0x0  }
0xa8: {  	s5 =	sshll.u32 s28, $0x1;
	[dreg:$0x2] =	wrdreg s3  }
0xa9: {  	[dreg:$0x3] =	wrdreg s5  }
0xaa: {  	[dreg:$0x4] =	wrdreg $0xC0  }
0xab: {  	_ =	task [dreg:s7], $0x5FFFF  }
0xac: {  	[dreg:$0x1] =	wrdreg $0xFFFFFFFF  }
0xad: {  	[dreg:$0x0] =	wrdreg $0x60  }
0xae: {  	[dreg:$0x2] =	wrdreg s24  }
0xaf: {  	[dreg:$0x3] =	wrdreg s2  }
0xb0: {  	[dreg:$0x4] =	wrdreg $0x9  }
0xb1: {  	_ =	task.clear_ibuf [dreg:s7], $0x5FFFF;
	_ =	strace $0x90000046  }
0xb2: {  	s29 =	simm.s32 $0x9;
	_ =	strace $0x80000048  }
0xb3: {  	_ =	swait.ge [sflag:s29], $0x1  }
0xb4: {  	[sflag:s29] =	ssyncadd.s32 $0xFFFFFFFF  }
0xb5: {  	_ =	strace $0x90000048  }
0xb6: {  	_ =	sfence  }
0xb7: {  	s30 =	sld [smem:$0x0];
	_ =	sdelay $0x2  }
0xb8: {  	s31 =	sshll.u32 s1, $0xD;
	s1 =	sshrl.u32 s1, $0x2  }
0xb9: {  	s3 =	sand.u32 $0x4000, s31;
	s1 =	sadd.s32 s1, s30  }
0xba: {  	s0 =	sor.u32 s3, s0;
	s1 =	sshll.u32 s1, $0x11  }
0xbb: {  	s0 =	sor.u32 s1, s0  }
0xbc: {  	s0 =	sadd.s32 $0x8F2B, s0  }
0xbd: {  	[sflag:s0] =	ssyncadd.remote.s32 $0x1  }
0xbe: {  	_ =	sfence.sel $0xFFFF  }
0xbf: {  	[dreg:$0x0] =	wrdreg $0xFFFFFFFF;
	(pc) =	sbr.abs _section_cstart, $3  }
0xc0: {  	[dreg:$0x1] =	wrdreg $0xFFFFFFFF  }
0xc1: {  	_ =	task.clear_ibuf [dreg:s7], $0x2FFFF;
	_ =	strace $0x9FFFFFFF  }
0xc2: {  	(tm) =	ssettm $0x7FFFFFFF  }
0xc3: {  	_ =	shalt  }
tec
execute0_lowered:
.L_overlay_start_1:
0x0: {  	(tag) =	ssettag $0x1  }
0x1: {  	s1 =	srdreg.scid;
	s5 =	rddreg [dreg:$0x0]  }
0x2: {  	s0 =	stileid.u32;
	s2 =	rddreg [dreg:$0x1]  }
0x3: {  	s3 =	simm.s32 $0x0;
	s9 =	simm.s32 $0x1;
	s10 =	simm.s32 $0x2780  }
0x4: {  	s11 =	simm.s32 $0x4F00;
	s12 =	simm.s32 $0x7680;
	s13 =	simm.s32 $0xC700  }
0x5: {  	s14 =	simm.s32 $0x9E80;
	s15 =	simm.s32 $0x80;
	s16 =	simm.s32 $0x400  }
0x6: {  	s17 =	simm.s32 $0x0;
	s4 =	sand.u32 $0x1, s1;
	s28 =	sshll.u32 s0, $0x1  }
0x7: {  	s29 =	sshrl.u32 s0, $0x2;
	s1 =	rddreg [dreg:$0x2];
	s6 =	sor.u32 s4, s28  }
0x8: {  	[smem:$0x7FF] =	sst s3;
	s7 =	smul.u32 $0x14000, s29;
	s8 =	sshll.u32 s6, $0x7  }
0x9: {  	s4 =	ssub.s32 $0x2, s4;
	s6 =	smul.u32 $0x4E2, s6;
	s8 =	sand.u32 $0x380, s8  }
0xa: {  	_ =	strace $0x80000047;
	s30 =	sshrl.u32 s4, $0x1;
	s7 =	sor.u32 s7, s8  }
0xb: {  	s31 =	ssub.s32 s4, s30;
	s6 =	sadd.s32 s6, s5;
	s7 =	sshrl.u32 s7, $0x3  }
0xc: {  	v1 =	vlaneseq.u32;
	s8 =	smax.u32 s31, $0x1;
	s4 =	sadd.s32 $0xB000, s6;
	s7 =	sadd.s32 s7, s5  }
0xd: {  	v0 =	vimm.f32 $0.0e+00;
	vm0 =	vcmask $0x3F3C;
	v1 =	vor.u32 $0x80000000, v1;
	s5 =	sadd.s32 $0x1200, s6;
	s6 =	sadd.s32 $0x14E00, s6;
	s7 =	sadd.s32 $0x1EC00, s7  }
.LBB2_1:
0xe: {  	[tilespmem:s3], [sflag:$0x1] =	stream.linear.gather [hbm4b:s4+s3], $0x2710, $0x38;
	[tilespmem:$0xC780] =	vst v63  }
0xf: {  	_ =	swait.ge [sflag:s9], $0x2710  }
0x10: {  	[sflag:s9] =	ssyncset.done $0x0  }
0x11: {  	[sflag:s9] =	ssyncadd.s32 $0xFFFFD8F0  }
0x12: {  	[tilespmem:s10], [sflag:$0x1] =	stream.linear.gather [hbm4b:s5+s3], $0x2710, $0x38;
	[tilespmem:$0xC780] =	vst v63  }
0x13: {  	_ =	swait.ge [sflag:s9], $0x2710  }
0x14: {  	[sflag:s9] =	ssyncset.done $0x0  }
0x15: {  	[sflag:s9] =	ssyncadd.s32 $0xFFFFD8F0  }
0x16: {  	[tilespmem:s11], [sflag:$0x1] =	stream.linear.gather [hbm4b:s6+s3], $0x2710, $0x38;
	[tilespmem:$0xC780] =	vst v63  }
0x17: {  	_ =	swait.ge [sflag:s9], $0x2710  }
0x18: {  	[sflag:s9] =	ssyncset.done $0x0  }
0x19: {  	[sflag:s9] =	ssyncadd.s32 $0xFFFFD8F0  }
0x1a: {  	[tilespmem:s12], [sflag:$0x1] =	stream.linear.gather [hbm4b:s2+s3], $0x2800, $0x38;
	[tilespmem:$0xC780] =	vst v63  }
0x1b: {  	_ =	swait.ge [sflag:s9], $0x2800  }
0x1c: {  	[sflag:s9] =	ssyncset.done $0x0  }
0x1d: {  	s18 =	simm.s32 $0x0;
	[sflag:s9] =	ssyncadd.s32 $0xFFFFD800  }
.LBB2_2:
0x1e: {  	p0 =	sne.s32 s18, $0x9FC0  }
.Ltmp0:
0x1f: {  	_ = 	snop;
	(pc) =	sbr.rel @p0 .LBB2_2-.Ltmp0, $3  }
0x20: {  	_ =	sdelay $0x1  }
0x21: {  	s19 =	sshra.s32 s18, $0x2  }
0x22: {  	s18 =	sadd.s32 $0x40, s18;
	[tilespmem:s19+$0x9E80] =	vst v0  }
0x23: {  	s18 =	simm.s32 $0x0  }
.LBB2_4:
0x24: {  	s19 =	sshra.s32 s18, $0x2  }
0x25: {  	v2 =	vld [tilespmem:s19+$0x0];
	_ =	sdelay $0x6  }
0x26: {  	v3 =	vld [tilespmem:s19+$0x4F00]  }
0x27: {  	v2 =	vld.idx.msk [tilespmem:v2+s12+$0x0], $0xffff  }
0x28: {  	v4 =	vld [tilespmem:s19+$0x2780];
	_ =	sdelay $0x3  }
0x29: {  	v2 =	vmul.f32 v2, v3  }
0x2a: {  	v3 =	vxor.u32 $0x80000000, v4  }
0x2b: {  	(xrf1) =	vsort.ascd.msk.u32 $0xffff, v3, v2;
	_ =	sdelay $0xd  }
0x2c: {  	v2, v3, _ =	vpop (xrf1)  }
0x2d: {  	v2 =	vxor.u32 $0x80000000, v2  }
0x2e: {  	[tilespmem:$0xC688] =	vst v2  }
0x2f: {  	v62 =	vld [tilespmem:$0xC687];
	_ =	sdelay $0x4  }
0x30: {  	vm1 =	veq.s32 v2, v62  }
0x31: {  	v4 =	vsel vm1, $0x80000000, v1  }
0x32: {  	(xrf0) =	vmax.scan.msk.u32 $0xffff, v4;
	_ =	sdelay $0x1  }
0x33: {  	(xrf2) =	vadd.scan.msk.f32 $0xffff, v3;
	_ =	sdelay $0x3  }
0x34: {  	v3, _, _ =	vpop (xrf0)  }
0x35: {  	v63 =	vadd.s32 $0x7FFFFFFF, v3  }
0x36: {  	vm1 =	vgt.s32 v63, $0x0  }
0x37: {  	v4 =	vnsel vm1, $0x0, v63  }
0x38: {  	v5 =	vld [tilespmem:$0xC689];
	_ =	sdelay $0x1  }
0x39: {  	v6, _, _ =	vpop (xrf2)  }
0x3a: {  	[tilespmem:$0xC700] =	vst v6  }
0x3b: {  	v4 =	vld.idx.msk [tilespmem:v4+s13+$0x0], $0xffff  }
0x3c: {  	vm1 =	vne.s32 v2, v5  }
0x3d: {  	vm1 =	vmor vm1, vm0  }
0x3e: {  	p0 =	sne.s32 s18, $0x9C00  }
.Ltmp1:
0x3f: {  	vm2 =	veq.s32 v3, $0x80000000;
	(pc) =	sbr.rel @p0 .LBB2_4-.Ltmp1, $3  }
0x40: {  	v3 =	vsel vm2, $0x0, v4  }
0x41: {  	v3 =	vsub.f32 v6, v3;
	_ =	sdelay $0x1  }
0x42: {  	s18 =	sadd.s32 $0x40, s18;
	[tilespmem:v2+s14+$0x0] =	vst.idx.add.f32.msk vm1, v3  }
0x43: {  	s17 =	sadd.s32 $0x1, s17  }
0x44: {  	p0 =	sne.s32 s17, s8  }
.Ltmp2:
0x45: {  	_ = 	snop;
	(pc) =	sbr.rel @p0 .LBB2_1-.Ltmp2, $4  }
0x46: {  	[hbm4b:s7+s15] =	stream.strided.scatter [tilespmem:s14], [sflag:$0x1], $0x2800, s16, s15, $0x38;
	[tilespmem:$0xC780] =	vst v63  }
0x47: {  	_ =	swait.ge [sflag:s9], $0x2800  }
0x48: {  	[sflag:s9] =	ssyncset.done $0x0  }
0x49: {  	[sflag:s9] =	ssyncadd.s32 $0xFFFFD800  }
0x4a: {  	_ =	sfence.sel $0x180000  }
0x4b: {  	[bflag:$0x0] =	sbarrier.arrive $0xFFFF  }
0x4c: {  	p0 =	sne.s32 s0, $0x0;
	_ =	strace $0x90000047  }
0x4d: {  	s0 =	sadd.s32 @!p0 $0x100000, s1;
	[bflag:$0x2] =	sbarrier.arrive $0xFFFF  }
0x4e: {  	[sflag:s0] =	ssyncadd.tile.s32 @!p0 $0x1;
	_ =	shalt  }
.Lfunc_end2:
_tile_overlayer_lowered:
.L_overlay_start_2:
0x4f: {  	(tag) =	ssettag $0x2  }
0x50: {  	s0 =	rddreg [dreg:$0x0];
	s2 =	stileid.u32  }
0x51: {  	s1 =	rddreg [dreg:$0x1];
	p0 =	sne.s32 s2, $0x0  }
0x52: {  	s3 =	rddreg [dreg:$0x2];
	[bflag:$0x3] =	sbarrier.arrive $0xFFFF;
	s2 =	simm.s32 @!p0 $0x1C01  }
0x53: {  	[timem:s3], [sflag:s2] =	dma.local @!p0 [hbm:s0], s1  }
0x54: {  	s0 =	simm.s32 @!p0 $0x1  }
0x55: {  	_ =	swait.ge @!p0 [sflag:s0], s1  }
0x56: {  	s1 =	ssub.s32 @!p0 $0x0, s1;
	[sflag:s0] =	ssyncset.done @!p0 $0x0  }
0x57: {  	[sflag:s0] =	ssyncadd.s32 @!p0 s1  }
0x58: {  	[bflag:$0x3] =	sbarrier.arrive $0xFFFF  }
0x59: {  	_ =	shalt  }

</sc_bundles>
